<compile_context>
chip_gen: v7x
topology: tpu7x:2x2x1
jax: 0.10.2.dev20260603
libtpu: 0.0.44.dev20260713+nightly
codegen_flags: <defaults>
</compile_context>

<pallas_src>
import functools
import jax
import jax.numpy as jnp
from jax import lax
from jax.experimental import pallas as pl
from jax.experimental.pallas import tpu as pltpu
from jax.experimental.pallas import tpu_sc as plsc

N = 10000
E = 320000
C = 128
M = 16
OUT = 16

NW = 32
CH = 128
N_CHUNKS = 80
EPW = N_CHUNKS * CH
E_PAD = NW * EPW
CHUNKS_PER_PAIR = 160
CHUNKS_C0 = 80
KREP = 4
CM = C + M
ROWS_PER_TILE = 640
N_PAD = 16 * ROWS_PER_TILE

BE = 512
NB = 400

_SELU_A = 1.6732632423543772
_SELU_S = 1.0507009873554805


def _selu(x):
    return _SELU_S * jnp.where(
        x > 0.0, x, _SELU_A * (jnp.exp(jnp.minimum(x, 0.0)) - 1.0))


def _sigmoid(x):
    return 1.0 / (1.0 + jnp.exp(-x))


def _node_body(nc_ref, wl_ref, bl_ref, wr_ref, br_ref, xl_ref, xr_ref):
    nc = nc_ref[...]
    xl_ref[...] = jnp.dot(nc, wl_ref[...], preferred_element_type=jnp.float32) + bl_ref[...]
    xr_ref[...] = jnp.dot(nc, wr_ref[...], preferred_element_type=jnp.float32) + br_ref[...]


def _node_transform(nc, Wl, bl, Wr, br):
    grid = N // NB
    return pl.pallas_call(
        _node_body,
        grid=(grid,),
        in_specs=[
            pl.BlockSpec((NB, C), lambda i: (i, 0)),
            pl.BlockSpec((C, C), lambda i: (0, 0)),
            pl.BlockSpec((1, C), lambda i: (0, 0)),
            pl.BlockSpec((C, C), lambda i: (0, 0)),
            pl.BlockSpec((1, C), lambda i: (0, 0)),
        ],
        out_specs=[
            pl.BlockSpec((NB, C), lambda i: (i, 0)),
            pl.BlockSpec((NB, C), lambda i: (i, 0)),
        ],
        out_shape=[
            jax.ShapeDtypeStruct((N, C), jnp.float32),
            jax.ShapeDtypeStruct((N, C), jnp.float32),
        ],
    )(nc, Wl, bl.reshape(1, C), Wr, br.reshape(1, C))


def _sc_gather_body(t_hbm, src_hbm, dst_hbm, dep_hbm,
                    s_hbm,
                    idx_sa, idx_da, idx_sb, idx_db,
                    rl_a, rr_a, rl_b, rr_b, out_a, out_b,
                    gla, gra, glb, grb, wsa, wsb):
    cid = lax.axis_index("c")
    sid = lax.axis_index("s")
    nch = jnp.where(cid == 0, CHUNKS_C0, CHUNKS_PER_PAIR - CHUNKS_C0)
    wbase = (sid * CHUNKS_PER_PAIR + cid * CHUNKS_C0) * CH
    rep = (sid * 2 + cid) % KREP
    off_l = rep * (2 * N)
    off_r = off_l + N

    def fire(c, idx_s, idx_d, rl, rr, gl, gr):
        base = wbase + c * CH
        pltpu.sync_copy(src_hbm.at[pl.ds(base, CH)], idx_s)
        pltpu.sync_copy(dst_hbm.at[pl.ds(base, CH)], idx_d)
        for j in range(CH // 16):
            sl = pl.ds(j * 16, 16)
            idx_s[sl] = idx_s[sl] + off_l
            idx_d[sl] = idx_d[sl] + off_r
        pltpu.async_copy(t_hbm.at[idx_s], rl, gl)
        pltpu.async_copy(t_hbm.at[idx_d], rr, gr)

    def wait_gathers(idx_s, idx_d, rl, rr, gl, gr):
        pltpu.make_async_copy(t_hbm.at[idx_s], rl, gl).wait()
        pltpu.make_async_copy(t_hbm.at[idx_d], rr, gr).wait()

    def compute(rl, rr, ob):
        def row_body(r, rc):
            for j in range(C // 16):
                sl = pl.ds(j * 16, 16)
                ob[r, sl] = rl[r, sl] + rr[r, sl]
            return rc

        lax.fori_loop(0, CH, row_body, 0, unroll=False)

    def write(c, ob, ws):
        base = wbase + c * CH
        pltpu.async_copy(ob, s_hbm.at[pl.ds(base, CH)], ws)

    def wait_write(c, ob, ws):
        base = wbase + c * CH
        pltpu.make_async_copy(ob, s_hbm.at[pl.ds(base, CH)], ws).wait()

    fire(0, idx_sa, idx_da, rl_a, rr_a, gla, gra)

    def pair_body(t, carry):
        ca = 2 * t
        cb = 2 * t + 1
        fire(cb, idx_sb, idx_db, rl_b, rr_b, glb, grb)
        wait_gathers(idx_sa, idx_da, rl_a, rr_a, gla, gra)

        @pl.when(t > 0)
        def _():
            wait_write(ca - 2, out_a, wsa)

        compute(rl_a, rr_a, out_a)
        write(ca, out_a, wsa)

        @pl.when(t < nch // 2 - 1)
        def _():
            fire(ca + 2, idx_sa, idx_da, rl_a, rr_a, gla, gra)

        wait_gathers(idx_sb, idx_db, rl_b, rr_b, glb, grb)

        @pl.when(t > 0)
        def _():
            wait_write(cb - 2, out_b, wsb)

        compute(rl_b, rr_b, out_b)
        write(cb, out_b, wsb)
        return carry

    lax.fori_loop(0, nch // 2, pair_body, 0, unroll=False)
    wait_write(nch - 2, out_a, wsa)
    wait_write(nch - 1, out_b, wsb)


def _sc_gather(tbl, src_p, dst_p, dep):
    mesh = plsc.VectorSubcoreMesh(core_axis_name="c", subcore_axis_name="s")
    f = functools.partial(
        pl.kernel,
        mesh=mesh,
        out_type=jax.ShapeDtypeStruct((E_PAD, C), jnp.float32),
        scratch_types=[
            pltpu.VMEM((CH,), jnp.int32),
            pltpu.VMEM((CH,), jnp.int32),
            pltpu.VMEM((CH,), jnp.int32),
            pltpu.VMEM((CH,), jnp.int32),
            pltpu.VMEM((CH, C), jnp.float32),
            pltpu.VMEM((CH, C), jnp.float32),
            pltpu.VMEM((CH, C), jnp.float32),
            pltpu.VMEM((CH, C), jnp.float32),
            pltpu.VMEM((CH, C), jnp.float32),
            pltpu.VMEM((CH, C), jnp.float32),
            pltpu.SemaphoreType.DMA,
            pltpu.SemaphoreType.DMA,
            pltpu.SemaphoreType.DMA,
            pltpu.SemaphoreType.DMA,
            pltpu.SemaphoreType.DMA,
            pltpu.SemaphoreType.DMA,
        ],
        compiler_params=pltpu.CompilerParams(use_tc_tiling_on_sc=True),
    )(_sc_gather_body)
    return f(tbl, src_p, dst_p, dep)


def _sc_gather_mj_body(mt_hbm, src_hbm, mj_hbm,
                       idx_a, idx_b, buf_a, buf_b,
                       ga, gb, wa, wb):
    info = plsc.get_sparse_core_info()
    nc_ = info.num_cores
    wid = lax.axis_index("s") * nc_ + lax.axis_index("c")
    wbase = wid * EPW

    def fire(c, idx, buf, g):
        base = wbase + c * CH
        pltpu.sync_copy(src_hbm.at[pl.ds(base, CH)], idx)
        pltpu.async_copy(mt_hbm.at[idx], buf, g)

    def wait_gather(idx, buf, g):
        pltpu.make_async_copy(mt_hbm.at[idx], buf, g).wait()

    def write(c, buf, w):
        base = wbase + c * CH
        pltpu.async_copy(buf, mj_hbm.at[pl.ds(base, CH)], w)

    def wait_write(c, buf, w):
        base = wbase + c * CH
        pltpu.make_async_copy(buf, mj_hbm.at[pl.ds(base, CH)], w).wait()

    def pair_body(t, carry):
        ca = 2 * t
        cb = 2 * t + 1

        @pl.when(t > 0)
        def _():
            wait_write(ca - 2, buf_a, wa)

        fire(ca, idx_a, buf_a, ga)

        @pl.when(t > 0)
        def _():
            wait_write(cb - 2, buf_b, wb)

        fire(cb, idx_b, buf_b, gb)
        wait_gather(idx_a, buf_a, ga)
        write(ca, buf_a, wa)
        wait_gather(idx_b, buf_b, gb)
        write(cb, buf_b, wb)
        return carry

    lax.fori_loop(0, N_CHUNKS // 2, pair_body, 0, unroll=False)
    wait_write(N_CHUNKS - 2, buf_a, wa)
    wait_write(N_CHUNKS - 1, buf_b, wb)


def _sc_gather_mj(metrics, src_p):
    mesh = plsc.VectorSubcoreMesh(core_axis_name="c", subcore_axis_name="s")
    f = functools.partial(
        pl.kernel,
        mesh=mesh,
        out_type=jax.ShapeDtypeStruct((E_PAD, M), jnp.float32),
        scratch_types=[
            pltpu.VMEM((CH,), jnp.int32),
            pltpu.VMEM((CH,), jnp.int32),
            pltpu.VMEM((CH, M), jnp.float32),
            pltpu.VMEM((CH, M), jnp.float32),
            pltpu.SemaphoreType.DMA,
            pltpu.SemaphoreType.DMA,
            pltpu.SemaphoreType.DMA,
            pltpu.SemaphoreType.DMA,
        ],
        compiler_params=pltpu.CompilerParams(use_tc_tiling_on_sc=False),
    )(_sc_gather_mj_body)
    return f(metrics, src_p)


def _edge_body(s_ref, m_ref, att_ref, w1c_ref, w1m_ref, b1_ref, w2_ref, b2_ref,
               g_ref):
    i = pl.program_id(0)
    s = s_ref[...]
    ctx = _selu(s)
    m = m_ref[...]
    mz = jnp.all(m == 0.0, axis=1, keepdims=True)
    ctx = jnp.where(mz, 0.0, ctx)
    alpha = jnp.sum(ctx * att_ref[...], axis=1, keepdims=True)
    eid = i * BE + lax.broadcasted_iota(jnp.int32, (BE, 1), 0)
    nz = (alpha != 0.0) & (eid < E)
    w = jnp.where(nz, jnp.exp(alpha), 0.0)
    h1 = jnp.dot(ctx, w1c_ref[...], preferred_element_type=jnp.float32)
    h1 = h1 + jnp.dot(m, w1m_ref[...], preferred_element_type=jnp.float32)
    h1 = _selu(h1 + b1_ref[...])
    h2 = _selu(jnp.dot(h1, w2_ref[...], preferred_element_type=jnp.float32) + b2_ref[...])
    g_ref[...] = jnp.concatenate(
        [h2 * w, w, jnp.zeros((BE, 32 - OUT - 1), jnp.float32)], axis=1)


def _edge_mlp(s, mj, att, W1cp, W1mp, b1p, W2p, b2):
    grid = E_PAD // BE
    return pl.pallas_call(
        _edge_body,
        grid=(grid,),
        in_specs=[
            pl.BlockSpec((BE, C), lambda i: (i, 0)),
            pl.BlockSpec((BE, M), lambda i: (i, 0)),
            pl.BlockSpec((1, C), lambda i: (0, 0)),
            pl.BlockSpec((C, C), lambda i: (0, 0)),
            pl.BlockSpec((M, C), lambda i: (0, 0)),
            pl.BlockSpec((1, C), lambda i: (0, 0)),
            pl.BlockSpec((C, OUT), lambda i: (0, 0)),
            pl.BlockSpec((1, OUT), lambda i: (0, 0)),
        ],
        out_specs=pl.BlockSpec((BE, 32), lambda i: (i, 0)),
        out_shape=jax.ShapeDtypeStruct((E_PAD, 32), jnp.float32),
        compiler_params=pltpu.CompilerParams(
            dimension_semantics=("arbitrary",)),
    )(s, mj, att, W1cp, W1mp, b1p, W2p, b2)


def _sc_scatter_body(g_hbm, dst_hbm, part_hbm,
                     idx_d, rows_g, zrows, acc):
    info = plsc.get_sparse_core_info()
    nc_ = info.num_cores
    cid = lax.axis_index("c")
    sid = lax.axis_index("s")
    wid = sid * nc_ + cid

    z16 = jnp.zeros((16,), jnp.float32)

    def zero_body(r, carry):
        zrows[r, pl.ds(0, 16)] = z16
        zrows[r, pl.ds(16, 16)] = z16
        return carry

    lax.fori_loop(0, ROWS_PER_TILE, zero_body, 0, unroll=False)
    pltpu.sync_copy(zrows, acc.at[pl.ds(sid * ROWS_PER_TILE, ROWS_PER_TILE)])
    plsc.subcore_barrier()

    def chunk_body(c, carry):
        base = wid * EPW + c * CH
        pltpu.sync_copy(dst_hbm.at[pl.ds(base, CH)], idx_d)
        pltpu.sync_copy(g_hbm.at[pl.ds(base, CH)], rows_g)
        pltpu.sync_copy(rows_g, acc.at[idx_d], add=True)
        return carry

    lax.fori_loop(0, N_CHUNKS, chunk_body, 0, unroll=False)
    plsc.subcore_barrier()

    pltpu.sync_copy(acc.at[pl.ds(sid * ROWS_PER_TILE, ROWS_PER_TILE)],
                    zrows)
    pltpu.sync_copy(zrows,
                    part_hbm.at[cid, pl.ds(sid * ROWS_PER_TILE, ROWS_PER_TILE)])


def _sc_scatter(g, dst_p):
    mesh = plsc.VectorSubcoreMesh(core_axis_name="c", subcore_axis_name="s")
    f = functools.partial(
        pl.kernel,
        mesh=mesh,
        out_type=jax.ShapeDtypeStruct((2, N_PAD, 32), jnp.float32),
        scratch_types=[
            pltpu.VMEM((CH,), jnp.int32),
            pltpu.VMEM((CH, 32), jnp.float32),
            pltpu.VMEM((ROWS_PER_TILE, 32), jnp.float32),
            pltpu.VMEM_SHARED((N_PAD, 32), jnp.float32),
        ],
        compiler_params=pltpu.CompilerParams(use_tc_tiling_on_sc=False),
    )(_sc_scatter_body)
    return f(g, dst_p)


def _final_body(p_ref, sm_ref, bias_ref, o_ref):
    t = p_ref[0] + p_ref[1]
    num = t[:, :OUT]
    den = t[:, OUT:OUT + 1]
    q = num / (den + 1e-16)
    ov = jnp.all(q == 0.0, axis=1, keepdims=True)
    o_ref[...] = jnp.where(ov, sm_ref[...], _sigmoid(q + bias_ref[...]))


def _finalize(parts, stage_metrics, bias):
    grid = N // NB
    return pl.pallas_call(
        _final_body,
        grid=(grid,),
        in_specs=[
            pl.BlockSpec((2, NB, 32), lambda i: (0, i, 0)),
            pl.BlockSpec((NB, M), lambda i: (i, 0)),
            pl.BlockSpec((1, OUT), lambda i: (0, 0)),
        ],
        out_specs=pl.BlockSpec((NB, OUT), lambda i: (i, 0)),
        out_shape=jax.ShapeDtypeStruct((N, OUT), jnp.float32),
    )(parts, stage_metrics, bias)


def kernel(edge_index, stage_start_scale_out_vec, stage_end_scale_out_vec,
           context, stage_metrics, Wl, bl, Wr, br, W1, b1, W2, b2, att, bias):
    nc = jnp.concatenate(
        [stage_start_scale_out_vec, context, stage_end_scale_out_vec], axis=-1)
    pad = E_PAD - E
    src_p = jnp.concatenate([edge_index[0], jnp.zeros((pad,), jnp.int32)])
    dst_p = jnp.concatenate([edge_index[1], jnp.zeros((pad,), jnp.int32)])

    mj = _sc_gather_mj(stage_metrics, src_p)
    xl, xr = _node_transform(nc, Wl, bl, Wr, br)
    tbl = jnp.concatenate([xl, xr] * KREP, axis=0)
    s = _sc_gather(tbl, src_p, dst_p, mj)

    HID = W1.shape[1]
    W1cp = jnp.zeros((C, C), jnp.float32).at[:, :HID].set(W1[:C])
    W1mp = jnp.zeros((M, C), jnp.float32).at[:, :HID].set(W1[C:])
    b1p = jnp.zeros((1, C), jnp.float32).at[0, :HID].set(b1)
    W2p = jnp.zeros((C, OUT), jnp.float32).at[:HID].set(W2)

    g = _edge_mlp(s, mj, att, W1cp, W1mp, b1p, W2p, b2.reshape(1, OUT))
    parts = _sc_scatter(g, dst_p)
    return _finalize(parts, stage_metrics, bias.reshape(1, OUT))

# --- scband reference (transcript-rebuilt; emitter-appended) ---
"""Pipeline reference for scband-metric-conv-953482740316 (READ-ONLY COPY).

The authoritative reference and input builder live on the scoring server;
editing this copy changes nothing except your own understanding.
"""

import jax, jax.numpy as jnp
import numpy as np

N = 10000
E = 320000
C = 128
M = 16
OUT = 16
HID = (C + M) // 2


def setup_inputs(seed: int = 0):
    key = jax.random.key(seed)
    ks = jax.random.split(key, 16)
    return {
        'edge_index': jax.random.randint(ks[0], (2, E), 0, N, dtype=jnp.int32),
        'stage_start_scale_out_vec': jax.random.normal(ks[1], (N, 32), dtype=jnp.float32),
        'stage_end_scale_out_vec': jax.random.normal(ks[2], (N, 32), dtype=jnp.float32),
        'context': jax.random.normal(ks[3], (N, 64), dtype=jnp.float32),
        'stage_metrics': jax.random.normal(ks[4], (N, M), dtype=jnp.float32),
        'Wl': jax.random.normal(ks[5], (C, C), dtype=jnp.float32) * (2.0 / C) ** 0.5,
        'bl': jnp.zeros((C,), dtype=jnp.float32),
        'Wr': jax.random.normal(ks[6], (C, C), dtype=jnp.float32) * (2.0 / C) ** 0.5,
        'br': jnp.zeros((C,), dtype=jnp.float32),
        'W1': jax.random.normal(ks[7], (C + M, HID), dtype=jnp.float32) * (1.0 / (C + M)) ** 0.5,
        'b1': jnp.zeros((HID,), dtype=jnp.float32),
        'W2': jax.random.normal(ks[8], (HID, OUT), dtype=jnp.float32) * (1.0 / HID) ** 0.5,
        'b2': jnp.zeros((OUT,), dtype=jnp.float32),
        'att': jax.random.normal(ks[9], (1, C), dtype=jnp.float32) * (2.0 / (1 + C)) ** 0.5,
        'bias': jnp.zeros((1, OUT), dtype=jnp.float32),
    }


def reference(edge_index, stage_start_scale_out_vec, stage_end_scale_out_vec, context,
              stage_metrics, Wl, bl, Wr, br, W1, b1, W2, b2, att, bias):
    # new_context = cat([start, context, end], -1)
    new_context = jnp.concatenate([stage_start_scale_out_vec, context, stage_end_scale_out_vec], axis=-1)
    new_context_l = new_context @ Wl + bl
    new_context_r = new_context @ Wr + br
    src = edge_index[0]
    dst = edge_index[1]
    # PyG pair semantics: context_j = x_l[src], context_i = x_r[dst]
    context_j = jnp.take(new_context_l, src, axis=0)
    context_i = jnp.take(new_context_r, dst, axis=0)
    metrics_j = jnp.take(stage_metrics, src, axis=0)
    # message
    ctx = jax.nn.selu(context_i + context_j)
    mz = jnp.all(metrics_j == 0, axis=1)
    ctx = jnp.where(mz[:, None], 0.0, ctx)
    alpha = jnp.sum(ctx * att, axis=-1)
    # metric_dropout = 0.0 -> identity
    nz = alpha != 0
    masked = jnp.where(nz, alpha, -jnp.inf)
    seg_max = jax.ops.segment_max(masked, dst, num_segments=N)
    seg_max = jnp.where(jnp.isfinite(seg_max), seg_max, 0.0)
    ex = jnp.where(nz, jnp.exp(alpha - jnp.take(seg_max, dst)), 0.0)
    denom = jax.ops.segment_sum(ex, dst, num_segments=N)
    alpha_sm = jnp.where(nz, ex / (jnp.take(denom, dst) + 1e-16), 0.0)
    h = jnp.concatenate([ctx, metrics_j], axis=-1)
    h = jax.nn.selu(h @ W1 + b1)
    h = jax.nn.selu(h @ W2 + b2)
    h = jnp.where(nz[:, None], h, 0.0)
    msg = h * alpha_sm[:, None]
    # aggregate: add
    out = jax.ops.segment_sum(msg, dst, num_segments=N)
    overwrite = jnp.all(out == 0, axis=1)
    out = jnp.where(overwrite[:, None], stage_metrics, jax.nn.sigmoid(out + bias))
    return out

if __name__ == "__main__":
    import jax
    _d = setup_inputs()
    print(jax.jit(kernel)(*tuple(_d.values())))

</pallas_src>

<mosaic_0001>
#map = affine_map<(d0, d1) -> (0, 0)>
#map1 = affine_map<(d0, d1) -> (0)>
module attributes {stable_mosaic.version = 14 : i64} {
  func.func @_sc_gather_mj_body(%arg0: i32, %arg1: i32, %arg2: memref<10000x16xf32, #tpu.memory_space<hbm>>, %arg3: memref<327680xi32, #tpu.memory_space<hbm>>, %arg4: memref<327680x16xf32, #tpu.memory_space<hbm>>, %arg5: memref<128xi32, #tpu.memory_space<vmem>>, %arg6: memref<128xi32, #tpu.memory_space<vmem>>, %arg7: memref<128x16xf32, #tpu.memory_space<vmem>>, %arg8: memref<128x16xf32, #tpu.memory_space<vmem>>, %arg9: memref<!tpu.dma_semaphore, #tpu.memory_space<semaphore_mem>>, %arg10: memref<!tpu.dma_semaphore, #tpu.memory_space<semaphore_mem>>, %arg11: memref<!tpu.dma_semaphore, #tpu.memory_space<semaphore_mem>>, %arg12: memref<!tpu.dma_semaphore, #tpu.memory_space<semaphore_mem>>) attributes {dimension_semantics = [#tpu.dimension_semantics<core_parallel>, #tpu.dimension_semantics<subcore_parallel>], iteration_bounds = array<i64: 2, 16>, scalar_prefetch = 0 : i64, scratch_operands = 8 : i64, tpu.core_type = #tpu.core_type<sc_vector_subcore>, window_params = [{transform_indices = #map}, {transform_indices = #map1}, {transform_indices = #map}]} {
    %mul3A = arith.constant 2 : i32
    %mul3A_0 = arith.muli %arg1, %mul3A : i32
    %add3A = arith.addi %mul3A_0, %arg0 : i32
    %mul3A_1 = arith.constant 10240 : i32
    %mul3A_2 = arith.muli %add3A, %mul3A_1 : i32
    %scan3A = arith.constant 0 : i32
    %scan3A_3 = arith.constant 0 : i32
    %scan3A_4 = arith.constant 40 : i32
    %scan3A_5 = arith.addi %scan3A_3, %scan3A_4 : i32
    %scan3A_6 = arith.constant 1 : i32
    scf.for %scan3A_19 = %scan3A_3 to %scan3A_5 step %scan3A_6  : i32 {
      %mul3A_20 = arith.constant 2 : i32
      %mul3A_21 = arith.muli %mul3A_20, %scan3A_19 : i32
      %mul3A_22 = arith.constant 2 : i32
      %mul3A_23 = arith.muli %mul3A_22, %scan3A_19 : i32
      %add3A_24 = arith.constant 1 : i32
      %add3A_25 = arith.addi %mul3A_23, %add3A_24 : i32
      %gt3A = arith.constant 0 : i32
      %gt3A_26 = arith.cmpi sgt, %scan3A_19, %gt3A : i32
      %convert_element_type3A = arith.extui %gt3A_26 : i1 to i32
      %cond3A = arith.constant 0 : i32
      %cond3A_27 = arith.cmpi ne, %convert_element_type3A, %cond3A : i32
      scf.if %cond3A_27 {
        %sub3A = arith.constant 2 : i32
        %sub3A_64 = arith.subi %mul3A_21, %sub3A : i32
        %mul3A_65 = arith.constant 128 : i32
        %mul3A_66 = arith.muli %sub3A_64, %mul3A_65 : i32
        %add3A_67 = arith.addi %mul3A_2, %mul3A_66 : i32
        %dma_wait3A_68 = arith.constant 0 : i32
        %dma_wait3A_69 = tpu.memref_slice %arg4[%add3A_67, %dma_wait3A_68] : memref<327680x16xf32, #tpu.memory_space<hbm>> -> memref<128x16xf32, #tpu.memory_space<hbm>>
        %dma_wait3A_70 = arith.constant 0 : i32
        %dma_wait3A_71 = tpu.memref_slice %arg4[%add3A_67, %dma_wait3A_70] : memref<327680x16xf32, #tpu.memory_space<hbm>> -> memref<128x16xf32, #tpu.memory_space<hbm>>
        tpu.wait_dma2 semaphore(%arg11 : memref<!tpu.dma_semaphore, #tpu.memory_space<semaphore_mem>>) src(%arg7 : memref<128x16xf32, #tpu.memory_space<vmem>>) dst(%dma_wait3A_71 : memref<128x16xf32, #tpu.memory_space<hbm>>)
      } else {
      }
      %mul3A_28 = arith.constant 128 : i32
      %mul3A_29 = arith.muli %mul3A_21, %mul3A_28 : i32
      %add3A_30 = arith.addi %mul3A_2, %mul3A_29 : i32
      "tpu.region"() ({
        %run_scoped3A = tpu.sem_alloc : memref<!tpu.dma_semaphore, #tpu.memory_space<semaphore_mem>>
        %dma_start3A_64 = tpu.memref_slice %arg3[%add3A_30] : memref<327680xi32, #tpu.memory_space<hbm>> -> memref<128xi32, #tpu.memory_space<hbm>>
        %dma_start3A_65 = tpu.memref_slice %arg3[%add3A_30] : memref<327680xi32, #tpu.memory_space<hbm>> -> memref<128xi32, #tpu.memory_space<hbm>>
        tpu.enqueue_dma source(%dma_start3A_65 : memref<128xi32, #tpu.memory_space<hbm>>) target(%arg5 : memref<128xi32, #tpu.memory_space<vmem>>) target_semaphore(%run_scoped3A : memref<!tpu.dma_semaphore, #tpu.memory_space<semaphore_mem>>)
        %dma_wait3A_66 = tpu.memref_slice %arg3[%add3A_30] : memref<327680xi32, #tpu.memory_space<hbm>> -> memref<128xi32, #tpu.memory_space<hbm>>
        %dma_wait3A_67 = tpu.memref_slice %arg3[%add3A_30] : memref<327680xi32, #tpu.memory_space<hbm>> -> memref<128xi32, #tpu.memory_space<hbm>>
        tpu.wait_dma2 semaphore(%run_scoped3A : memref<!tpu.dma_semaphore, #tpu.memory_space<semaphore_mem>>) src(%dma_wait3A_67 : memref<128xi32, #tpu.memory_space<hbm>>) dst(%arg5 : memref<128xi32, #tpu.memory_space<vmem>>)
        tpu.yield
      }) : () -> ()
      %dma_start3A = arith.constant 0 : i32
      %dma_start3A_31 = arith.constant 0 : i32
      %dma_start3A_32 = tpu.memref_slice %arg2[%dma_start3A, %dma_start3A_31] : memref<10000x16xf32, #tpu.memory_space<hbm>> -> memref<10000x16xf32, #tpu.memory_space<hbm>>
      tpu.enqueue_indirect_dma source(%dma_start3A_32 : memref<10000x16xf32, #tpu.memory_space<hbm>>) target(%arg7 : memref<128x16xf32, #tpu.memory_space<vmem>>) offsets(%arg5 : memref<128xi32, #tpu.memory_space<vmem>>) semaphore(%arg9 : memref<!tpu.dma_semaphore, #tpu.memory_space<semaphore_mem>>)
      %gt3A_33 = arith.constant 0 : i32
      %gt3A_34 = arith.cmpi sgt, %scan3A_19, %gt3A_33 : i32
      %convert_element_type3A_35 = arith.extui %gt3A_34 : i1 to i32
      %cond3A_36 = arith.constant 0 : i32
      %cond3A_37 = arith.cmpi ne, %convert_element_type3A_35, %cond3A_36 : i32
      scf.if %cond3A_37 {
        %sub3A = arith.constant 2 : i32
        %sub3A_64 = arith.subi %add3A_25, %sub3A : i32
        %mul3A_65 = arith.constant 128 : i32
        %mul3A_66 = arith.muli %sub3A_64, %mul3A_65 : i32
        %add3A_67 = arith.addi %mul3A_2, %mul3A_66 : i32
        %dma_wait3A_68 = arith.constant 0 : i32
        %dma_wait3A_69 = tpu.memref_slice %arg4[%add3A_67, %dma_wait3A_68] : memref<327680x16xf32, #tpu.memory_space<hbm>> -> memref<128x16xf32, #tpu.memory_space<hbm>>
        %dma_wait3A_70 = arith.constant 0 : i32
        %dma_wait3A_71 = tpu.memref_slice %arg4[%add3A_67, %dma_wait3A_70] : memref<327680x16xf32, #tpu.memory_space<hbm>> -> memref<128x16xf32, #tpu.memory_space<hbm>>
        tpu.wait_dma2 semaphore(%arg12 : memref<!tpu.dma_semaphore, #tpu.memory_space<semaphore_mem>>) src(%arg8 : memref<128x16xf32, #tpu.memory_space<vmem>>) dst(%dma_wait3A_71 : memref<128x16xf32, #tpu.memory_space<hbm>>)
      } else {
      }
      %mul3A_38 = arith.constant 128 : i32
      %mul3A_39 = arith.muli %add3A_25, %mul3A_38 : i32
      %add3A_40 = arith.addi %mul3A_2, %mul3A_39 : i32
      "tpu.region"() ({
        %run_scoped3A = tpu.sem_alloc : memref<!tpu.dma_semaphore, #tpu.memory_space<semaphore_mem>>
        %dma_start3A_64 = tpu.memref_slice %arg3[%add3A_40] : memref<327680xi32, #tpu.memory_space<hbm>> -> memref<128xi32, #tpu.memory_space<hbm>>
        %dma_start3A_65 = tpu.memref_slice %arg3[%add3A_40] : memref<327680xi32, #tpu.memory_space<hbm>> -> memref<128xi32, #tpu.memory_space<hbm>>
        tpu.enqueue_dma source(%dma_start3A_65 : memref<128xi32, #tpu.memory_space<hbm>>) target(%arg6 : memref<128xi32, #tpu.memory_space<vmem>>) target_semaphore(%run_scoped3A : memref<!tpu.dma_semaphore, #tpu.memory_space<semaphore_mem>>)
        %dma_wait3A_66 = tpu.memref_slice %arg3[%add3A_40] : memref<327680xi32, #tpu.memory_space<hbm>> -> memref<128xi32, #tpu.memory_space<hbm>>
        %dma_wait3A_67 = tpu.memref_slice %arg3[%add3A_40] : memref<327680xi32, #tpu.memory_space<hbm>> -> memref<128xi32, #tpu.memory_space<hbm>>
        tpu.wait_dma2 semaphore(%run_scoped3A : memref<!tpu.dma_semaphore, #tpu.memory_space<semaphore_mem>>) src(%dma_wait3A_67 : memref<128xi32, #tpu.memory_space<hbm>>) dst(%arg6 : memref<128xi32, #tpu.memory_space<vmem>>)
        tpu.yield
      }) : () -> ()
      %dma_start3A_41 = arith.constant 0 : i32
      %dma_start3A_42 = arith.constant 0 : i32
      %dma_start3A_43 = tpu.memref_slice %arg2[%dma_start3A_41, %dma_start3A_42] : memref<10000x16xf32, #tpu.memory_space<hbm>> -> memref<10000x16xf32, #tpu.memory_space<hbm>>
      tpu.enqueue_indirect_dma source(%dma_start3A_43 : memref<10000x16xf32, #tpu.memory_space<hbm>>) target(%arg8 : memref<128x16xf32, #tpu.memory_space<vmem>>) offsets(%arg6 : memref<128xi32, #tpu.memory_space<vmem>>) semaphore(%arg10 : memref<!tpu.dma_semaphore, #tpu.memory_space<semaphore_mem>>)
      %dma_wait3A_44 = arith.constant 0 : i32
      %dma_wait3A_45 = arith.constant 0 : i32
      %dma_wait3A_46 = tpu.memref_slice %arg2[%dma_wait3A_44, %dma_wait3A_45] : memref<10000x16xf32, #tpu.memory_space<hbm>> -> memref<10000x16xf32, #tpu.memory_space<hbm>>
      tpu.wait_indirect_dma semaphore(%arg9 : memref<!tpu.dma_semaphore, #tpu.memory_space<semaphore_mem>>) src(%dma_wait3A_46 : memref<10000x16xf32, #tpu.memory_space<hbm>>) dst(%arg7 : memref<128x16xf32, #tpu.memory_space<vmem>>)
      %mul3A_47 = arith.constant 128 : i32
      %mul3A_48 = arith.muli %mul3A_21, %mul3A_47 : i32
      %add3A_49 = arith.addi %mul3A_2, %mul3A_48 : i32
      %dma_start3A_50 = arith.constant 0 : i32
      %dma_start3A_51 = tpu.memref_slice %arg4[%add3A_49, %dma_start3A_50] : memref<327680x16xf32, #tpu.memory_space<hbm>> -> memref<128x16xf32, #tpu.memory_space<hbm>>
      %dma_start3A_52 = arith.constant 0 : i32
      %dma_start3A_53 = tpu.memref_slice %arg4[%add3A_49, %dma_start3A_52] : memref<327680x16xf32, #tpu.memory_space<hbm>> -> memref<128x16xf32, #tpu.memory_space<hbm>>
      tpu.enqueue_dma source(%arg7 : memref<128x16xf32, #tpu.memory_space<vmem>>) target(%dma_start3A_53 : memref<128x16xf32, #tpu.memory_space<hbm>>) target_semaphore(%arg11 : memref<!tpu.dma_semaphore, #tpu.memory_space<semaphore_mem>>)
      %dma_wait3A_54 = arith.constant 0 : i32
      %dma_wait3A_55 = arith.constant 0 : i32
      %dma_wait3A_56 = tpu.memref_slice %arg2[%dma_wait3A_54, %dma_wait3A_55] : memref<10000x16xf32, #tpu.memory_space<hbm>> -> memref<10000x16xf32, #tpu.memory_space<hbm>>
      tpu.wait_indirect_dma semaphore(%arg10 : memref<!tpu.dma_semaphore, #tpu.memory_space<semaphore_mem>>) src(%dma_wait3A_56 : memref<10000x16xf32, #tpu.memory_space<hbm>>) dst(%arg8 : memref<128x16xf32, #tpu.memory_space<vmem>>)
      %mul3A_57 = arith.constant 128 : i32
      %mul3A_58 = arith.muli %add3A_25, %mul3A_57 : i32
      %add3A_59 = arith.addi %mul3A_2, %mul3A_58 : i32
      %dma_start3A_60 = arith.constant 0 : i32
      %dma_start3A_61 = tpu.memref_slice %arg4[%add3A_59, %dma_start3A_60] : memref<327680x16xf32, #tpu.memory_space<hbm>> -> memref<128x16xf32, #tpu.memory_space<hbm>>
      %dma_start3A_62 = arith.constant 0 : i32
      %dma_start3A_63 = tpu.memref_slice %arg4[%add3A_59, %dma_start3A_62] : memref<327680x16xf32, #tpu.memory_space<hbm>> -> memref<128x16xf32, #tpu.memory_space<hbm>>
      tpu.enqueue_dma source(%arg8 : memref<128x16xf32, #tpu.memory_space<vmem>>) target(%dma_start3A_63 : memref<128x16xf32, #tpu.memory_space<hbm>>) target_semaphore(%arg12 : memref<!tpu.dma_semaphore, #tpu.memory_space<semaphore_mem>>)
    }
    %scan3A_7 = arith.constant 40 : i32
    %add3A_8 = arith.constant 9984 : i32
    %add3A_9 = arith.addi %mul3A_2, %add3A_8 : i32
    %dma_wait3A = arith.constant 0 : i32
    %dma_wait3A_10 = tpu.memref_slice %arg4[%add3A_9, %dma_wait3A] : memref<327680x16xf32, #tpu.memory_space<hbm>> -> memref<128x16xf32, #tpu.memory_space<hbm>>
    %dma_wait3A_11 = arith.constant 0 : i32
    %dma_wait3A_12 = tpu.memref_slice %arg4[%add3A_9, %dma_wait3A_11] : memref<327680x16xf32, #tpu.memory_space<hbm>> -> memref<128x16xf32, #tpu.memory_space<hbm>>
    tpu.wait_dma2 semaphore(%arg11 : memref<!tpu.dma_semaphore, #tpu.memory_space<semaphore_mem>>) src(%arg7 : memref<128x16xf32, #tpu.memory_space<vmem>>) dst(%dma_wait3A_12 : memref<128x16xf32, #tpu.memory_space<hbm>>)
    %add3A_13 = arith.constant 10112 : i32
    %add3A_14 = arith.addi %mul3A_2, %add3A_13 : i32
    %dma_wait3A_15 = arith.constant 0 : i32
    %dma_wait3A_16 = tpu.memref_slice %arg4[%add3A_14, %dma_wait3A_15] : memref<327680x16xf32, #tpu.memory_space<hbm>> -> memref<128x16xf32, #tpu.memory_space<hbm>>
    %dma_wait3A_17 = arith.constant 0 : i32
    %dma_wait3A_18 = tpu.memref_slice %arg4[%add3A_14, %dma_wait3A_17] : memref<327680x16xf32, #tpu.memory_space<hbm>> -> memref<128x16xf32, #tpu.memory_space<hbm>>
    tpu.wait_dma2 semaphore(%arg12 : memref<!tpu.dma_semaphore, #tpu.memory_space<semaphore_mem>>) src(%arg8 : memref<128x16xf32, #tpu.memory_space<vmem>>) dst(%dma_wait3A_18 : memref<128x16xf32, #tpu.memory_space<hbm>>)
    return
  }
}

#map = affine_map<(d0, d1) -> (0, 0)>
#map1 = affine_map<(d0, d1) -> (0)>
module attributes {stable_mosaic.version = 14 : i64} {
  func.func @_sc_gather_body(%arg0: i32, %arg1: i32, %arg2: memref<80000x128xf32, #tpu.memory_space<hbm>>, %arg3: memref<327680xi32, #tpu.memory_space<hbm>>, %arg4: memref<327680xi32, #tpu.memory_space<hbm>>, %arg5: memref<327680x16xf32, #tpu.memory_space<hbm>>, %arg6: memref<327680x128xf32, #tpu.memory_space<hbm>>, %arg7: memref<128xi32, #tpu.memory_space<vmem>>, %arg8: memref<128xi32, #tpu.memory_space<vmem>>, %arg9: memref<128xi32, #tpu.memory_space<vmem>>, %arg10: memref<128xi32, #tpu.memory_space<vmem>>, %arg11: memref<128x128xf32, #tpu.memory_space<vmem>>, %arg12: memref<128x128xf32, #tpu.memory_space<vmem>>, %arg13: memref<128x128xf32, #tpu.memory_space<vmem>>, %arg14: memref<128x128xf32, #tpu.memory_space<vmem>>, %arg15: memref<128x128xf32, #tpu.memory_space<vmem>>, %arg16: memref<128x128xf32, #tpu.memory_space<vmem>>, %arg17: memref<!tpu.dma_semaphore, #tpu.memory_space<semaphore_mem>>, %arg18: memref<!tpu.dma_semaphore, #tpu.memory_space<semaphore_mem>>, %arg19: memref<!tpu.dma_semaphore, #tpu.memory_space<semaphore_mem>>, %arg20: memref<!tpu.dma_semaphore, #tpu.memory_space<semaphore_mem>>, %arg21: memref<!tpu.dma_semaphore, #tpu.memory_space<semaphore_mem>>, %arg22: memref<!tpu.dma_semaphore, #tpu.memory_space<semaphore_mem>>) attributes {dimension_semantics = [#tpu.dimension_semantics<core_parallel>, #tpu.dimension_semantics<subcore_parallel>], iteration_bounds = array<i64: 2, 16>, scalar_prefetch = 0 : i64, scratch_operands = 16 : i64, tpu.core_type = #tpu.core_type<sc_vector_subcore>, window_params = [{transform_indices = #map}, {transform_indices = #map1}, {transform_indices = #map1}, {transform_indices = #map}, {transform_indices = #map}]} {
    %eq3A = arith.constant 0 : i32
    %eq3A_0 = arith.cmpi eq, %arg0, %eq3A : i32
    %jit3A = arith.constant 80 : i32
    %jit3A_1 = arith.constant 80 : i32
    %select_n3A = arith.select %eq3A_0, %jit3A, %jit3A_1 : i32
    %mul3A = arith.constant 160 : i32
    %mul3A_2 = arith.muli %arg1, %mul3A : i32
    %mul3A_3 = arith.constant 80 : i32
    %mul3A_4 = arith.muli %arg0, %mul3A_3 : i32
    %add3A = arith.addi %mul3A_2, %mul3A_4 : i32
    %mul3A_5 = arith.constant 128 : i32
    %mul3A_6 = arith.muli %add3A, %mul3A_5 : i32
    %mul3A_7 = arith.constant 2 : i32
    %mul3A_8 = arith.muli %arg1, %mul3A_7 : i32
    %add3A_9 = arith.addi %mul3A_8, %arg0 : i32
    %jit3A_10 = arith.constant 4 : i32
    %eq3A_11 = arith.constant 0 : i32
    %eq3A_12 = arith.cmpi eq, %jit3A_10, %eq3A_11 : i32
    %jit3A_13 = arith.constant 1 : i32
    %select_n3A_14 = arith.select %eq3A_12, %jit3A_13, %jit3A_10 : i32
    %rem3A = arith.remsi %add3A_9, %select_n3A_14 : i32
    %ne3A = arith.constant 0 : i32
    %ne3A_15 = arith.cmpi ne, %rem3A, %ne3A : i32
    %lt3A = arith.constant 0 : i32
    %lt3A_16 = arith.cmpi slt, %rem3A, %lt3A : i32
    %lt3A_17 = arith.constant 0 : i32
    %lt3A_18 = arith.cmpi slt, %select_n3A_14, %lt3A_17 : i32
    %ne3A_19 = arith.xori %lt3A_16, %lt3A_18 : i1
    %and3A = arith.andi %ne3A_19, %ne3A_15 : i1
    %add3A_20 = arith.addi %rem3A, %select_n3A_14 : i32
    %select_n3A_21 = arith.select %and3A, %add3A_20, %rem3A : i32
    %mul3A_22 = arith.constant 20000 : i32
    %mul3A_23 = arith.muli %select_n3A_21, %mul3A_22 : i32
    %add3A_24 = arith.constant 10000 : i32
    %add3A_25 = arith.addi %mul3A_23, %add3A_24 : i32
    %add3A_26 = arith.constant 0 : i32
    %add3A_27 = arith.addi %mul3A_6, %add3A_26 : i32
    "tpu.region"() ({
      %run_scoped3A = tpu.sem_alloc : memref<!tpu.dma_semaphore, #tpu.memory_space<semaphore_mem>>
      %dma_start3A_222 = tpu.memref_slice %arg3[%add3A_27] : memref<327680xi32, #tpu.memory_space<hbm>> -> memref<128xi32, #tpu.memory_space<hbm>>
      %dma_start3A_223 = tpu.memref_slice %arg3[%add3A_27] : memref<327680xi32, #tpu.memory_space<hbm>> -> memref<128xi32, #tpu.memory_space<hbm>>
      tpu.enqueue_dma source(%dma_start3A_223 : memref<128xi32, #tpu.memory_space<hbm>>) target(%arg7 : memref<128xi32, #tpu.memory_space<vmem>>) target_semaphore(%run_scoped3A : memref<!tpu.dma_semaphore, #tpu.memory_space<semaphore_mem>>)
      %dma_wait3A_224 = tpu.memref_slice %arg3[%add3A_27] : memref<327680xi32, #tpu.memory_space<hbm>> -> memref<128xi32, #tpu.memory_space<hbm>>
      %dma_wait3A_225 = tpu.memref_slice %arg3[%add3A_27] : memref<327680xi32, #tpu.memory_space<hbm>> -> memref<128xi32, #tpu.memory_space<hbm>>
      tpu.wait_dma2 semaphore(%run_scoped3A : memref<!tpu.dma_semaphore, #tpu.memory_space<semaphore_mem>>) src(%dma_wait3A_225 : memref<128xi32, #tpu.memory_space<hbm>>) dst(%arg7 : memref<128xi32, #tpu.memory_space<vmem>>)
      tpu.yield
    }) : () -> ()
    "tpu.region"() ({
      %run_scoped3A = tpu.sem_alloc : memref<!tpu.dma_semaphore, #tpu.memory_space<semaphore_mem>>
      %dma_start3A_222 = tpu.memref_slice %arg4[%add3A_27] : memref<327680xi32, #tpu.memory_space<hbm>> -> memref<128xi32, #tpu.memory_space<hbm>>
      %dma_start3A_223 = tpu.memref_slice %arg4[%add3A_27] : memref<327680xi32, #tpu.memory_space<hbm>> -> memref<128xi32, #tpu.memory_space<hbm>>
      tpu.enqueue_dma source(%dma_start3A_223 : memref<128xi32, #tpu.memory_space<hbm>>) target(%arg8 : memref<128xi32, #tpu.memory_space<vmem>>) target_semaphore(%run_scoped3A : memref<!tpu.dma_semaphore, #tpu.memory_space<semaphore_mem>>)
      %dma_wait3A_224 = tpu.memref_slice %arg4[%add3A_27] : memref<327680xi32, #tpu.memory_space<hbm>> -> memref<128xi32, #tpu.memory_space<hbm>>
      %dma_wait3A_225 = tpu.memref_slice %arg4[%add3A_27] : memref<327680xi32, #tpu.memory_space<hbm>> -> memref<128xi32, #tpu.memory_space<hbm>>
      tpu.wait_dma2 semaphore(%run_scoped3A : memref<!tpu.dma_semaphore, #tpu.memory_space<semaphore_mem>>) src(%dma_wait3A_225 : memref<128xi32, #tpu.memory_space<hbm>>) dst(%arg8 : memref<128xi32, #tpu.memory_space<vmem>>)
      tpu.yield
    }) : () -> ()
    %get3A = arith.constant 0 : index
    %get3A_28 = tpu.vector_load %arg7[%get3A] {strides = array<i32>} : memref<128xi32, #tpu.memory_space<vmem>>, vector<16xi32>,
    %get3A_29 = vector.shape_cast %get3A_28 : vector<16xi32> to vector<16xi32>
    %add3A_30 = vector.broadcast %mul3A_23 : i32 to vector<16xi32>
    %add3A_31 = arith.addi %get3A_29, %add3A_30 : vector<16xi32>
    %swap3A = arith.constant 0 : index
    %swap3A_32 = tpu.vector_load %arg7[%swap3A] {strides = array<i32>} : memref<128xi32, #tpu.memory_space<vmem>>, vector<16xi32>,
    %swap3A_33 = vector.shape_cast %swap3A_32 : vector<16xi32> to vector<16xi32>
    %swap3A_34 = vector.shape_cast %add3A_31 : vector<16xi32> to vector<16xi32>
    tpu.vector_store %arg7[%swap3A], %swap3A_34 {strides = array<i32>} : memref<128xi32, #tpu.memory_space<vmem>>, vector<16xi32>,
    %get3A_35 = arith.constant 0 : index
    %get3A_36 = tpu.vector_load %arg8[%get3A_35] {strides = array<i32>} : memref<128xi32, #tpu.memory_space<vmem>>, vector<16xi32>,
    %get3A_37 = vector.shape_cast %get3A_36 : vector<16xi32> to vector<16xi32>
    %add3A_38 = vector.broadcast %add3A_25 : i32 to vector<16xi32>
    %add3A_39 = arith.addi %get3A_37, %add3A_38 : vector<16xi32>
    %swap3A_40 = arith.constant 0 : index
    %swap3A_41 = tpu.vector_load %arg8[%swap3A_40] {strides = array<i32>} : memref<128xi32, #tpu.memory_space<vmem>>, vector<16xi32>,
    %swap3A_42 = vector.shape_cast %swap3A_41 : vector<16xi32> to vector<16xi32>
    %swap3A_43 = vector.shape_cast %add3A_39 : vector<16xi32> to vector<16xi32>
    tpu.vector_store %arg8[%swap3A_40], %swap3A_43 {strides = array<i32>} : memref<128xi32, #tpu.memory_space<vmem>>, vector<16xi32>,
    %get3A_44 = arith.constant 16 : index
    %get3A_45 = tpu.vector_load %arg7[%get3A_44] {strides = array<i32>} : memref<128xi32, #tpu.memory_space<vmem>>, vector<16xi32>,
    %get3A_46 = vector.shape_cast %get3A_45 : vector<16xi32> to vector<16xi32>
    %add3A_47 = vector.broadcast %mul3A_23 : i32 to vector<16xi32>
    %add3A_48 = arith.addi %get3A_46, %add3A_47 : vector<16xi32>
    %swap3A_49 = arith.constant 16 : index
    %swap3A_50 = tpu.vector_load %arg7[%swap3A_49] {strides = array<i32>} : memref<128xi32, #tpu.memory_space<vmem>>, vector<16xi32>,
    %swap3A_51 = vector.shape_cast %swap3A_50 : vector<16xi32> to vector<16xi32>
    %swap3A_52 = vector.shape_cast %add3A_48 : vector<16xi32> to vector<16xi32>
    tpu.vector_store %arg7[%swap3A_49], %swap3A_52 {strides = array<i32>} : memref<128xi32, #tpu.memory_space<vmem>>, vector<16xi32>,
    %get3A_53 = arith.constant 16 : index
    %get3A_54 = tpu.vector_load %arg8[%get3A_53] {strides = array<i32>} : memref<128xi32, #tpu.memory_space<vmem>>, vector<16xi32>,
    %get3A_55 = vector.shape_cast %get3A_54 : vector<16xi32> to vector<16xi32>
    %add3A_56 = vector.broadcast %add3A_25 : i32 to vector<16xi32>
    %add3A_57 = arith.addi %get3A_55, %add3A_56 : vector<16xi32>
    %swap3A_58 = arith.constant 16 : index
    %swap3A_59 = tpu.vector_load %arg8[%swap3A_58] {strides = array<i32>} : memref<128xi32, #tpu.memory_space<vmem>>, vector<16xi32>,
    %swap3A_60 = vector.shape_cast %swap3A_59 : vector<16xi32> to vector<16xi32>
    %swap3A_61 = vector.shape_cast %add3A_57 : vector<16xi32> to vector<16xi32>
    tpu.vector_store %arg8[%swap3A_58], %swap3A_61 {strides = array<i32>} : memref<128xi32, #tpu.memory_space<vmem>>, vector<16xi32>,
    %get3A_62 = arith.constant 32 : index
    %get3A_63 = tpu.vector_load %arg7[%get3A_62] {strides = array<i32>} : memref<128xi32, #tpu.memory_space<vmem>>, vector<16xi32>,
    %get3A_64 = vector.shape_cast %get3A_63 : vector<16xi32> to vector<16xi32>
    %add3A_65 = vector.broadcast %mul3A_23 : i32 to vector<16xi32>
    %add3A_66 = arith.addi %get3A_64, %add3A_65 : vector<16xi32>
    %swap3A_67 = arith.constant 32 : index
    %swap3A_68 = tpu.vector_load %arg7[%swap3A_67] {strides = array<i32>} : memref<128xi32, #tpu.memory_space<vmem>>, vector<16xi32>,
    %swap3A_69 = vector.shape_cast %swap3A_68 : vector<16xi32> to vector<16xi32>
    %swap3A_70 = vector.shape_cast %add3A_66 : vector<16xi32> to vector<16xi32>
    tpu.vector_store %arg7[%swap3A_67], %swap3A_70 {strides = array<i32>} : memref<128xi32, #tpu.memory_space<vmem>>, vector<16xi32>,
    %get3A_71 = arith.constant 32 : index
    %get3A_72 = tpu.vector_load %arg8[%get3A_71] {strides = array<i32>} : memref<128xi32, #tpu.memory_space<vmem>>, vector<16xi32>,
    %get3A_73 = vector.shape_cast %get3A_72 : vector<16xi32> to vector<16xi32>
    %add3A_74 = vector.broadcast %add3A_25 : i32 to vector<16xi32>
    %add3A_75 = arith.addi %get3A_73, %add3A_74 : vector<16xi32>
    %swap3A_76 = arith.constant 32 : index
    %swap3A_77 = tpu.vector_load %arg8[%swap3A_76] {strides = array<i32>} : memref<128xi32, #tpu.memory_space<vmem>>, vector<16xi32>,
    %swap3A_78 = vector.shape_cast %swap3A_77 : vector<16xi32> to vector<16xi32>
    %swap3A_79 = vector.shape_cast %add3A_75 : vector<16xi32> to vector<16xi32>
    tpu.vector_store %arg8[%swap3A_76], %swap3A_79 {strides = array<i32>} : memref<128xi32, #tpu.memory_space<vmem>>, vector<16xi32>,
    %get3A_80 = arith.constant 48 : index
    %get3A_81 = tpu.vector_load %arg7[%get3A_80] {strides = array<i32>} : memref<128xi32, #tpu.memory_space<vmem>>, vector<16xi32>,
    %get3A_82 = vector.shape_cast %get3A_81 : vector<16xi32> to vector<16xi32>
    %add3A_83 = vector.broadcast %mul3A_23 : i32 to vector<16xi32>
    %add3A_84 = arith.addi %get3A_82, %add3A_83 : vector<16xi32>
    %swap3A_85 = arith.constant 48 : index
    %swap3A_86 = tpu.vector_load %arg7[%swap3A_85] {strides = array<i32>} : memref<128xi32, #tpu.memory_space<vmem>>, vector<16xi32>,
    %swap3A_87 = vector.shape_cast %swap3A_86 : vector<16xi32> to vector<16xi32>
    %swap3A_88 = vector.shape_cast %add3A_84 : vector<16xi32> to vector<16xi32>
    tpu.vector_store %arg7[%swap3A_85], %swap3A_88 {strides = array<i32>} : memref<128xi32, #tpu.memory_space<vmem>>, vector<16xi32>,
    %get3A_89 = arith.constant 48 : index
    %get3A_90 = tpu.vector_load %arg8[%get3A_89] {strides = array<i32>} : memref<128xi32, #tpu.memory_space<vmem>>, vector<16xi32>,
    %get3A_91 = vector.shape_cast %get3A_90 : vector<16xi32> to vector<16xi32>
    %add3A_92 = vector.broadcast %add3A_25 : i32 to vector<16xi32>
    %add3A_93 = arith.addi %get3A_91, %add3A_92 : vector<16xi32>
    %swap3A_94 = arith.constant 48 : index
    %swap3A_95 = tpu.vector_load %arg8[%swap3A_94] {strides = array<i32>} : memref<128xi32, #tpu.memory_space<vmem>>, vector<16xi32>,
    %swap3A_96 = vector.shape_cast %swap3A_95 : vector<16xi32> to vector<16xi32>
    %swap3A_97 = vector.shape_cast %add3A_93 : vector<16xi32> to vector<16xi32>
    tpu.vector_store %arg8[%swap3A_94], %swap3A_97 {strides = array<i32>} : memref<128xi32, #tpu.memory_space<vmem>>, vector<16xi32>,
    %get3A_98 = arith.constant 64 : index
    %get3A_99 = tpu.vector_load %arg7[%get3A_98] {strides = array<i32>} : memref<128xi32, #tpu.memory_space<vmem>>, vector<16xi32>,
    %get3A_100 = vector.shape_cast %get3A_99 : vector<16xi32> to vector<16xi32>
    %add3A_101 = vector.broadcast %mul3A_23 : i32 to vector<16xi32>
    %add3A_102 = arith.addi %get3A_100, %add3A_101 : vector<16xi32>
    %swap3A_103 = arith.constant 64 : index
    %swap3A_104 = tpu.vector_load %arg7[%swap3A_103] {strides = array<i32>} : memref<128xi32, #tpu.memory_space<vmem>>, vector<16xi32>,
    %swap3A_105 = vector.shape_cast %swap3A_104 : vector<16xi32> to vector<16xi32>
    %swap3A_106 = vector.shape_cast %add3A_102 : vector<16xi32> to vector<16xi32>
    tpu.vector_store %arg7[%swap3A_103], %swap3A_106 {strides = array<i32>} : memref<128xi32, #tpu.memory_space<vmem>>, vector<16xi32>,
    %get3A_107 = arith.constant 64 : index
    %get3A_108 = tpu.vector_load %arg8[%get3A_107] {strides = array<i32>} : memref<128xi32, #tpu.memory_space<vmem>>, vector<16xi32>,
    %get3A_109 = vector.shape_cast %get3A_108 : vector<16xi32> to vector<16xi32>
    %add3A_110 = vector.broadcast %add3A_25 : i32 to vector<16xi32>
    %add3A_111 = arith.addi %get3A_109, %add3A_110 : vector<16xi32>
    %swap3A_112 = arith.constant 64 : index
    %swap3A_113 = tpu.vector_load %arg8[%swap3A_112] {strides = array<i32>} : memref<128xi32, #tpu.memory_space<vmem>>, vector<16xi32>,
    %swap3A_114 = vector.shape_cast %swap3A_113 : vector<16xi32> to vector<16xi32>
    %swap3A_115 = vector.shape_cast %add3A_111 : vector<16xi32> to vector<16xi32>
    tpu.vector_store %arg8[%swap3A_112], %swap3A_115 {strides = array<i32>} : memref<128xi32, #tpu.memory_space<vmem>>, vector<16xi32>,
    %get3A_116 = arith.constant 80 : index
    %get3A_117 = tpu.vector_load %arg7[%get3A_116] {strides = array<i32>} : memref<128xi32, #tpu.memory_space<vmem>>, vector<16xi32>,
    %get3A_118 = vector.shape_cast %get3A_117 : vector<16xi32> to vector<16xi32>
    %add3A_119 = vector.broadcast %mul3A_23 : i32 to vector<16xi32>
    %add3A_120 = arith.addi %get3A_118, %add3A_119 : vector<16xi32>
    %swap3A_121 = arith.constant 80 : index
    %swap3A_122 = tpu.vector_load %arg7[%swap3A_121] {strides = array<i32>} : memref<128xi32, #tpu.memory_space<vmem>>, vector<16xi32>,
    %swap3A_123 = vector.shape_cast %swap3A_122 : vector<16xi32> to vector<16xi32>
    %swap3A_124 = vector.shape_cast %add3A_120 : vector<16xi32> to vector<16xi32>
    tpu.vector_store %arg7[%swap3A_121], %swap3A_124 {strides = array<i32>} : memref<128xi32, #tpu.memory_space<vmem>>, vector<16xi32>,
    %get3A_125 = arith.constant 80 : index
    %get3A_126 = tpu.vector_load %arg8[%get3A_125] {strides = array<i32>} : memref<128xi32, #tpu.memory_space<vmem>>, vector<16xi32>,
    %get3A_127 = vector.shape_cast %get3A_126 : vector<16xi32> to vector<16xi32>
    %add3A_128 = vector.broadcast %add3A_25 : i32 to vector<16xi32>
    %add3A_129 = arith.addi %get3A_127, %add3A_128 : vector<16xi32>
    %swap3A_130 = arith.constant 80 : index
    %swap3A_131 = tpu.vector_load %arg8[%swap3A_130] {strides = array<i32>} : memref<128xi32, #tpu.memory_space<vmem>>, vector<16xi32>,
    %swap3A_132 = vector.shape_cast %swap3A_131 : vector<16xi32> to vector<16xi32>
    %swap3A_133 = vector.shape_cast %add3A_129 : vector<16xi32> to vector<16xi32>
    tpu.vector_store %arg8[%swap3A_130], %swap3A_133 {strides = array<i32>} : memref<128xi32, #tpu.memory_space<vmem>>, vector<16xi32>,
    %get3A_134 = arith.constant 96 : index
    %get3A_135 = tpu.vector_load %arg7[%get3A_134] {strides = array<i32>} : memref<128xi32, #tpu.memory_space<vmem>>, vector<16xi32>,
    %get3A_136 = vector.shape_cast %get3A_135 : vector<16xi32> to vector<16xi32>
    %add3A_137 = vector.broadcast %mul3A_23 : i32 to vector<16xi32>
    %add3A_138 = arith.addi %get3A_136, %add3A_137 : vector<16xi32>
    %swap3A_139 = arith.constant 96 : index
    %swap3A_140 = tpu.vector_load %arg7[%swap3A_139] {strides = array<i32>} : memref<128xi32, #tpu.memory_space<vmem>>, vector<16xi32>,
    %swap3A_141 = vector.shape_cast %swap3A_140 : vector<16xi32> to vector<16xi32>
    %swap3A_142 = vector.shape_cast %add3A_138 : vector<16xi32> to vector<16xi32>
    tpu.vector_store %arg7[%swap3A_139], %swap3A_142 {strides = array<i32>} : memref<128xi32, #tpu.memory_space<vmem>>, vector<16xi32>,
    %get3A_143 = arith.constant 96 : index
    %get3A_144 = tpu.vector_load %arg8[%get3A_143] {strides = array<i32>} : memref<128xi32, #tpu.memory_space<vmem>>, vector<16xi32>,
    %get3A_145 = vector.shape_cast %get3A_144 : vector<16xi32> to vector<16xi32>
    %add3A_146 = vector.broadcast %add3A_25 : i32 to vector<16xi32>
    %add3A_147 = arith.addi %get3A_145, %add3A_146 : vector<16xi32>
    %swap3A_148 = arith.constant 96 : index
    %swap3A_149 = tpu.vector_load %arg8[%swap3A_148] {strides = array<i32>} : memref<128xi32, #tpu.memory_space<vmem>>, vector<16xi32>,
    %swap3A_150 = vector.shape_cast %swap3A_149 : vector<16xi32> to vector<16xi32>
    %swap3A_151 = vector.shape_cast %add3A_147 : vector<16xi32> to vector<16xi32>
    tpu.vector_store %arg8[%swap3A_148], %swap3A_151 {strides = array<i32>} : memref<128xi32, #tpu.memory_space<vmem>>, vector<16xi32>,
    %get3A_152 = arith.constant 112 : index
    %get3A_153 = tpu.vector_load %arg7[%get3A_152] {strides = array<i32>} : memref<128xi32, #tpu.memory_space<vmem>>, vector<16xi32>,
    %get3A_154 = vector.shape_cast %get3A_153 : vector<16xi32> to vector<16xi32>
    %add3A_155 = vector.broadcast %mul3A_23 : i32 to vector<16xi32>
    %add3A_156 = arith.addi %get3A_154, %add3A_155 : vector<16xi32>
    %swap3A_157 = arith.constant 112 : index
    %swap3A_158 = tpu.vector_load %arg7[%swap3A_157] {strides = array<i32>} : memref<128xi32, #tpu.memory_space<vmem>>, vector<16xi32>,
    %swap3A_159 = vector.shape_cast %swap3A_158 : vector<16xi32> to vector<16xi32>
    %swap3A_160 = vector.shape_cast %add3A_156 : vector<16xi32> to vector<16xi32>
    tpu.vector_store %arg7[%swap3A_157], %swap3A_160 {strides = array<i32>} : memref<128xi32, #tpu.memory_space<vmem>>, vector<16xi32>,
    %get3A_161 = arith.constant 112 : index
    %get3A_162 = tpu.vector_load %arg8[%get3A_161] {strides = array<i32>} : memref<128xi32, #tpu.memory_space<vmem>>, vector<16xi32>,
    %get3A_163 = vector.shape_cast %get3A_162 : vector<16xi32> to vector<16xi32>
    %add3A_164 = vector.broadcast %add3A_25 : i32 to vector<16xi32>
    %add3A_165 = arith.addi %get3A_163, %add3A_164 : vector<16xi32>
    %swap3A_166 = arith.constant 112 : index
    %swap3A_167 = tpu.vector_load %arg8[%swap3A_166] {strides = array<i32>} : memref<128xi32, #tpu.memory_space<vmem>>, vector<16xi32>,
    %swap3A_168 = vector.shape_cast %swap3A_167 : vector<16xi32> to vector<16xi32>
    %swap3A_169 = vector.shape_cast %add3A_165 : vector<16xi32> to vector<16xi32>
    tpu.vector_store %arg8[%swap3A_166], %swap3A_169 {strides = array<i32>} : memref<128xi32, #tpu.memory_space<vmem>>, vector<16xi32>,
    %dma_start3A = arith.constant 0 : i32
    %dma_start3A_170 = arith.constant 0 : i32
    %dma_start3A_171 = tpu.memref_slice %arg2[%dma_start3A, %dma_start3A_170] : memref<80000x128xf32, #tpu.memory_space<hbm>> -> memref<80000x128xf32, #tpu.memory_space<hbm>>
    tpu.enqueue_indirect_dma source(%dma_start3A_171 : memref<80000x128xf32, #tpu.memory_space<hbm>>) target(%arg11 : memref<128x128xf32, #tpu.memory_space<vmem>>) offsets(%arg7 : memref<128xi32, #tpu.memory_space<vmem>>) semaphore(%arg17 : memref<!tpu.dma_semaphore, #tpu.memory_space<semaphore_mem>>)
    %dma_start3A_172 = arith.constant 0 : i32
    %dma_start3A_173 = arith.constant 0 : i32
    %dma_start3A_174 = tpu.memref_slice %arg2[%dma_start3A_172, %dma_start3A_173] : memref<80000x128xf32, #tpu.memory_space<hbm>> -> memref<80000x128xf32, #tpu.memory_space<hbm>>
    tpu.enqueue_indirect_dma source(%dma_start3A_174 : memref<80000x128xf32, #tpu.memory_space<hbm>>) target(%arg12 : memref<128x128xf32, #tpu.memory_space<vmem>>) offsets(%arg8 : memref<128xi32, #tpu.memory_space<vmem>>) semaphore(%arg18 : memref<!tpu.dma_semaphore, #tpu.memory_space<semaphore_mem>>)
    %jit3A_175 = arith.constant 2 : i32
    %div3A = arith.divsi %select_n3A, %jit3A_175 : i32
    %sign3A = arith.constant 0 : i32
    %sign3A_176 = arith.cmpi sgt, %select_n3A, %sign3A : i32
    %sign3A_177 = arith.extui %sign3A_176 : i1 to i32
    %sign3A_178 = arith.constant 0 : i32
    %sign3A_179 = arith.cmpi slt, %select_n3A, %sign3A_178 : i32
    %sign3A_180 = arith.extui %sign3A_179 : i1 to i32
    %sign3A_181 = arith.subi %sign3A_177, %sign3A_180 : i32
    %sign3A_182 = arith.constant 0 : i32
    %sign3A_183 = arith.cmpi sgt, %jit3A_175, %sign3A_182 : i32
    %sign3A_184 = arith.extui %sign3A_183 : i1 to i32
    %sign3A_185 = arith.constant 0 : i32
    %sign3A_186 = arith.cmpi slt, %jit3A_175, %sign3A_185 : i32
    %sign3A_187 = arith.extui %sign3A_186 : i1 to i32
    %sign3A_188 = arith.subi %sign3A_184, %sign3A_187 : i32
    %ne3A_189 = arith.cmpi ne, %sign3A_181, %sign3A_188 : i32
    %rem3A_190 = arith.remsi %select_n3A, %jit3A_175 : i32
    %ne3A_191 = arith.constant 0 : i32
    %ne3A_192 = arith.cmpi ne, %rem3A_190, %ne3A_191 : i32
    %and3A_193 = arith.andi %ne3A_189, %ne3A_192 : i1
    %sub3A = arith.constant 1 : i32
    %sub3A_194 = arith.subi %div3A, %sub3A : i32
    %select_n3A_195 = arith.select %and3A_193, %sub3A_194, %div3A : i32
    %while3A = arith.constant 0 : i32
    %while3A_196 = arith.constant 0 : i32
    %while3A_197 = arith.subi %select_n3A_195, %while3A_196 : i32
    %while3A_198 = arith.addi %while3A_196, %while3A_197 : i32
    %while3A_199 = arith.constant 1 : i32
    %while3A_200 = arith.divsi %while3A_197, %while3A_199 : i32
    %while3A_201 = arith.muli %while3A_200, %while3A_199 : i32
    %while3A_202 = arith.addi %while3A_196, %while3A_201 : i32
    %while3A_203 = arith.constant 1 : i32
    scf.for %while3A_222 = %while3A_196 to %while3A_202 step %while3A_203  : i32 {
      %mul3A_223 = arith.constant 2 : i32
      %mul3A_224 = arith.muli %mul3A_223, %while3A_222 : i32
      %mul3A_225 = arith.constant 2 : i32
      %mul3A_226 = arith.muli %mul3A_225, %while3A_222 : i32
      %add3A_227 = arith.constant 1 : i32
      %add3A_228 = arith.addi %mul3A_226, %add3A_227 : i32
      %mul3A_229 = arith.constant 128 : i32
      %mul3A_230 = arith.muli %add3A_228, %mul3A_229 : i32
      %add3A_231 = arith.addi %mul3A_6, %mul3A_230 : i32
      "tpu.region"() ({
        %run_scoped3A = tpu.sem_alloc : memref<!tpu.dma_semaphore, #tpu.memory_space<semaphore_mem>>
        %dma_start3A_456 = tpu.memref_slice %arg3[%add3A_231] : memref<327680xi32, #tpu.memory_space<hbm>> -> memref<128xi32, #tpu.memory_space<hbm>>
        %dma_start3A_457 = tpu.memref_slice %arg3[%add3A_231] : memref<327680xi32, #tpu.memory_space<hbm>> -> memref<128xi32, #tpu.memory_space<hbm>>
        tpu.enqueue_dma source(%dma_start3A_457 : memref<128xi32, #tpu.memory_space<hbm>>) target(%arg9 : memref<128xi32, #tpu.memory_space<vmem>>) target_semaphore(%run_scoped3A : memref<!tpu.dma_semaphore, #tpu.memory_space<semaphore_mem>>)
        %dma_wait3A_458 = tpu.memref_slice %arg3[%add3A_231] : memref<327680xi32, #tpu.memory_space<hbm>> -> memref<128xi32, #tpu.memory_space<hbm>>
        %dma_wait3A_459 = tpu.memref_slice %arg3[%add3A_231] : memref<327680xi32, #tpu.memory_space<hbm>> -> memref<128xi32, #tpu.memory_space<hbm>>
        tpu.wait_dma2 semaphore(%run_scoped3A : memref<!tpu.dma_semaphore, #tpu.memory_space<semaphore_mem>>) src(%dma_wait3A_459 : memref<128xi32, #tpu.memory_space<hbm>>) dst(%arg9 : memref<128xi32, #tpu.memory_space<vmem>>)
        tpu.yield
      }) : () -> ()
      "tpu.region"() ({
        %run_scoped3A = tpu.sem_alloc : memref<!tpu.dma_semaphore, #tpu.memory_space<semaphore_mem>>
        %dma_start3A_456 = tpu.memref_slice %arg4[%add3A_231] : memref<327680xi32, #tpu.memory_space<hbm>> -> memref<128xi32, #tpu.memory_space<hbm>>
        %dma_start3A_457 = tpu.memref_slice %arg4[%add3A_231] : memref<327680xi32, #tpu.memory_space<hbm>> -> memref<128xi32, #tpu.memory_space<hbm>>
        tpu.enqueue_dma source(%dma_start3A_457 : memref<128xi32, #tpu.memory_space<hbm>>) target(%arg10 : memref<128xi32, #tpu.memory_space<vmem>>) target_semaphore(%run_scoped3A : memref<!tpu.dma_semaphore, #tpu.memory_space<semaphore_mem>>)
        %dma_wait3A_458 = tpu.memref_slice %arg4[%add3A_231] : memref<327680xi32, #tpu.memory_space<hbm>> -> memref<128xi32, #tpu.memory_space<hbm>>
        %dma_wait3A_459 = tpu.memref_slice %arg4[%add3A_231] : memref<327680xi32, #tpu.memory_space<hbm>> -> memref<128xi32, #tpu.memory_space<hbm>>
        tpu.wait_dma2 semaphore(%run_scoped3A : memref<!tpu.dma_semaphore, #tpu.memory_space<semaphore_mem>>) src(%dma_wait3A_459 : memref<128xi32, #tpu.memory_space<hbm>>) dst(%arg10 : memref<128xi32, #tpu.memory_space<vmem>>)
        tpu.yield
      }) : () -> ()
      %get3A_232 = arith.constant 0 : index
      %get3A_233 = tpu.vector_load %arg9[%get3A_232] {strides = array<i32>} : memref<128xi32, #tpu.memory_space<vmem>>, vector<16xi32>,
      %get3A_234 = vector.shape_cast %get3A_233 : vector<16xi32> to vector<16xi32>
      %add3A_235 = vector.broadcast %mul3A_23 : i32 to vector<16xi32>
      %add3A_236 = arith.addi %get3A_234, %add3A_235 : vector<16xi32>
      %swap3A_237 = arith.constant 0 : index
      %swap3A_238 = tpu.vector_load %arg9[%swap3A_237] {strides = array<i32>} : memref<128xi32, #tpu.memory_space<vmem>>, vector<16xi32>,
      %swap3A_239 = vector.shape_cast %swap3A_238 : vector<16xi32> to vector<16xi32>
      %swap3A_240 = vector.shape_cast %add3A_236 : vector<16xi32> to vector<16xi32>
      tpu.vector_store %arg9[%swap3A_237], %swap3A_240 {strides = array<i32>} : memref<128xi32, #tpu.memory_space<vmem>>, vector<16xi32>,
      %get3A_241 = arith.constant 0 : index
      %get3A_242 = tpu.vector_load %arg10[%get3A_241] {strides = array<i32>} : memref<128xi32, #tpu.memory_space<vmem>>, vector<16xi32>,
      %get3A_243 = vector.shape_cast %get3A_242 : vector<16xi32> to vector<16xi32>
      %add3A_244 = vector.broadcast %add3A_25 : i32 to vector<16xi32>
      %add3A_245 = arith.addi %get3A_243, %add3A_244 : vector<16xi32>
      %swap3A_246 = arith.constant 0 : index
      %swap3A_247 = tpu.vector_load %arg10[%swap3A_246] {strides = array<i32>} : memref<128xi32, #tpu.memory_space<vmem>>, vector<16xi32>,
      %swap3A_248 = vector.shape_cast %swap3A_247 : vector<16xi32> to vector<16xi32>
      %swap3A_249 = vector.shape_cast %add3A_245 : vector<16xi32> to vector<16xi32>
      tpu.vector_store %arg10[%swap3A_246], %swap3A_249 {strides = array<i32>} : memref<128xi32, #tpu.memory_space<vmem>>, vector<16xi32>,
      %get3A_250 = arith.constant 16 : index
      %get3A_251 = tpu.vector_load %arg9[%get3A_250] {strides = array<i32>} : memref<128xi32, #tpu.memory_space<vmem>>, vector<16xi32>,
      %get3A_252 = vector.shape_cast %get3A_251 : vector<16xi32> to vector<16xi32>
      %add3A_253 = vector.broadcast %mul3A_23 : i32 to vector<16xi32>
      %add3A_254 = arith.addi %get3A_252, %add3A_253 : vector<16xi32>
      %swap3A_255 = arith.constant 16 : index
      %swap3A_256 = tpu.vector_load %arg9[%swap3A_255] {strides = array<i32>} : memref<128xi32, #tpu.memory_space<vmem>>, vector<16xi32>,
      %swap3A_257 = vector.shape_cast %swap3A_256 : vector<16xi32> to vector<16xi32>
      %swap3A_258 = vector.shape_cast %add3A_254 : vector<16xi32> to vector<16xi32>
      tpu.vector_store %arg9[%swap3A_255], %swap3A_258 {strides = array<i32>} : memref<128xi32, #tpu.memory_space<vmem>>, vector<16xi32>,
      %get3A_259 = arith.constant 16 : index
      %get3A_260 = tpu.vector_load %arg10[%get3A_259] {strides = array<i32>} : memref<128xi32, #tpu.memory_space<vmem>>, vector<16xi32>,
      %get3A_261 = vector.shape_cast %get3A_260 : vector<16xi32> to vector<16xi32>
      %add3A_262 = vector.broadcast %add3A_25 : i32 to vector<16xi32>
      %add3A_263 = arith.addi %get3A_261, %add3A_262 : vector<16xi32>
      %swap3A_264 = arith.constant 16 : index
      %swap3A_265 = tpu.vector_load %arg10[%swap3A_264] {strides = array<i32>} : memref<128xi32, #tpu.memory_space<vmem>>, vector<16xi32>,
      %swap3A_266 = vector.shape_cast %swap3A_265 : vector<16xi32> to vector<16xi32>
      %swap3A_267 = vector.shape_cast %add3A_263 : vector<16xi32> to vector<16xi32>
      tpu.vector_store %arg10[%swap3A_264], %swap3A_267 {strides = array<i32>} : memref<128xi32, #tpu.memory_space<vmem>>, vector<16xi32>,
      %get3A_268 = arith.constant 32 : index
      %get3A_269 = tpu.vector_load %arg9[%get3A_268] {strides = array<i32>} : memref<128xi32, #tpu.memory_space<vmem>>, vector<16xi32>,
      %get3A_270 = vector.shape_cast %get3A_269 : vector<16xi32> to vector<16xi32>
      %add3A_271 = vector.broadcast %mul3A_23 : i32 to vector<16xi32>
      %add3A_272 = arith.addi %get3A_270, %add3A_271 : vector<16xi32>
      %swap3A_273 = arith.constant 32 : index
      %swap3A_274 = tpu.vector_load %arg9[%swap3A_273] {strides = array<i32>} : memref<128xi32, #tpu.memory_space<vmem>>, vector<16xi32>,
      %swap3A_275 = vector.shape_cast %swap3A_274 : vector<16xi32> to vector<16xi32>
      %swap3A_276 = vector.shape_cast %add3A_272 : vector<16xi32> to vector<16xi32>
      tpu.vector_store %arg9[%swap3A_273], %swap3A_276 {strides = array<i32>} : memref<128xi32, #tpu.memory_space<vmem>>, vector<16xi32>,
      %get3A_277 = arith.constant 32 : index
      %get3A_278 = tpu.vector_load %arg10[%get3A_277] {strides = array<i32>} : memref<128xi32, #tpu.memory_space<vmem>>, vector<16xi32>,
      %get3A_279 = vector.shape_cast %get3A_278 : vector<16xi32> to vector<16xi32>
      %add3A_280 = vector.broadcast %add3A_25 : i32 to vector<16xi32>
      %add3A_281 = arith.addi %get3A_279, %add3A_280 : vector<16xi32>
      %swap3A_282 = arith.constant 32 : index
      %swap3A_283 = tpu.vector_load %arg10[%swap3A_282] {strides = array<i32>} : memref<128xi32, #tpu.memory_space<vmem>>, vector<16xi32>,
      %swap3A_284 = vector.shape_cast %swap3A_283 : vector<16xi32> to vector<16xi32>
      %swap3A_285 = vector.shape_cast %add3A_281 : vector<16xi32> to vector<16xi32>
      tpu.vector_store %arg10[%swap3A_282], %swap3A_285 {strides = array<i32>} : memref<128xi32, #tpu.memory_space<vmem>>, vector<16xi32>,
      %get3A_286 = arith.constant 48 : index
      %get3A_287 = tpu.vector_load %arg9[%get3A_286] {strides = array<i32>} : memref<128xi32, #tpu.memory_space<vmem>>, vector<16xi32>,
      %get3A_288 = vector.shape_cast %get3A_287 : vector<16xi32> to vector<16xi32>
      %add3A_289 = vector.broadcast %mul3A_23 : i32 to vector<16xi32>
      %add3A_290 = arith.addi %get3A_288, %add3A_289 : vector<16xi32>
      %swap3A_291 = arith.constant 48 : index
      %swap3A_292 = tpu.vector_load %arg9[%swap3A_291] {strides = array<i32>} : memref<128xi32, #tpu.memory_space<vmem>>, vector<16xi32>,
      %swap3A_293 = vector.shape_cast %swap3A_292 : vector<16xi32> to vector<16xi32>
      %swap3A_294 = vector.shape_cast %add3A_290 : vector<16xi32> to vector<16xi32>
      tpu.vector_store %arg9[%swap3A_291], %swap3A_294 {strides = array<i32>} : memref<128xi32, #tpu.memory_space<vmem>>, vector<16xi32>,
      %get3A_295 = arith.constant 48 : index
      %get3A_296 = tpu.vector_load %arg10[%get3A_295] {strides = array<i32>} : memref<128xi32, #tpu.memory_space<vmem>>, vector<16xi32>,
      %get3A_297 = vector.shape_cast %get3A_296 : vector<16xi32> to vector<16xi32>
      %add3A_298 = vector.broadcast %add3A_25 : i32 to vector<16xi32>
      %add3A_299 = arith.addi %get3A_297, %add3A_298 : vector<16xi32>
      %swap3A_300 = arith.constant 48 : index
      %swap3A_301 = tpu.vector_load %arg10[%swap3A_300] {strides = array<i32>} : memref<128xi32, #tpu.memory_space<vmem>>, vector<16xi32>,
      %swap3A_302 = vector.shape_cast %swap3A_301 : vector<16xi32> to vector<16xi32>
      %swap3A_303 = vector.shape_cast %add3A_299 : vector<16xi32> to vector<16xi32>
      tpu.vector_store %arg10[%swap3A_300], %swap3A_303 {strides = array<i32>} : memref<128xi32, #tpu.memory_space<vmem>>, vector<16xi32>,
      %get3A_304 = arith.constant 64 : index
      %get3A_305 = tpu.vector_load %arg9[%get3A_304] {strides = array<i32>} : memref<128xi32, #tpu.memory_space<vmem>>, vector<16xi32>,
      %get3A_306 = vector.shape_cast %get3A_305 : vector<16xi32> to vector<16xi32>
      %add3A_307 = vector.broadcast %mul3A_23 : i32 to vector<16xi32>
      %add3A_308 = arith.addi %get3A_306, %add3A_307 : vector<16xi32>
      %swap3A_309 = arith.constant 64 : index
      %swap3A_310 = tpu.vector_load %arg9[%swap3A_309] {strides = array<i32>} : memref<128xi32, #tpu.memory_space<vmem>>, vector<16xi32>,
      %swap3A_311 = vector.shape_cast %swap3A_310 : vector<16xi32> to vector<16xi32>
      %swap3A_312 = vector.shape_cast %add3A_308 : vector<16xi32> to vector<16xi32>
      tpu.vector_store %arg9[%swap3A_309], %swap3A_312 {strides = array<i32>} : memref<128xi32, #tpu.memory_space<vmem>>, vector<16xi32>,
      %get3A_313 = arith.constant 64 : index
      %get3A_314 = tpu.vector_load %arg10[%get3A_313] {strides = array<i32>} : memref<128xi32, #tpu.memory_space<vmem>>, vector<16xi32>,
      %get3A_315 = vector.shape_cast %get3A_314 : vector<16xi32> to vector<16xi32>
      %add3A_316 = vector.broadcast %add3A_25 : i32 to vector<16xi32>
      %add3A_317 = arith.addi %get3A_315, %add3A_316 : vector<16xi32>
      %swap3A_318 = arith.constant 64 : index
      %swap3A_319 = tpu.vector_load %arg10[%swap3A_318] {strides = array<i32>} : memref<128xi32, #tpu.memory_space<vmem>>, vector<16xi32>,
      %swap3A_320 = vector.shape_cast %swap3A_319 : vector<16xi32> to vector<16xi32>
      %swap3A_321 = vector.shape_cast %add3A_317 : vector<16xi32> to vector<16xi32>
      tpu.vector_store %arg10[%swap3A_318], %swap3A_321 {strides = array<i32>} : memref<128xi32, #tpu.memory_space<vmem>>, vector<16xi32>,
      %get3A_322 = arith.constant 80 : index
      %get3A_323 = tpu.vector_load %arg9[%get3A_322] {strides = array<i32>} : memref<128xi32, #tpu.memory_space<vmem>>, vector<16xi32>,
      %get3A_324 = vector.shape_cast %get3A_323 : vector<16xi32> to vector<16xi32>
      %add3A_325 = vector.broadcast %mul3A_23 : i32 to vector<16xi32>
      %add3A_326 = arith.addi %get3A_324, %add3A_325 : vector<16xi32>
      %swap3A_327 = arith.constant 80 : index
      %swap3A_328 = tpu.vector_load %arg9[%swap3A_327] {strides = array<i32>} : memref<128xi32, #tpu.memory_space<vmem>>, vector<16xi32>,
      %swap3A_329 = vector.shape_cast %swap3A_328 : vector<16xi32> to vector<16xi32>
      %swap3A_330 = vector.shape_cast %add3A_326 : vector<16xi32> to vector<16xi32>
      tpu.vector_store %arg9[%swap3A_327], %swap3A_330 {strides = array<i32>} : memref<128xi32, #tpu.memory_space<vmem>>, vector<16xi32>,
      %get3A_331 = arith.constant 80 : index
      %get3A_332 = tpu.vector_load %arg10[%get3A_331] {strides = array<i32>} : memref<128xi32, #tpu.memory_space<vmem>>, vector<16xi32>,
      %get3A_333 = vector.shape_cast %get3A_332 : vector<16xi32> to vector<16xi32>
      %add3A_334 = vector.broadcast %add3A_25 : i32 to vector<16xi32>
      %add3A_335 = arith.addi %get3A_333, %add3A_334 : vector<16xi32>
      %swap3A_336 = arith.constant 80 : index
      %swap3A_337 = tpu.vector_load %arg10[%swap3A_336] {strides = array<i32>} : memref<128xi32, #tpu.memory_space<vmem>>, vector<16xi32>,
      %swap3A_338 = vector.shape_cast %swap3A_337 : vector<16xi32> to vector<16xi32>
      %swap3A_339 = vector.shape_cast %add3A_335 : vector<16xi32> to vector<16xi32>
      tpu.vector_store %arg10[%swap3A_336], %swap3A_339 {strides = array<i32>} : memref<128xi32, #tpu.memory_space<vmem>>, vector<16xi32>,
      %get3A_340 = arith.constant 96 : index
      %get3A_341 = tpu.vector_load %arg9[%get3A_340] {strides = array<i32>} : memref<128xi32, #tpu.memory_space<vmem>>, vector<16xi32>,
      %get3A_342 = vector.shape_cast %get3A_341 : vector<16xi32> to vector<16xi32>
      %add3A_343 = vector.broadcast %mul3A_23 : i32 to vector<16xi32>
      %add3A_344 = arith.addi %get3A_342, %add3A_343 : vector<16xi32>
      %swap3A_345 = arith.constant 96 : index
      %swap3A_346 = tpu.vector_load %arg9[%swap3A_345] {strides = array<i32>} : memref<128xi32, #tpu.memory_space<vmem>>, vector<16xi32>,
      %swap3A_347 = vector.shape_cast %swap3A_346 : vector<16xi32> to vector<16xi32>
      %swap3A_348 = vector.shape_cast %add3A_344 : vector<16xi32> to vector<16xi32>
      tpu.vector_store %arg9[%swap3A_345], %swap3A_348 {strides = array<i32>} : memref<128xi32, #tpu.memory_space<vmem>>, vector<16xi32>,
      %get3A_349 = arith.constant 96 : index
      %get3A_350 = tpu.vector_load %arg10[%get3A_349] {strides = array<i32>} : memref<128xi32, #tpu.memory_space<vmem>>, vector<16xi32>,
      %get3A_351 = vector.shape_cast %get3A_350 : vector<16xi32> to vector<16xi32>
      %add3A_352 = vector.broadcast %add3A_25 : i32 to vector<16xi32>
      %add3A_353 = arith.addi %get3A_351, %add3A_352 : vector<16xi32>
      %swap3A_354 = arith.constant 96 : index
      %swap3A_355 = tpu.vector_load %arg10[%swap3A_354] {strides = array<i32>} : memref<128xi32, #tpu.memory_space<vmem>>, vector<16xi32>,
      %swap3A_356 = vector.shape_cast %swap3A_355 : vector<16xi32> to vector<16xi32>
      %swap3A_357 = vector.shape_cast %add3A_353 : vector<16xi32> to vector<16xi32>
      tpu.vector_store %arg10[%swap3A_354], %swap3A_357 {strides = array<i32>} : memref<128xi32, #tpu.memory_space<vmem>>, vector<16xi32>,
      %get3A_358 = arith.constant 112 : index
      %get3A_359 = tpu.vector_load %arg9[%get3A_358] {strides = array<i32>} : memref<128xi32, #tpu.memory_space<vmem>>, vector<16xi32>,
      %get3A_360 = vector.shape_cast %get3A_359 : vector<16xi32> to vector<16xi32>
      %add3A_361 = vector.broadcast %mul3A_23 : i32 to vector<16xi32>
      %add3A_362 = arith.addi %get3A_360, %add3A_361 : vector<16xi32>
      %swap3A_363 = arith.constant 112 : index
      %swap3A_364 = tpu.vector_load %arg9[%swap3A_363] {strides = array<i32>} : memref<128xi32, #tpu.memory_space<vmem>>, vector<16xi32>,
      %swap3A_365 = vector.shape_cast %swap3A_364 : vector<16xi32> to vector<16xi32>
      %swap3A_366 = vector.shape_cast %add3A_362 : vector<16xi32> to vector<16xi32>
      tpu.vector_store %arg9[%swap3A_363], %swap3A_366 {strides = array<i32>} : memref<128xi32, #tpu.memory_space<vmem>>, vector<16xi32>,
      %get3A_367 = arith.constant 112 : index
      %get3A_368 = tpu.vector_load %arg10[%get3A_367] {strides = array<i32>} : memref<128xi32, #tpu.memory_space<vmem>>, vector<16xi32>,
      %get3A_369 = vector.shape_cast %get3A_368 : vector<16xi32> to vector<16xi32>
      %add3A_370 = vector.broadcast %add3A_25 : i32 to vector<16xi32>
      %add3A_371 = arith.addi %get3A_369, %add3A_370 : vector<16xi32>
      %swap3A_372 = arith.constant 112 : index
      %swap3A_373 = tpu.vector_load %arg10[%swap3A_372] {strides = array<i32>} : memref<128xi32, #tpu.memory_space<vmem>>, vector<16xi32>,
      %swap3A_374 = vector.shape_cast %swap3A_373 : vector<16xi32> to vector<16xi32>
      %swap3A_375 = vector.shape_cast %add3A_371 : vector<16xi32> to vector<16xi32>
      tpu.vector_store %arg10[%swap3A_372], %swap3A_375 {strides = array<i32>} : memref<128xi32, #tpu.memory_space<vmem>>, vector<16xi32>,
      %dma_start3A_376 = arith.constant 0 : i32
      %dma_start3A_377 = arith.constant 0 : i32
      %dma_start3A_378 = tpu.memref_slice %arg2[%dma_start3A_376, %dma_start3A_377] : memref<80000x128xf32, #tpu.memory_space<hbm>> -> memref<80000x128xf32, #tpu.memory_space<hbm>>
      tpu.enqueue_indirect_dma source(%dma_start3A_378 : memref<80000x128xf32, #tpu.memory_space<hbm>>) target(%arg13 : memref<128x128xf32, #tpu.memory_space<vmem>>) offsets(%arg9 : memref<128xi32, #tpu.memory_space<vmem>>) semaphore(%arg19 : memref<!tpu.dma_semaphore, #tpu.memory_space<semaphore_mem>>)
      %dma_start3A_379 = arith.constant 0 : i32
      %dma_start3A_380 = arith.constant 0 : i32
      %dma_start3A_381 = tpu.memref_slice %arg2[%dma_start3A_379, %dma_start3A_380] : memref<80000x128xf32, #tpu.memory_space<hbm>> -> memref<80000x128xf32, #tpu.memory_space<hbm>>
      tpu.enqueue_indirect_dma source(%dma_start3A_381 : memref<80000x128xf32, #tpu.memory_space<hbm>>) target(%arg14 : memref<128x128xf32, #tpu.memory_space<vmem>>) offsets(%arg10 : memref<128xi32, #tpu.memory_space<vmem>>) semaphore(%arg20 : memref<!tpu.dma_semaphore, #tpu.memory_space<semaphore_mem>>)
      %dma_wait3A_382 = arith.constant 0 : i32
      %dma_wait3A_383 = arith.constant 0 : i32
      %dma_wait3A_384 = tpu.memref_slice %arg2[%dma_wait3A_382, %dma_wait3A_383] : memref<80000x128xf32, #tpu.memory_space<hbm>> -> memref<80000x128xf32, #tpu.memory_space<hbm>>
      tpu.wait_indirect_dma semaphore(%arg17 : memref<!tpu.dma_semaphore, #tpu.memory_space<semaphore_mem>>) src(%dma_wait3A_384 : memref<80000x128xf32, #tpu.memory_space<hbm>>) dst(%arg11 : memref<128x128xf32, #tpu.memory_space<vmem>>)
      %dma_wait3A_385 = arith.constant 0 : i32
      %dma_wait3A_386 = arith.constant 0 : i32
      %dma_wait3A_387 = tpu.memref_slice %arg2[%dma_wait3A_385, %dma_wait3A_386] : memref<80000x128xf32, #tpu.memory_space<hbm>> -> memref<80000x128xf32, #tpu.memory_space<hbm>>
      tpu.wait_indirect_dma semaphore(%arg18 : memref<!tpu.dma_semaphore, #tpu.memory_space<semaphore_mem>>) src(%dma_wait3A_387 : memref<80000x128xf32, #tpu.memory_space<hbm>>) dst(%arg12 : memref<128x128xf32, #tpu.memory_space<vmem>>)
      %gt3A = arith.constant 0 : i32
      %gt3A_388 = arith.cmpi sgt, %while3A_222, %gt3A : i32
      %convert_element_type3A = arith.extui %gt3A_388 : i1 to i32
      %cond3A = arith.constant 0 : i32
      %cond3A_389 = arith.cmpi ne, %convert_element_type3A, %cond3A : i32
      scf.if %cond3A_389 {
        %sub3A_456 = arith.constant 2 : i32
        %sub3A_457 = arith.subi %mul3A_224, %sub3A_456 : i32
        %mul3A_458 = arith.constant 128 : i32
        %mul3A_459 = arith.muli %sub3A_457, %mul3A_458 : i32
        %add3A_460 = arith.addi %mul3A_6, %mul3A_459 : i32
        %dma_wait3A_461 = arith.constant 0 : i32
        %dma_wait3A_462 = tpu.memref_slice %arg6[%add3A_460, %dma_wait3A_461] : memref<327680x128xf32, #tpu.memory_space<hbm>> -> memref<128x128xf32, #tpu.memory_space<hbm>>
        %dma_wait3A_463 = arith.constant 0 : i32
        %dma_wait3A_464 = tpu.memref_slice %arg6[%add3A_460, %dma_wait3A_463] : memref<327680x128xf32, #tpu.memory_space<hbm>> -> memref<128x128xf32, #tpu.memory_space<hbm>>
        tpu.wait_dma2 semaphore(%arg21 : memref<!tpu.dma_semaphore, #tpu.memory_space<semaphore_mem>>) src(%arg15 : memref<128x128xf32, #tpu.memory_space<vmem>>) dst(%dma_wait3A_464 : memref<128x128xf32, #tpu.memory_space<hbm>>)
      } else {
      }
      %scan3A = arith.constant 0 : i32
      %scan3A_390 = arith.constant 0 : i32
      %scan3A_391 = arith.constant 128 : i32
      %scan3A_392 = arith.addi %scan3A_390, %scan3A_391 : i32
      %scan3A_393 = arith.constant 1 : i32
      scf.for %scan3A_456 = %scan3A_390 to %scan3A_392 step %scan3A_393  : i32 {
        %get3A_457 = arith.index_cast %scan3A_456 : i32 to index
        %get3A_458 = arith.constant 0 : index
        %get3A_459 = tpu.vector_load %arg11[%get3A_457, %get3A_458] {strides = array<i32>} : memref<128x128xf32, #tpu.memory_space<vmem>>, vector<1x16xf32>,
        %get3A_460 = vector.shape_cast %get3A_459 : vector<1x16xf32> to vector<16xf32>
        %get3A_461 = arith.index_cast %scan3A_456 : i32 to index
        %get3A_462 = arith.constant 0 : index
        %get3A_463 = tpu.vector_load %arg12[%get3A_461, %get3A_462] {strides = array<i32>} : memref<128x128xf32, #tpu.memory_space<vmem>>, vector<1x16xf32>,
        %get3A_464 = vector.shape_cast %get3A_463 : vector<1x16xf32> to vector<16xf32>
        %add3A_465 = arith.addf %get3A_460, %get3A_464 : vector<16xf32>
        %swap3A_466 = arith.index_cast %scan3A_456 : i32 to index
        %swap3A_467 = arith.constant 0 : index
        %swap3A_468 = tpu.vector_load %arg15[%swap3A_466, %swap3A_467] {strides = array<i32>} : memref<128x128xf32, #tpu.memory_space<vmem>>, vector<1x16xf32>,
        %swap3A_469 = vector.shape_cast %swap3A_468 : vector<1x16xf32> to vector<16xf32>
        %swap3A_470 = vector.shape_cast %add3A_465 : vector<16xf32> to vector<1x16xf32>
        tpu.vector_store %arg15[%swap3A_466, %swap3A_467], %swap3A_470 {strides = array<i32>} : memref<128x128xf32, #tpu.memory_space<vmem>>, vector<1x16xf32>,
        %get3A_471 = arith.index_cast %scan3A_456 : i32 to index
        %get3A_472 = arith.constant 16 : index
        %get3A_473 = tpu.vector_load %arg11[%get3A_471, %get3A_472] {strides = array<i32>} : memref<128x128xf32, #tpu.memory_space<vmem>>, vector<1x16xf32>,
        %get3A_474 = vector.shape_cast %get3A_473 : vector<1x16xf32> to vector<16xf32>
        %get3A_475 = arith.index_cast %scan3A_456 : i32 to index
        %get3A_476 = arith.constant 16 : index
        %get3A_477 = tpu.vector_load %arg12[%get3A_475, %get3A_476] {strides = array<i32>} : memref<128x128xf32, #tpu.memory_space<vmem>>, vector<1x16xf32>,
        %get3A_478 = vector.shape_cast %get3A_477 : vector<1x16xf32> to vector<16xf32>
        %add3A_479 = arith.addf %get3A_474, %get3A_478 : vector<16xf32>
        %swap3A_480 = arith.index_cast %scan3A_456 : i32 to index
        %swap3A_481 = arith.constant 16 : index
        %swap3A_482 = tpu.vector_load %arg15[%swap3A_480, %swap3A_481] {strides = array<i32>} : memref<128x128xf32, #tpu.memory_space<vmem>>, vector<1x16xf32>,
        %swap3A_483 = vector.shape_cast %swap3A_482 : vector<1x16xf32> to vector<16xf32>
        %swap3A_484 = vector.shape_cast %add3A_479 : vector<16xf32> to vector<1x16xf32>
        tpu.vector_store %arg15[%swap3A_480, %swap3A_481], %swap3A_484 {strides = array<i32>} : memref<128x128xf32, #tpu.memory_space<vmem>>, vector<1x16xf32>,
        %get3A_485 = arith.index_cast %scan3A_456 : i32 to index
        %get3A_486 = arith.constant 32 : index
        %get3A_487 = tpu.vector_load %arg11[%get3A_485, %get3A_486] {strides = array<i32>} : memref<128x128xf32, #tpu.memory_space<vmem>>, vector<1x16xf32>,
        %get3A_488 = vector.shape_cast %get3A_487 : vector<1x16xf32> to vector<16xf32>
        %get3A_489 = arith.index_cast %scan3A_456 : i32 to index
        %get3A_490 = arith.constant 32 : index
        %get3A_491 = tpu.vector_load %arg12[%get3A_489, %get3A_490] {strides = array<i32>} : memref<128x128xf32, #tpu.memory_space<vmem>>, vector<1x16xf32>,
        %get3A_492 = vector.shape_cast %get3A_491 : vector<1x16xf32> to vector<16xf32>
        %add3A_493 = arith.addf %get3A_488, %get3A_492 : vector<16xf32>
        %swap3A_494 = arith.index_cast %scan3A_456 : i32 to index
        %swap3A_495 = arith.constant 32 : index
        %swap3A_496 = tpu.vector_load %arg15[%swap3A_494, %swap3A_495] {strides = array<i32>} : memref<128x128xf32, #tpu.memory_space<vmem>>, vector<1x16xf32>,
        %swap3A_497 = vector.shape_cast %swap3A_496 : vector<1x16xf32> to vector<16xf32>
        %swap3A_498 = vector.shape_cast %add3A_493 : vector<16xf32> to vector<1x16xf32>
        tpu.vector_store %arg15[%swap3A_494, %swap3A_495], %swap3A_498 {strides = array<i32>} : memref<128x128xf32, #tpu.memory_space<vmem>>, vector<1x16xf32>,
        %get3A_499 = arith.index_cast %scan3A_456 : i32 to index
        %get3A_500 = arith.constant 48 : index
        %get3A_501 = tpu.vector_load %arg11[%get3A_499, %get3A_500] {strides = array<i32>} : memref<128x128xf32, #tpu.memory_space<vmem>>, vector<1x16xf32>,
        %get3A_502 = vector.shape_cast %get3A_501 : vector<1x16xf32> to vector<16xf32>
        %get3A_503 = arith.index_cast %scan3A_456 : i32 to index
        %get3A_504 = arith.constant 48 : index
        %get3A_505 = tpu.vector_load %arg12[%get3A_503, %get3A_504] {strides = array<i32>} : memref<128x128xf32, #tpu.memory_space<vmem>>, vector<1x16xf32>,
        %get3A_506 = vector.shape_cast %get3A_505 : vector<1x16xf32> to vector<16xf32>
        %add3A_507 = arith.addf %get3A_502, %get3A_506 : vector<16xf32>
        %swap3A_508 = arith.index_cast %scan3A_456 : i32 to index
        %swap3A_509 = arith.constant 48 : index
        %swap3A_510 = tpu.vector_load %arg15[%swap3A_508, %swap3A_509] {strides = array<i32>} : memref<128x128xf32, #tpu.memory_space<vmem>>, vector<1x16xf32>,
        %swap3A_511 = vector.shape_cast %swap3A_510 : vector<1x16xf32> to vector<16xf32>
        %swap3A_512 = vector.shape_cast %add3A_507 : vector<16xf32> to vector<1x16xf32>
        tpu.vector_store %arg15[%swap3A_508, %swap3A_509], %swap3A_512 {strides = array<i32>} : memref<128x128xf32, #tpu.memory_space<vmem>>, vector<1x16xf32>,
        %get3A_513 = arith.index_cast %scan3A_456 : i32 to index
        %get3A_514 = arith.constant 64 : index
        %get3A_515 = tpu.vector_load %arg11[%get3A_513, %get3A_514] {strides = array<i32>} : memref<128x128xf32, #tpu.memory_space<vmem>>, vector<1x16xf32>,
        %get3A_516 = vector.shape_cast %get3A_515 : vector<1x16xf32> to vector<16xf32>
        %get3A_517 = arith.index_cast %scan3A_456 : i32 to index
        %get3A_518 = arith.constant 64 : index
        %get3A_519 = tpu.vector_load %arg12[%get3A_517, %get3A_518] {strides = array<i32>} : memref<128x128xf32, #tpu.memory_space<vmem>>, vector<1x16xf32>,
        %get3A_520 = vector.shape_cast %get3A_519 : vector<1x16xf32> to vector<16xf32>
        %add3A_521 = arith.addf %get3A_516, %get3A_520 : vector<16xf32>
        %swap3A_522 = arith.index_cast %scan3A_456 : i32 to index
        %swap3A_523 = arith.constant 64 : index
        %swap3A_524 = tpu.vector_load %arg15[%swap3A_522, %swap3A_523] {strides = array<i32>} : memref<128x128xf32, #tpu.memory_space<vmem>>, vector<1x16xf32>,
        %swap3A_525 = vector.shape_cast %swap3A_524 : vector<1x16xf32> to vector<16xf32>
        %swap3A_526 = vector.shape_cast %add3A_521 : vector<16xf32> to vector<1x16xf32>
        tpu.vector_store %arg15[%swap3A_522, %swap3A_523], %swap3A_526 {strides = array<i32>} : memref<128x128xf32, #tpu.memory_space<vmem>>, vector<1x16xf32>,
        %get3A_527 = arith.index_cast %scan3A_456 : i32 to index
        %get3A_528 = arith.constant 80 : index
        %get3A_529 = tpu.vector_load %arg11[%get3A_527, %get3A_528] {strides = array<i32>} : memref<128x128xf32, #tpu.memory_space<vmem>>, vector<1x16xf32>,
        %get3A_530 = vector.shape_cast %get3A_529 : vector<1x16xf32> to vector<16xf32>
        %get3A_531 = arith.index_cast %scan3A_456 : i32 to index
        %get3A_532 = arith.constant 80 : index
        %get3A_533 = tpu.vector_load %arg12[%get3A_531, %get3A_532] {strides = array<i32>} : memref<128x128xf32, #tpu.memory_space<vmem>>, vector<1x16xf32>,
        %get3A_534 = vector.shape_cast %get3A_533 : vector<1x16xf32> to vector<16xf32>
        %add3A_535 = arith.addf %get3A_530, %get3A_534 : vector<16xf32>
        %swap3A_536 = arith.index_cast %scan3A_456 : i32 to index
        %swap3A_537 = arith.constant 80 : index
        %swap3A_538 = tpu.vector_load %arg15[%swap3A_536, %swap3A_537] {strides = array<i32>} : memref<128x128xf32, #tpu.memory_space<vmem>>, vector<1x16xf32>,
        %swap3A_539 = vector.shape_cast %swap3A_538 : vector<1x16xf32> to vector<16xf32>
        %swap3A_540 = vector.shape_cast %add3A_535 : vector<16xf32> to vector<1x16xf32>
        tpu.vector_store %arg15[%swap3A_536, %swap3A_537], %swap3A_540 {strides = array<i32>} : memref<128x128xf32, #tpu.memory_space<vmem>>, vector<1x16xf32>,
        %get3A_541 = arith.index_cast %scan3A_456 : i32 to index
        %get3A_542 = arith.constant 96 : index
        %get3A_543 = tpu.vector_load %arg11[%get3A_541, %get3A_542] {strides = array<i32>} : memref<128x128xf32, #tpu.memory_space<vmem>>, vector<1x16xf32>,
        %get3A_544 = vector.shape_cast %get3A_543 : vector<1x16xf32> to vector<16xf32>
        %get3A_545 = arith.index_cast %scan3A_456 : i32 to index
        %get3A_546 = arith.constant 96 : index
        %get3A_547 = tpu.vector_load %arg12[%get3A_545, %get3A_546] {strides = array<i32>} : memref<128x128xf32, #tpu.memory_space<vmem>>, vector<1x16xf32>,
        %get3A_548 = vector.shape_cast %get3A_547 : vector<1x16xf32> to vector<16xf32>
        %add3A_549 = arith.addf %get3A_544, %get3A_548 : vector<16xf32>
        %swap3A_550 = arith.index_cast %scan3A_456 : i32 to index
        %swap3A_551 = arith.constant 96 : index
        %swap3A_552 = tpu.vector_load %arg15[%swap3A_550, %swap3A_551] {strides = array<i32>} : memref<128x128xf32, #tpu.memory_space<vmem>>, vector<1x16xf32>,
        %swap3A_553 = vector.shape_cast %swap3A_552 : vector<1x16xf32> to vector<16xf32>
        %swap3A_554 = vector.shape_cast %add3A_549 : vector<16xf32> to vector<1x16xf32>
        tpu.vector_store %arg15[%swap3A_550, %swap3A_551], %swap3A_554 {strides = array<i32>} : memref<128x128xf32, #tpu.memory_space<vmem>>, vector<1x16xf32>,
        %get3A_555 = arith.index_cast %scan3A_456 : i32 to index
        %get3A_556 = arith.constant 112 : index
        %get3A_557 = tpu.vector_load %arg11[%get3A_555, %get3A_556] {strides = array<i32>} : memref<128x128xf32, #tpu.memory_space<vmem>>, vector<1x16xf32>,
        %get3A_558 = vector.shape_cast %get3A_557 : vector<1x16xf32> to vector<16xf32>
        %get3A_559 = arith.index_cast %scan3A_456 : i32 to index
        %get3A_560 = arith.constant 112 : index
        %get3A_561 = tpu.vector_load %arg12[%get3A_559, %get3A_560] {strides = array<i32>} : memref<128x128xf32, #tpu.memory_space<vmem>>, vector<1x16xf32>,
        %get3A_562 = vector.shape_cast %get3A_561 : vector<1x16xf32> to vector<16xf32>
        %add3A_563 = arith.addf %get3A_558, %get3A_562 : vector<16xf32>
        %swap3A_564 = arith.index_cast %scan3A_456 : i32 to index
        %swap3A_565 = arith.constant 112 : index
        %swap3A_566 = tpu.vector_load %arg15[%swap3A_564, %swap3A_565] {strides = array<i32>} : memref<128x128xf32, #tpu.memory_space<vmem>>, vector<1x16xf32>,
        %swap3A_567 = vector.shape_cast %swap3A_566 : vector<1x16xf32> to vector<16xf32>
        %swap3A_568 = vector.shape_cast %add3A_563 : vector<16xf32> to vector<1x16xf32>
        tpu.vector_store %arg15[%swap3A_564, %swap3A_565], %swap3A_568 {strides = array<i32>} : memref<128x128xf32, #tpu.memory_space<vmem>>, vector<1x16xf32>,
      }
      %scan3A_394 = arith.constant 128 : i32
      %mul3A_395 = arith.constant 128 : i32
      %mul3A_396 = arith.muli %mul3A_224, %mul3A_395 : i32
      %add3A_397 = arith.addi %mul3A_6, %mul3A_396 : i32
      %dma_start3A_398 = arith.constant 0 : i32
      %dma_start3A_399 = tpu.memref_slice %arg6[%add3A_397, %dma_start3A_398] : memref<327680x128xf32, #tpu.memory_space<hbm>> -> memref<128x128xf32, #tpu.memory_space<hbm>>
      %dma_start3A_400 = arith.constant 0 : i32
      %dma_start3A_401 = tpu.memref_slice %arg6[%add3A_397, %dma_start3A_400] : memref<327680x128xf32, #tpu.memory_space<hbm>> -> memref<128x128xf32, #tpu.memory_space<hbm>>
      tpu.enqueue_dma source(%arg15 : memref<128x128xf32, #tpu.memory_space<vmem>>) target(%dma_start3A_401 : memref<128x128xf32, #tpu.memory_space<hbm>>) target_semaphore(%arg21 : memref<!tpu.dma_semaphore, #tpu.memory_space<semaphore_mem>>)
      %jit3A_402 = arith.constant 2 : i32
      %div3A_403 = arith.divsi %select_n3A, %jit3A_402 : i32
      %sign3A_404 = arith.constant 0 : i32
      %sign3A_405 = arith.cmpi sgt, %select_n3A, %sign3A_404 : i32
      %sign3A_406 = arith.extui %sign3A_405 : i1 to i32
      %sign3A_407 = arith.constant 0 : i32
      %sign3A_408 = arith.cmpi slt, %select_n3A, %sign3A_407 : i32
      %sign3A_409 = arith.extui %sign3A_408 : i1 to i32
      %sign3A_410 = arith.subi %sign3A_406, %sign3A_409 : i32
      %sign3A_411 = arith.constant 0 : i32
      %sign3A_412 = arith.cmpi sgt, %jit3A_402, %sign3A_411 : i32
      %sign3A_413 = arith.extui %sign3A_412 : i1 to i32
      %sign3A_414 = arith.constant 0 : i32
      %sign3A_415 = arith.cmpi slt, %jit3A_402, %sign3A_414 : i32
      %sign3A_416 = arith.extui %sign3A_415 : i1 to i32
      %sign3A_417 = arith.subi %sign3A_413, %sign3A_416 : i32
      %ne3A_418 = arith.cmpi ne, %sign3A_410, %sign3A_417 : i32
      %rem3A_419 = arith.remsi %select_n3A, %jit3A_402 : i32
      %ne3A_420 = arith.constant 0 : i32
      %ne3A_421 = arith.cmpi ne, %rem3A_419, %ne3A_420 : i32
      %and3A_422 = arith.andi %ne3A_418, %ne3A_421 : i1
      %sub3A_423 = arith.constant 1 : i32
      %sub3A_424 = arith.subi %div3A_403, %sub3A_423 : i32
      %select_n3A_425 = arith.select %and3A_422, %sub3A_424, %div3A_403 : i32
      %sub3A_426 = arith.constant 1 : i32
      %sub3A_427 = arith.subi %select_n3A_425, %sub3A_426 : i32
      %lt3A_428 = arith.cmpi slt, %while3A_222, %sub3A_427 : i32
      %convert_element_type3A_429 = arith.extui %lt3A_428 : i1 to i32
      %cond3A_430 = arith.constant 0 : i32
      %cond3A_431 = arith.cmpi ne, %convert_element_type3A_429, %cond3A_430 : i32
      scf.if %cond3A_431 {
        %add3A_456 = arith.constant 2 : i32
        %add3A_457 = arith.addi %mul3A_224, %add3A_456 : i32
        %mul3A_458 = arith.constant 128 : i32
        %mul3A_459 = arith.muli %add3A_457, %mul3A_458 : i32
        %add3A_460 = arith.addi %mul3A_6, %mul3A_459 : i32
        "tpu.region"() ({
          %run_scoped3A = tpu.sem_alloc : memref<!tpu.dma_semaphore, #tpu.memory_space<semaphore_mem>>
          %dma_start3A_611 = tpu.memref_slice %arg3[%add3A_460] : memref<327680xi32, #tpu.memory_space<hbm>> -> memref<128xi32, #tpu.memory_space<hbm>>
          %dma_start3A_612 = tpu.memref_slice %arg3[%add3A_460] : memref<327680xi32, #tpu.memory_space<hbm>> -> memref<128xi32, #tpu.memory_space<hbm>>
          tpu.enqueue_dma source(%dma_start3A_612 : memref<128xi32, #tpu.memory_space<hbm>>) target(%arg7 : memref<128xi32, #tpu.memory_space<vmem>>) target_semaphore(%run_scoped3A : memref<!tpu.dma_semaphore, #tpu.memory_space<semaphore_mem>>)
          %dma_wait3A_613 = tpu.memref_slice %arg3[%add3A_460] : memref<327680xi32, #tpu.memory_space<hbm>> -> memref<128xi32, #tpu.memory_space<hbm>>
          %dma_wait3A_614 = tpu.memref_slice %arg3[%add3A_460] : memref<327680xi32, #tpu.memory_space<hbm>> -> memref<128xi32, #tpu.memory_space<hbm>>
          tpu.wait_dma2 semaphore(%run_scoped3A : memref<!tpu.dma_semaphore, #tpu.memory_space<semaphore_mem>>) src(%dma_wait3A_614 : memref<128xi32, #tpu.memory_space<hbm>>) dst(%arg7 : memref<128xi32, #tpu.memory_space<vmem>>)
          tpu.yield
        }) : () -> ()
        "tpu.region"() ({
          %run_scoped3A = tpu.sem_alloc : memref<!tpu.dma_semaphore, #tpu.memory_space<semaphore_mem>>
          %dma_start3A_611 = tpu.memref_slice %arg4[%add3A_460] : memref<327680xi32, #tpu.memory_space<hbm>> -> memref<128xi32, #tpu.memory_space<hbm>>
          %dma_start3A_612 = tpu.memref_slice %arg4[%add3A_460] : memref<327680xi32, #tpu.memory_space<hbm>> -> memref<128xi32, #tpu.memory_space<hbm>>
          tpu.enqueue_dma source(%dma_start3A_612 : memref<128xi32, #tpu.memory_space<hbm>>) target(%arg8 : memref<128xi32, #tpu.memory_space<vmem>>) target_semaphore(%run_scoped3A : memref<!tpu.dma_semaphore, #tpu.memory_space<semaphore_mem>>)
          %dma_wait3A_613 = tpu.memref_slice %arg4[%add3A_460] : memref<327680xi32, #tpu.memory_space<hbm>> -> memref<128xi32, #tpu.memory_space<hbm>>
          %dma_wait3A_614 = tpu.memref_slice %arg4[%add3A_460] : memref<327680xi32, #tpu.memory_space<hbm>> -> memref<128xi32, #tpu.memory_space<hbm>>
          tpu.wait_dma2 semaphore(%run_scoped3A : memref<!tpu.dma_semaphore, #tpu.memory_space<semaphore_mem>>) src(%dma_wait3A_614 : memref<128xi32, #tpu.memory_space<hbm>>) dst(%arg8 : memref<128xi32, #tpu.memory_space<vmem>>)
          tpu.yield
        }) : () -> ()
        %get3A_461 = arith.constant 0 : index
        %get3A_462 = tpu.vector_load %arg7[%get3A_461] {strides = array<i32>} : memref<128xi32, #tpu.memory_space<vmem>>, vector<16xi32>,
        %get3A_463 = vector.shape_cast %get3A_462 : vector<16xi32> to vector<16xi32>
        %add3A_464 = vector.broadcast %mul3A_23 : i32 to vector<16xi32>
        %add3A_465 = arith.addi %get3A_463, %add3A_464 : vector<16xi32>
        %swap3A_466 = arith.constant 0 : index
        %swap3A_467 = tpu.vector_load %arg7[%swap3A_466] {strides = array<i32>} : memref<128xi32, #tpu.memory_space<vmem>>, vector<16xi32>,
        %swap3A_468 = vector.shape_cast %swap3A_467 : vector<16xi32> to vector<16xi32>
        %swap3A_469 = vector.shape_cast %add3A_465 : vector<16xi32> to vector<16xi32>
        tpu.vector_store %arg7[%swap3A_466], %swap3A_469 {strides = array<i32>} : memref<128xi32, #tpu.memory_space<vmem>>, vector<16xi32>,
        %get3A_470 = arith.constant 0 : index
        %get3A_471 = tpu.vector_load %arg8[%get3A_470] {strides = array<i32>} : memref<128xi32, #tpu.memory_space<vmem>>, vector<16xi32>,
        %get3A_472 = vector.shape_cast %get3A_471 : vector<16xi32> to vector<16xi32>
        %add3A_473 = vector.broadcast %add3A_25 : i32 to vector<16xi32>
        %add3A_474 = arith.addi %get3A_472, %add3A_473 : vector<16xi32>
        %swap3A_475 = arith.constant 0 : index
        %swap3A_476 = tpu.vector_load %arg8[%swap3A_475] {strides = array<i32>} : memref<128xi32, #tpu.memory_space<vmem>>, vector<16xi32>,
        %swap3A_477 = vector.shape_cast %swap3A_476 : vector<16xi32> to vector<16xi32>
        %swap3A_478 = vector.shape_cast %add3A_474 : vector<16xi32> to vector<16xi32>
        tpu.vector_store %arg8[%swap3A_475], %swap3A_478 {strides = array<i32>} : memref<128xi32, #tpu.memory_space<vmem>>, vector<16xi32>,
        %get3A_479 = arith.constant 16 : index
        %get3A_480 = tpu.vector_load %arg7[%get3A_479] {strides = array<i32>} : memref<128xi32, #tpu.memory_space<vmem>>, vector<16xi32>,
        %get3A_481 = vector.shape_cast %get3A_480 : vector<16xi32> to vector<16xi32>
        %add3A_482 = vector.broadcast %mul3A_23 : i32 to vector<16xi32>
        %add3A_483 = arith.addi %get3A_481, %add3A_482 : vector<16xi32>
        %swap3A_484 = arith.constant 16 : index
        %swap3A_485 = tpu.vector_load %arg7[%swap3A_484] {strides = array<i32>} : memref<128xi32, #tpu.memory_space<vmem>>, vector<16xi32>,
        %swap3A_486 = vector.shape_cast %swap3A_485 : vector<16xi32> to vector<16xi32>
        %swap3A_487 = vector.shape_cast %add3A_483 : vector<16xi32> to vector<16xi32>
        tpu.vector_store %arg7[%swap3A_484], %swap3A_487 {strides = array<i32>} : memref<128xi32, #tpu.memory_space<vmem>>, vector<16xi32>,
        %get3A_488 = arith.constant 16 : index
        %get3A_489 = tpu.vector_load %arg8[%get3A_488] {strides = array<i32>} : memref<128xi32, #tpu.memory_space<vmem>>, vector<16xi32>,
        %get3A_490 = vector.shape_cast %get3A_489 : vector<16xi32> to vector<16xi32>
        %add3A_491 = vector.broadcast %add3A_25 : i32 to vector<16xi32>
        %add3A_492 = arith.addi %get3A_490, %add3A_491 : vector<16xi32>
        %swap3A_493 = arith.constant 16 : index
        %swap3A_494 = tpu.vector_load %arg8[%swap3A_493] {strides = array<i32>} : memref<128xi32, #tpu.memory_space<vmem>>, vector<16xi32>,
        %swap3A_495 = vector.shape_cast %swap3A_494 : vector<16xi32> to vector<16xi32>
        %swap3A_496 = vector.shape_cast %add3A_492 : vector<16xi32> to vector<16xi32>
        tpu.vector_store %arg8[%swap3A_493], %swap3A_496 {strides = array<i32>} : memref<128xi32, #tpu.memory_space<vmem>>, vector<16xi32>,
        %get3A_497 = arith.constant 32 : index
        %get3A_498 = tpu.vector_load %arg7[%get3A_497] {strides = array<i32>} : memref<128xi32, #tpu.memory_space<vmem>>, vector<16xi32>,
        %get3A_499 = vector.shape_cast %get3A_498 : vector<16xi32> to vector<16xi32>
        %add3A_500 = vector.broadcast %mul3A_23 : i32 to vector<16xi32>
        %add3A_501 = arith.addi %get3A_499, %add3A_500 : vector<16xi32>
        %swap3A_502 = arith.constant 32 : index
        %swap3A_503 = tpu.vector_load %arg7[%swap3A_502] {strides = array<i32>} : memref<128xi32, #tpu.memory_space<vmem>>, vector<16xi32>,
        %swap3A_504 = vector.shape_cast %swap3A_503 : vector<16xi32> to vector<16xi32>
        %swap3A_505 = vector.shape_cast %add3A_501 : vector<16xi32> to vector<16xi32>
        tpu.vector_store %arg7[%swap3A_502], %swap3A_505 {strides = array<i32>} : memref<128xi32, #tpu.memory_space<vmem>>, vector<16xi32>,
        %get3A_506 = arith.constant 32 : index
        %get3A_507 = tpu.vector_load %arg8[%get3A_506] {strides = array<i32>} : memref<128xi32, #tpu.memory_space<vmem>>, vector<16xi32>,
        %get3A_508 = vector.shape_cast %get3A_507 : vector<16xi32> to vector<16xi32>
        %add3A_509 = vector.broadcast %add3A_25 : i32 to vector<16xi32>
        %add3A_510 = arith.addi %get3A_508, %add3A_509 : vector<16xi32>
        %swap3A_511 = arith.constant 32 : index
        %swap3A_512 = tpu.vector_load %arg8[%swap3A_511] {strides = array<i32>} : memref<128xi32, #tpu.memory_space<vmem>>, vector<16xi32>,
        %swap3A_513 = vector.shape_cast %swap3A_512 : vector<16xi32> to vector<16xi32>
        %swap3A_514 = vector.shape_cast %add3A_510 : vector<16xi32> to vector<16xi32>
        tpu.vector_store %arg8[%swap3A_511], %swap3A_514 {strides = array<i32>} : memref<128xi32, #tpu.memory_space<vmem>>, vector<16xi32>,
        %get3A_515 = arith.constant 48 : index
        %get3A_516 = tpu.vector_load %arg7[%get3A_515] {strides = array<i32>} : memref<128xi32, #tpu.memory_space<vmem>>, vector<16xi32>,
        %get3A_517 = vector.shape_cast %get3A_516 : vector<16xi32> to vector<16xi32>
        %add3A_518 = vector.broadcast %mul3A_23 : i32 to vector<16xi32>
        %add3A_519 = arith.addi %get3A_517, %add3A_518 : vector<16xi32>
        %swap3A_520 = arith.constant 48 : index
        %swap3A_521 = tpu.vector_load %arg7[%swap3A_520] {strides = array<i32>} : memref<128xi32, #tpu.memory_space<vmem>>, vector<16xi32>,
        %swap3A_522 = vector.shape_cast %swap3A_521 : vector<16xi32> to vector<16xi32>
        %swap3A_523 = vector.shape_cast %add3A_519 : vector<16xi32> to vector<16xi32>
        tpu.vector_store %arg7[%swap3A_520], %swap3A_523 {strides = array<i32>} : memref<128xi32, #tpu.memory_space<vmem>>, vector<16xi32>,
        %get3A_524 = arith.constant 48 : index
        %get3A_525 = tpu.vector_load %arg8[%get3A_524] {strides = array<i32>} : memref<128xi32, #tpu.memory_space<vmem>>, vector<16xi32>,
        %get3A_526 = vector.shape_cast %get3A_525 : vector<16xi32> to vector<16xi32>
        %add3A_527 = vector.broadcast %add3A_25 : i32 to vector<16xi32>
        %add3A_528 = arith.addi %get3A_526, %add3A_527 : vector<16xi32>
        %swap3A_529 = arith.constant 48 : index
        %swap3A_530 = tpu.vector_load %arg8[%swap3A_529] {strides = array<i32>} : memref<128xi32, #tpu.memory_space<vmem>>, vector<16xi32>,
        %swap3A_531 = vector.shape_cast %swap3A_530 : vector<16xi32> to vector<16xi32>
        %swap3A_532 = vector.shape_cast %add3A_528 : vector<16xi32> to vector<16xi32>
        tpu.vector_store %arg8[%swap3A_529], %swap3A_532 {strides = array<i32>} : memref<128xi32, #tpu.memory_space<vmem>>, vector<16xi32>,
        %get3A_533 = arith.constant 64 : index
        %get3A_534 = tpu.vector_load %arg7[%get3A_533] {strides = array<i32>} : memref<128xi32, #tpu.memory_space<vmem>>, vector<16xi32>,
        %get3A_535 = vector.shape_cast %get3A_534 : vector<16xi32> to vector<16xi32>
        %add3A_536 = vector.broadcast %mul3A_23 : i32 to vector<16xi32>
        %add3A_537 = arith.addi %get3A_535, %add3A_536 : vector<16xi32>
        %swap3A_538 = arith.constant 64 : index
        %swap3A_539 = tpu.vector_load %arg7[%swap3A_538] {strides = array<i32>} : memref<128xi32, #tpu.memory_space<vmem>>, vector<16xi32>,
        %swap3A_540 = vector.shape_cast %swap3A_539 : vector<16xi32> to vector<16xi32>
        %swap3A_541 = vector.shape_cast %add3A_537 : vector<16xi32> to vector<16xi32>
        tpu.vector_store %arg7[%swap3A_538], %swap3A_541 {strides = array<i32>} : memref<128xi32, #tpu.memory_space<vmem>>, vector<16xi32>,
        %get3A_542 = arith.constant 64 : index
        %get3A_543 = tpu.vector_load %arg8[%get3A_542] {strides = array<i32>} : memref<128xi32, #tpu.memory_space<vmem>>, vector<16xi32>,
        %get3A_544 = vector.shape_cast %get3A_543 : vector<16xi32> to vector<16xi32>
        %add3A_545 = vector.broadcast %add3A_25 : i32 to vector<16xi32>
        %add3A_546 = arith.addi %get3A_544, %add3A_545 : vector<16xi32>
        %swap3A_547 = arith.constant 64 : index
        %swap3A_548 = tpu.vector_load %arg8[%swap3A_547] {strides = array<i32>} : memref<128xi32, #tpu.memory_space<vmem>>, vector<16xi32>,
        %swap3A_549 = vector.shape_cast %swap3A_548 : vector<16xi32> to vector<16xi32>
        %swap3A_550 = vector.shape_cast %add3A_546 : vector<16xi32> to vector<16xi32>
        tpu.vector_store %arg8[%swap3A_547], %swap3A_550 {strides = array<i32>} : memref<128xi32, #tpu.memory_space<vmem>>, vector<16xi32>,
        %get3A_551 = arith.constant 80 : index
        %get3A_552 = tpu.vector_load %arg7[%get3A_551] {strides = array<i32>} : memref<128xi32, #tpu.memory_space<vmem>>, vector<16xi32>,
        %get3A_553 = vector.shape_cast %get3A_552 : vector<16xi32> to vector<16xi32>
        %add3A_554 = vector.broadcast %mul3A_23 : i32 to vector<16xi32>
        %add3A_555 = arith.addi %get3A_553, %add3A_554 : vector<16xi32>
        %swap3A_556 = arith.constant 80 : index
        %swap3A_557 = tpu.vector_load %arg7[%swap3A_556] {strides = array<i32>} : memref<128xi32, #tpu.memory_space<vmem>>, vector<16xi32>,
        %swap3A_558 = vector.shape_cast %swap3A_557 : vector<16xi32> to vector<16xi32>
        %swap3A_559 = vector.shape_cast %add3A_555 : vector<16xi32> to vector<16xi32>
        tpu.vector_store %arg7[%swap3A_556], %swap3A_559 {strides = array<i32>} : memref<128xi32, #tpu.memory_space<vmem>>, vector<16xi32>,
        %get3A_560 = arith.constant 80 : index
        %get3A_561 = tpu.vector_load %arg8[%get3A_560] {strides = array<i32>} : memref<128xi32, #tpu.memory_space<vmem>>, vector<16xi32>,
        %get3A_562 = vector.shape_cast %get3A_561 : vector<16xi32> to vector<16xi32>
        %add3A_563 = vector.broadcast %add3A_25 : i32 to vector<16xi32>
        %add3A_564 = arith.addi %get3A_562, %add3A_563 : vector<16xi32>
        %swap3A_565 = arith.constant 80 : index
        %swap3A_566 = tpu.vector_load %arg8[%swap3A_565] {strides = array<i32>} : memref<128xi32, #tpu.memory_space<vmem>>, vector<16xi32>,
        %swap3A_567 = vector.shape_cast %swap3A_566 : vector<16xi32> to vector<16xi32>
        %swap3A_568 = vector.shape_cast %add3A_564 : vector<16xi32> to vector<16xi32>
        tpu.vector_store %arg8[%swap3A_565], %swap3A_568 {strides = array<i32>} : memref<128xi32, #tpu.memory_space<vmem>>, vector<16xi32>,
        %get3A_569 = arith.constant 96 : index
        %get3A_570 = tpu.vector_load %arg7[%get3A_569] {strides = array<i32>} : memref<128xi32, #tpu.memory_space<vmem>>, vector<16xi32>,
        %get3A_571 = vector.shape_cast %get3A_570 : vector<16xi32> to vector<16xi32>
        %add3A_572 = vector.broadcast %mul3A_23 : i32 to vector<16xi32>
        %add3A_573 = arith.addi %get3A_571, %add3A_572 : vector<16xi32>
        %swap3A_574 = arith.constant 96 : index
        %swap3A_575 = tpu.vector_load %arg7[%swap3A_574] {strides = array<i32>} : memref<128xi32, #tpu.memory_space<vmem>>, vector<16xi32>,
        %swap3A_576 = vector.shape_cast %swap3A_575 : vector<16xi32> to vector<16xi32>
        %swap3A_577 = vector.shape_cast %add3A_573 : vector<16xi32> to vector<16xi32>
        tpu.vector_store %arg7[%swap3A_574], %swap3A_577 {strides = array<i32>} : memref<128xi32, #tpu.memory_space<vmem>>, vector<16xi32>,
        %get3A_578 = arith.constant 96 : index
        %get3A_579 = tpu.vector_load %arg8[%get3A_578] {strides = array<i32>} : memref<128xi32, #tpu.memory_space<vmem>>, vector<16xi32>,
        %get3A_580 = vector.shape_cast %get3A_579 : vector<16xi32> to vector<16xi32>
        %add3A_581 = vector.broadcast %add3A_25 : i32 to vector<16xi32>
        %add3A_582 = arith.addi %get3A_580, %add3A_581 : vector<16xi32>
        %swap3A_583 = arith.constant 96 : index
        %swap3A_584 = tpu.vector_load %arg8[%swap3A_583] {strides = array<i32>} : memref<128xi32, #tpu.memory_space<vmem>>, vector<16xi32>,
        %swap3A_585 = vector.shape_cast %swap3A_584 : vector<16xi32> to vector<16xi32>
        %swap3A_586 = vector.shape_cast %add3A_582 : vector<16xi32> to vector<16xi32>
        tpu.vector_store %arg8[%swap3A_583], %swap3A_586 {strides = array<i32>} : memref<128xi32, #tpu.memory_space<vmem>>, vector<16xi32>,
        %get3A_587 = arith.constant 112 : index
        %get3A_588 = tpu.vector_load %arg7[%get3A_587] {strides = array<i32>} : memref<128xi32, #tpu.memory_space<vmem>>, vector<16xi32>,
        %get3A_589 = vector.shape_cast %get3A_588 : vector<16xi32> to vector<16xi32>
        %add3A_590 = vector.broadcast %mul3A_23 : i32 to vector<16xi32>
        %add3A_591 = arith.addi %get3A_589, %add3A_590 : vector<16xi32>
        %swap3A_592 = arith.constant 112 : index
        %swap3A_593 = tpu.vector_load %arg7[%swap3A_592] {strides = array<i32>} : memref<128xi32, #tpu.memory_space<vmem>>, vector<16xi32>,
        %swap3A_594 = vector.shape_cast %swap3A_593 : vector<16xi32> to vector<16xi32>
        %swap3A_595 = vector.shape_cast %add3A_591 : vector<16xi32> to vector<16xi32>
        tpu.vector_store %arg7[%swap3A_592], %swap3A_595 {strides = array<i32>} : memref<128xi32, #tpu.memory_space<vmem>>, vector<16xi32>,
        %get3A_596 = arith.constant 112 : index
        %get3A_597 = tpu.vector_load %arg8[%get3A_596] {strides = array<i32>} : memref<128xi32, #tpu.memory_space<vmem>>, vector<16xi32>,
        %get3A_598 = vector.shape_cast %get3A_597 : vector<16xi32> to vector<16xi32>
        %add3A_599 = vector.broadcast %add3A_25 : i32 to vector<16xi32>
        %add3A_600 = arith.addi %get3A_598, %add3A_599 : vector<16xi32>
        %swap3A_601 = arith.constant 112 : index
        %swap3A_602 = tpu.vector_load %arg8[%swap3A_601] {strides = array<i32>} : memref<128xi32, #tpu.memory_space<vmem>>, vector<16xi32>,
        %swap3A_603 = vector.shape_cast %swap3A_602 : vector<16xi32> to vector<16xi32>
        %swap3A_604 = vector.shape_cast %add3A_600 : vector<16xi32> to vector<16xi32>
        tpu.vector_store %arg8[%swap3A_601], %swap3A_604 {strides = array<i32>} : memref<128xi32, #tpu.memory_space<vmem>>, vector<16xi32>,
        %dma_start3A_605 = arith.constant 0 : i32
        %dma_start3A_606 = arith.constant 0 : i32
        %dma_start3A_607 = tpu.memref_slice %arg2[%dma_start3A_605, %dma_start3A_606] : memref<80000x128xf32, #tpu.memory_space<hbm>> -> memref<80000x128xf32, #tpu.memory_space<hbm>>
        tpu.enqueue_indirect_dma source(%dma_start3A_607 : memref<80000x128xf32, #tpu.memory_space<hbm>>) target(%arg11 : memref<128x128xf32, #tpu.memory_space<vmem>>) offsets(%arg7 : memref<128xi32, #tpu.memory_space<vmem>>) semaphore(%arg17 : memref<!tpu.dma_semaphore, #tpu.memory_space<semaphore_mem>>)
        %dma_start3A_608 = arith.constant 0 : i32
        %dma_start3A_609 = arith.constant 0 : i32
        %dma_start3A_610 = tpu.memref_slice %arg2[%dma_start3A_608, %dma_start3A_609] : memref<80000x128xf32, #tpu.memory_space<hbm>> -> memref<80000x128xf32, #tpu.memory_space<hbm>>
        tpu.enqueue_indirect_dma source(%dma_start3A_610 : memref<80000x128xf32, #tpu.memory_space<hbm>>) target(%arg12 : memref<128x128xf32, #tpu.memory_space<vmem>>) offsets(%arg8 : memref<128xi32, #tpu.memory_space<vmem>>) semaphore(%arg18 : memref<!tpu.dma_semaphore, #tpu.memory_space<semaphore_mem>>)
      } else {
      }
      %dma_wait3A_432 = arith.constant 0 : i32
      %dma_wait3A_433 = arith.constant 0 : i32
      %dma_wait3A_434 = tpu.memref_slice %arg2[%dma_wait3A_432, %dma_wait3A_433] : memref<80000x128xf32, #tpu.memory_space<hbm>> -> memref<80000x128xf32, #tpu.memory_space<hbm>>
      tpu.wait_indirect_dma semaphore(%arg19 : memref<!tpu.dma_semaphore, #tpu.memory_space<semaphore_mem>>) src(%dma_wait3A_434 : memref<80000x128xf32, #tpu.memory_space<hbm>>) dst(%arg13 : memref<128x128xf32, #tpu.memory_space<vmem>>)
      %dma_wait3A_435 = arith.constant 0 : i32
      %dma_wait3A_436 = arith.constant 0 : i32
      %dma_wait3A_437 = tpu.memref_slice %arg2[%dma_wait3A_435, %dma_wait3A_436] : memref<80000x128xf32, #tpu.memory_space<hbm>> -> memref<80000x128xf32, #tpu.memory_space<hbm>>
      tpu.wait_indirect_dma semaphore(%arg20 : memref<!tpu.dma_semaphore, #tpu.memory_space<semaphore_mem>>) src(%dma_wait3A_437 : memref<80000x128xf32, #tpu.memory_space<hbm>>) dst(%arg14 : memref<128x128xf32, #tpu.memory_space<vmem>>)
      %gt3A_438 = arith.constant 0 : i32
      %gt3A_439 = arith.cmpi sgt, %while3A_222, %gt3A_438 : i32
      %convert_element_type3A_440 = arith.extui %gt3A_439 : i1 to i32
      %cond3A_441 = arith.constant 0 : i32
      %cond3A_442 = arith.cmpi ne, %convert_element_type3A_440, %cond3A_441 : i32
      scf.if %cond3A_442 {
        %sub3A_456 = arith.constant 2 : i32
        %sub3A_457 = arith.subi %add3A_228, %sub3A_456 : i32
        %mul3A_458 = arith.constant 128 : i32
        %mul3A_459 = arith.muli %sub3A_457, %mul3A_458 : i32
        %add3A_460 = arith.addi %mul3A_6, %mul3A_459 : i32
        %dma_wait3A_461 = arith.constant 0 : i32
        %dma_wait3A_462 = tpu.memref_slice %arg6[%add3A_460, %dma_wait3A_461] : memref<327680x128xf32, #tpu.memory_space<hbm>> -> memref<128x128xf32, #tpu.memory_space<hbm>>
        %dma_wait3A_463 = arith.constant 0 : i32
        %dma_wait3A_464 = tpu.memref_slice %arg6[%add3A_460, %dma_wait3A_463] : memref<327680x128xf32, #tpu.memory_space<hbm>> -> memref<128x128xf32, #tpu.memory_space<hbm>>
        tpu.wait_dma2 semaphore(%arg22 : memref<!tpu.dma_semaphore, #tpu.memory_space<semaphore_mem>>) src(%arg16 : memref<128x128xf32, #tpu.memory_space<vmem>>) dst(%dma_wait3A_464 : memref<128x128xf32, #tpu.memory_space<hbm>>)
      } else {
      }
      %scan3A_443 = arith.constant 0 : i32
      %scan3A_444 = arith.constant 0 : i32
      %scan3A_445 = arith.constant 128 : i32
      %scan3A_446 = arith.addi %scan3A_444, %scan3A_445 : i32
      %scan3A_447 = arith.constant 1 : i32
      scf.for %scan3A_456 = %scan3A_444 to %scan3A_446 step %scan3A_447  : i32 {
        %get3A_457 = arith.index_cast %scan3A_456 : i32 to index
        %get3A_458 = arith.constant 0 : index
        %get3A_459 = tpu.vector_load %arg13[%get3A_457, %get3A_458] {strides = array<i32>} : memref<128x128xf32, #tpu.memory_space<vmem>>, vector<1x16xf32>,
        %get3A_460 = vector.shape_cast %get3A_459 : vector<1x16xf32> to vector<16xf32>
        %get3A_461 = arith.index_cast %scan3A_456 : i32 to index
        %get3A_462 = arith.constant 0 : index
        %get3A_463 = tpu.vector_load %arg14[%get3A_461, %get3A_462] {strides = array<i32>} : memref<128x128xf32, #tpu.memory_space<vmem>>, vector<1x16xf32>,
        %get3A_464 = vector.shape_cast %get3A_463 : vector<1x16xf32> to vector<16xf32>
        %add3A_465 = arith.addf %get3A_460, %get3A_464 : vector<16xf32>
        %swap3A_466 = arith.index_cast %scan3A_456 : i32 to index
        %swap3A_467 = arith.constant 0 : index
        %swap3A_468 = tpu.vector_load %arg16[%swap3A_466, %swap3A_467] {strides = array<i32>} : memref<128x128xf32, #tpu.memory_space<vmem>>, vector<1x16xf32>,
        %swap3A_469 = vector.shape_cast %swap3A_468 : vector<1x16xf32> to vector<16xf32>
        %swap3A_470 = vector.shape_cast %add3A_465 : vector<16xf32> to vector<1x16xf32>
        tpu.vector_store %arg16[%swap3A_466, %swap3A_467], %swap3A_470 {strides = array<i32>} : memref<128x128xf32, #tpu.memory_space<vmem>>, vector<1x16xf32>,
        %get3A_471 = arith.index_cast %scan3A_456 : i32 to index
        %get3A_472 = arith.constant 16 : index
        %get3A_473 = tpu.vector_load %arg13[%get3A_471, %get3A_472] {strides = array<i32>} : memref<128x128xf32, #tpu.memory_space<vmem>>, vector<1x16xf32>,
        %get3A_474 = vector.shape_cast %get3A_473 : vector<1x16xf32> to vector<16xf32>
        %get3A_475 = arith.index_cast %scan3A_456 : i32 to index
        %get3A_476 = arith.constant 16 : index
        %get3A_477 = tpu.vector_load %arg14[%get3A_475, %get3A_476] {strides = array<i32>} : memref<128x128xf32, #tpu.memory_space<vmem>>, vector<1x16xf32>,
        %get3A_478 = vector.shape_cast %get3A_477 : vector<1x16xf32> to vector<16xf32>
        %add3A_479 = arith.addf %get3A_474, %get3A_478 : vector<16xf32>
        %swap3A_480 = arith.index_cast %scan3A_456 : i32 to index
        %swap3A_481 = arith.constant 16 : index
        %swap3A_482 = tpu.vector_load %arg16[%swap3A_480, %swap3A_481] {strides = array<i32>} : memref<128x128xf32, #tpu.memory_space<vmem>>, vector<1x16xf32>,
        %swap3A_483 = vector.shape_cast %swap3A_482 : vector<1x16xf32> to vector<16xf32>
        %swap3A_484 = vector.shape_cast %add3A_479 : vector<16xf32> to vector<1x16xf32>
        tpu.vector_store %arg16[%swap3A_480, %swap3A_481], %swap3A_484 {strides = array<i32>} : memref<128x128xf32, #tpu.memory_space<vmem>>, vector<1x16xf32>,
        %get3A_485 = arith.index_cast %scan3A_456 : i32 to index
        %get3A_486 = arith.constant 32 : index
        %get3A_487 = tpu.vector_load %arg13[%get3A_485, %get3A_486] {strides = array<i32>} : memref<128x128xf32, #tpu.memory_space<vmem>>, vector<1x16xf32>,
        %get3A_488 = vector.shape_cast %get3A_487 : vector<1x16xf32> to vector<16xf32>
        %get3A_489 = arith.index_cast %scan3A_456 : i32 to index
        %get3A_490 = arith.constant 32 : index
        %get3A_491 = tpu.vector_load %arg14[%get3A_489, %get3A_490] {strides = array<i32>} : memref<128x128xf32, #tpu.memory_space<vmem>>, vector<1x16xf32>,
        %get3A_492 = vector.shape_cast %get3A_491 : vector<1x16xf32> to vector<16xf32>
        %add3A_493 = arith.addf %get3A_488, %get3A_492 : vector<16xf32>
        %swap3A_494 = arith.index_cast %scan3A_456 : i32 to index
        %swap3A_495 = arith.constant 32 : index
        %swap3A_496 = tpu.vector_load %arg16[%swap3A_494, %swap3A_495] {strides = array<i32>} : memref<128x128xf32, #tpu.memory_space<vmem>>, vector<1x16xf32>,
        %swap3A_497 = vector.shape_cast %swap3A_496 : vector<1x16xf32> to vector<16xf32>
        %swap3A_498 = vector.shape_cast %add3A_493 : vector<16xf32> to vector<1x16xf32>
        tpu.vector_store %arg16[%swap3A_494, %swap3A_495], %swap3A_498 {strides = array<i32>} : memref<128x128xf32, #tpu.memory_space<vmem>>, vector<1x16xf32>,
        %get3A_499 = arith.index_cast %scan3A_456 : i32 to index
        %get3A_500 = arith.constant 48 : index
        %get3A_501 = tpu.vector_load %arg13[%get3A_499, %get3A_500] {strides = array<i32>} : memref<128x128xf32, #tpu.memory_space<vmem>>, vector<1x16xf32>,
        %get3A_502 = vector.shape_cast %get3A_501 : vector<1x16xf32> to vector<16xf32>
        %get3A_503 = arith.index_cast %scan3A_456 : i32 to index
        %get3A_504 = arith.constant 48 : index
        %get3A_505 = tpu.vector_load %arg14[%get3A_503, %get3A_504] {strides = array<i32>} : memref<128x128xf32, #tpu.memory_space<vmem>>, vector<1x16xf32>,
        %get3A_506 = vector.shape_cast %get3A_505 : vector<1x16xf32> to vector<16xf32>
        %add3A_507 = arith.addf %get3A_502, %get3A_506 : vector<16xf32>
        %swap3A_508 = arith.index_cast %scan3A_456 : i32 to index
        %swap3A_509 = arith.constant 48 : index
        %swap3A_510 = tpu.vector_load %arg16[%swap3A_508, %swap3A_509] {strides = array<i32>} : memref<128x128xf32, #tpu.memory_space<vmem>>, vector<1x16xf32>,
        %swap3A_511 = vector.shape_cast %swap3A_510 : vector<1x16xf32> to vector<16xf32>
        %swap3A_512 = vector.shape_cast %add3A_507 : vector<16xf32> to vector<1x16xf32>
        tpu.vector_store %arg16[%swap3A_508, %swap3A_509], %swap3A_512 {strides = array<i32>} : memref<128x128xf32, #tpu.memory_space<vmem>>, vector<1x16xf32>,
        %get3A_513 = arith.index_cast %scan3A_456 : i32 to index
        %get3A_514 = arith.constant 64 : index
        %get3A_515 = tpu.vector_load %arg13[%get3A_513, %get3A_514] {strides = array<i32>} : memref<128x128xf32, #tpu.memory_space<vmem>>, vector<1x16xf32>,
        %get3A_516 = vector.shape_cast %get3A_515 : vector<1x16xf32> to vector<16xf32>
        %get3A_517 = arith.index_cast %scan3A_456 : i32 to index
        %get3A_518 = arith.constant 64 : index
        %get3A_519 = tpu.vector_load %arg14[%get3A_517, %get3A_518] {strides = array<i32>} : memref<128x128xf32, #tpu.memory_space<vmem>>, vector<1x16xf32>,
        %get3A_520 = vector.shape_cast %get3A_519 : vector<1x16xf32> to vector<16xf32>
        %add3A_521 = arith.addf %get3A_516, %get3A_520 : vector<16xf32>
        %swap3A_522 = arith.index_cast %scan3A_456 : i32 to index
        %swap3A_523 = arith.constant 64 : index
        %swap3A_524 = tpu.vector_load %arg16[%swap3A_522, %swap3A_523] {strides = array<i32>} : memref<128x128xf32, #tpu.memory_space<vmem>>, vector<1x16xf32>,
        %swap3A_525 = vector.shape_cast %swap3A_524 : vector<1x16xf32> to vector<16xf32>
        %swap3A_526 = vector.shape_cast %add3A_521 : vector<16xf32> to vector<1x16xf32>
        tpu.vector_store %arg16[%swap3A_522, %swap3A_523], %swap3A_526 {strides = array<i32>} : memref<128x128xf32, #tpu.memory_space<vmem>>, vector<1x16xf32>,
        %get3A_527 = arith.index_cast %scan3A_456 : i32 to index
        %get3A_528 = arith.constant 80 : index
        %get3A_529 = tpu.vector_load %arg13[%get3A_527, %get3A_528] {strides = array<i32>} : memref<128x128xf32, #tpu.memory_space<vmem>>, vector<1x16xf32>,
        %get3A_530 = vector.shape_cast %get3A_529 : vector<1x16xf32> to vector<16xf32>
        %get3A_531 = arith.index_cast %scan3A_456 : i32 to index
        %get3A_532 = arith.constant 80 : index
        %get3A_533 = tpu.vector_load %arg14[%get3A_531, %get3A_532] {strides = array<i32>} : memref<128x128xf32, #tpu.memory_space<vmem>>, vector<1x16xf32>,
        %get3A_534 = vector.shape_cast %get3A_533 : vector<1x16xf32> to vector<16xf32>
        %add3A_535 = arith.addf %get3A_530, %get3A_534 : vector<16xf32>
        %swap3A_536 = arith.index_cast %scan3A_456 : i32 to index
        %swap3A_537 = arith.constant 80 : index
        %swap3A_538 = tpu.vector_load %arg16[%swap3A_536, %swap3A_537] {strides = array<i32>} : memref<128x128xf32, #tpu.memory_space<vmem>>, vector<1x16xf32>,
        %swap3A_539 = vector.shape_cast %swap3A_538 : vector<1x16xf32> to vector<16xf32>
        %swap3A_540 = vector.shape_cast %add3A_535 : vector<16xf32> to vector<1x16xf32>
        tpu.vector_store %arg16[%swap3A_536, %swap3A_537], %swap3A_540 {strides = array<i32>} : memref<128x128xf32, #tpu.memory_space<vmem>>, vector<1x16xf32>,
        %get3A_541 = arith.index_cast %scan3A_456 : i32 to index
        %get3A_542 = arith.constant 96 : index
        %get3A_543 = tpu.vector_load %arg13[%get3A_541, %get3A_542] {strides = array<i32>} : memref<128x128xf32, #tpu.memory_space<vmem>>, vector<1x16xf32>,
        %get3A_544 = vector.shape_cast %get3A_543 : vector<1x16xf32> to vector<16xf32>
        %get3A_545 = arith.index_cast %scan3A_456 : i32 to index
        %get3A_546 = arith.constant 96 : index
        %get3A_547 = tpu.vector_load %arg14[%get3A_545, %get3A_546] {strides = array<i32>} : memref<128x128xf32, #tpu.memory_space<vmem>>, vector<1x16xf32>,
        %get3A_548 = vector.shape_cast %get3A_547 : vector<1x16xf32> to vector<16xf32>
        %add3A_549 = arith.addf %get3A_544, %get3A_548 : vector<16xf32>
        %swap3A_550 = arith.index_cast %scan3A_456 : i32 to index
        %swap3A_551 = arith.constant 96 : index
        %swap3A_552 = tpu.vector_load %arg16[%swap3A_550, %swap3A_551] {strides = array<i32>} : memref<128x128xf32, #tpu.memory_space<vmem>>, vector<1x16xf32>,
        %swap3A_553 = vector.shape_cast %swap3A_552 : vector<1x16xf32> to vector<16xf32>
        %swap3A_554 = vector.shape_cast %add3A_549 : vector<16xf32> to vector<1x16xf32>
        tpu.vector_store %arg16[%swap3A_550, %swap3A_551], %swap3A_554 {strides = array<i32>} : memref<128x128xf32, #tpu.memory_space<vmem>>, vector<1x16xf32>,
        %get3A_555 = arith.index_cast %scan3A_456 : i32 to index
        %get3A_556 = arith.constant 112 : index
        %get3A_557 = tpu.vector_load %arg13[%get3A_555, %get3A_556] {strides = array<i32>} : memref<128x128xf32, #tpu.memory_space<vmem>>, vector<1x16xf32>,
        %get3A_558 = vector.shape_cast %get3A_557 : vector<1x16xf32> to vector<16xf32>
        %get3A_559 = arith.index_cast %scan3A_456 : i32 to index
        %get3A_560 = arith.constant 112 : index
        %get3A_561 = tpu.vector_load %arg14[%get3A_559, %get3A_560] {strides = array<i32>} : memref<128x128xf32, #tpu.memory_space<vmem>>, vector<1x16xf32>,
        %get3A_562 = vector.shape_cast %get3A_561 : vector<1x16xf32> to vector<16xf32>
        %add3A_563 = arith.addf %get3A_558, %get3A_562 : vector<16xf32>
        %swap3A_564 = arith.index_cast %scan3A_456 : i32 to index
        %swap3A_565 = arith.constant 112 : index
        %swap3A_566 = tpu.vector_load %arg16[%swap3A_564, %swap3A_565] {strides = array<i32>} : memref<128x128xf32, #tpu.memory_space<vmem>>, vector<1x16xf32>,
        %swap3A_567 = vector.shape_cast %swap3A_566 : vector<1x16xf32> to vector<16xf32>
        %swap3A_568 = vector.shape_cast %add3A_563 : vector<16xf32> to vector<1x16xf32>
        tpu.vector_store %arg16[%swap3A_564, %swap3A_565], %swap3A_568 {strides = array<i32>} : memref<128x128xf32, #tpu.memory_space<vmem>>, vector<1x16xf32>,
      }
      %scan3A_448 = arith.constant 128 : i32
      %mul3A_449 = arith.constant 128 : i32
      %mul3A_450 = arith.muli %add3A_228, %mul3A_449 : i32
      %add3A_451 = arith.addi %mul3A_6, %mul3A_450 : i32
      %dma_start3A_452 = arith.constant 0 : i32
      %dma_start3A_453 = tpu.memref_slice %arg6[%add3A_451, %dma_start3A_452] : memref<327680x128xf32, #tpu.memory_space<hbm>> -> memref<128x128xf32, #tpu.memory_space<hbm>>
      %dma_start3A_454 = arith.constant 0 : i32
      %dma_start3A_455 = tpu.memref_slice %arg6[%add3A_451, %dma_start3A_454] : memref<327680x128xf32, #tpu.memory_space<hbm>> -> memref<128x128xf32, #tpu.memory_space<hbm>>
      tpu.enqueue_dma source(%arg16 : memref<128x128xf32, #tpu.memory_space<vmem>>) target(%dma_start3A_455 : memref<128x128xf32, #tpu.memory_space<hbm>>) target_semaphore(%arg22 : memref<!tpu.dma_semaphore, #tpu.memory_space<semaphore_mem>>)
    }
    %while3A_204 = arith.constant 1 : i32
    scf.for %while3A_222 = %while3A_202 to %while3A_198 step %while3A_204  : i32 {
      %mul3A_223 = arith.constant 2 : i32
      %mul3A_224 = arith.muli %mul3A_223, %while3A_222 : i32
      %mul3A_225 = arith.constant 2 : i32
      %mul3A_226 = arith.muli %mul3A_225, %while3A_222 : i32
      %add3A_227 = arith.constant 1 : i32
      %add3A_228 = arith.addi %mul3A_226, %add3A_227 : i32
      %mul3A_229 = arith.constant 128 : i32
      %mul3A_230 = arith.muli %add3A_228, %mul3A_229 : i32
      %add3A_231 = arith.addi %mul3A_6, %mul3A_230 : i32
      "tpu.region"() ({
        %run_scoped3A = tpu.sem_alloc : memref<!tpu.dma_semaphore, #tpu.memory_space<semaphore_mem>>
        %dma_start3A_456 = tpu.memref_slice %arg3[%add3A_231] : memref<327680xi32, #tpu.memory_space<hbm>> -> memref<128xi32, #tpu.memory_space<hbm>>
        %dma_start3A_457 = tpu.memref_slice %arg3[%add3A_231] : memref<327680xi32, #tpu.memory_space<hbm>> -> memref<128xi32, #tpu.memory_space<hbm>>
        tpu.enqueue_dma source(%dma_start3A_457 : memref<128xi32, #tpu.memory_space<hbm>>) target(%arg9 : memref<128xi32, #tpu.memory_space<vmem>>) target_semaphore(%run_scoped3A : memref<!tpu.dma_semaphore, #tpu.memory_space<semaphore_mem>>)
        %dma_wait3A_458 = tpu.memref_slice %arg3[%add3A_231] : memref<327680xi32, #tpu.memory_space<hbm>> -> memref<128xi32, #tpu.memory_space<hbm>>
        %dma_wait3A_459 = tpu.memref_slice %arg3[%add3A_231] : memref<327680xi32, #tpu.memory_space<hbm>> -> memref<128xi32, #tpu.memory_space<hbm>>
        tpu.wait_dma2 semaphore(%run_scoped3A : memref<!tpu.dma_semaphore, #tpu.memory_space<semaphore_mem>>) src(%dma_wait3A_459 : memref<128xi32, #tpu.memory_space<hbm>>) dst(%arg9 : memref<128xi32, #tpu.memory_space<vmem>>)
        tpu.yield
      }) : () -> ()
      "tpu.region"() ({
        %run_scoped3A = tpu.sem_alloc : memref<!tpu.dma_semaphore, #tpu.memory_space<semaphore_mem>>
        %dma_start3A_456 = tpu.memref_slice %arg4[%add3A_231] : memref<327680xi32, #tpu.memory_space<hbm>> -> memref<128xi32, #tpu.memory_space<hbm>>
        %dma_start3A_457 = tpu.memref_slice %arg4[%add3A_231] : memref<327680xi32, #tpu.memory_space<hbm>> -> memref<128xi32, #tpu.memory_space<hbm>>
        tpu.enqueue_dma source(%dma_start3A_457 : memref<128xi32, #tpu.memory_space<hbm>>) target(%arg10 : memref<128xi32, #tpu.memory_space<vmem>>) target_semaphore(%run_scoped3A : memref<!tpu.dma_semaphore, #tpu.memory_space<semaphore_mem>>)
        %dma_wait3A_458 = tpu.memref_slice %arg4[%add3A_231] : memref<327680xi32, #tpu.memory_space<hbm>> -> memref<128xi32, #tpu.memory_space<hbm>>
        %dma_wait3A_459 = tpu.memref_slice %arg4[%add3A_231] : memref<327680xi32, #tpu.memory_space<hbm>> -> memref<128xi32, #tpu.memory_space<hbm>>
        tpu.wait_dma2 semaphore(%run_scoped3A : memref<!tpu.dma_semaphore, #tpu.memory_space<semaphore_mem>>) src(%dma_wait3A_459 : memref<128xi32, #tpu.memory_space<hbm>>) dst(%arg10 : memref<128xi32, #tpu.memory_space<vmem>>)
        tpu.yield
      }) : () -> ()
      %get3A_232 = arith.constant 0 : index
      %get3A_233 = tpu.vector_load %arg9[%get3A_232] {strides = array<i32>} : memref<128xi32, #tpu.memory_space<vmem>>, vector<16xi32>,
      %get3A_234 = vector.shape_cast %get3A_233 : vector<16xi32> to vector<16xi32>
      %add3A_235 = vector.broadcast %mul3A_23 : i32 to vector<16xi32>
      %add3A_236 = arith.addi %get3A_234, %add3A_235 : vector<16xi32>
      %swap3A_237 = arith.constant 0 : index
      %swap3A_238 = tpu.vector_load %arg9[%swap3A_237] {strides = array<i32>} : memref<128xi32, #tpu.memory_space<vmem>>, vector<16xi32>,
      %swap3A_239 = vector.shape_cast %swap3A_238 : vector<16xi32> to vector<16xi32>
      %swap3A_240 = vector.shape_cast %add3A_236 : vector<16xi32> to vector<16xi32>
      tpu.vector_store %arg9[%swap3A_237], %swap3A_240 {strides = array<i32>} : memref<128xi32, #tpu.memory_space<vmem>>, vector<16xi32>,
      %get3A_241 = arith.constant 0 : index
      %get3A_242 = tpu.vector_load %arg10[%get3A_241] {strides = array<i32>} : memref<128xi32, #tpu.memory_space<vmem>>, vector<16xi32>,
      %get3A_243 = vector.shape_cast %get3A_242 : vector<16xi32> to vector<16xi32>
      %add3A_244 = vector.broadcast %add3A_25 : i32 to vector<16xi32>
      %add3A_245 = arith.addi %get3A_243, %add3A_244 : vector<16xi32>
      %swap3A_246 = arith.constant 0 : index
      %swap3A_247 = tpu.vector_load %arg10[%swap3A_246] {strides = array<i32>} : memref<128xi32, #tpu.memory_space<vmem>>, vector<16xi32>,
      %swap3A_248 = vector.shape_cast %swap3A_247 : vector<16xi32> to vector<16xi32>
      %swap3A_249 = vector.shape_cast %add3A_245 : vector<16xi32> to vector<16xi32>
      tpu.vector_store %arg10[%swap3A_246], %swap3A_249 {strides = array<i32>} : memref<128xi32, #tpu.memory_space<vmem>>, vector<16xi32>,
      %get3A_250 = arith.constant 16 : index
      %get3A_251 = tpu.vector_load %arg9[%get3A_250] {strides = array<i32>} : memref<128xi32, #tpu.memory_space<vmem>>, vector<16xi32>,
      %get3A_252 = vector.shape_cast %get3A_251 : vector<16xi32> to vector<16xi32>
      %add3A_253 = vector.broadcast %mul3A_23 : i32 to vector<16xi32>
      %add3A_254 = arith.addi %get3A_252, %add3A_253 : vector<16xi32>
      %swap3A_255 = arith.constant 16 : index
      %swap3A_256 = tpu.vector_load %arg9[%swap3A_255] {strides = array<i32>} : memref<128xi32, #tpu.memory_space<vmem>>, vector<16xi32>,
      %swap3A_257 = vector.shape_cast %swap3A_256 : vector<16xi32> to vector<16xi32>
      %swap3A_258 = vector.shape_cast %add3A_254 : vector<16xi32> to vector<16xi32>
      tpu.vector_store %arg9[%swap3A_255], %swap3A_258 {strides = array<i32>} : memref<128xi32, #tpu.memory_space<vmem>>, vector<16xi32>,
      %get3A_259 = arith.constant 16 : index
      %get3A_260 = tpu.vector_load %arg10[%get3A_259] {strides = array<i32>} : memref<128xi32, #tpu.memory_space<vmem>>, vector<16xi32>,
      %get3A_261 = vector.shape_cast %get3A_260 : vector<16xi32> to vector<16xi32>
      %add3A_262 = vector.broadcast %add3A_25 : i32 to vector<16xi32>
      %add3A_263 = arith.addi %get3A_261, %add3A_262 : vector<16xi32>
      %swap3A_264 = arith.constant 16 : index
      %swap3A_265 = tpu.vector_load %arg10[%swap3A_264] {strides = array<i32>} : memref<128xi32, #tpu.memory_space<vmem>>, vector<16xi32>,
      %swap3A_266 = vector.shape_cast %swap3A_265 : vector<16xi32> to vector<16xi32>
      %swap3A_267 = vector.shape_cast %add3A_263 : vector<16xi32> to vector<16xi32>
      tpu.vector_store %arg10[%swap3A_264], %swap3A_267 {strides = array<i32>} : memref<128xi32, #tpu.memory_space<vmem>>, vector<16xi32>,
      %get3A_268 = arith.constant 32 : index
      %get3A_269 = tpu.vector_load %arg9[%get3A_268] {strides = array<i32>} : memref<128xi32, #tpu.memory_space<vmem>>, vector<16xi32>,
      %get3A_270 = vector.shape_cast %get3A_269 : vector<16xi32> to vector<16xi32>
      %add3A_271 = vector.broadcast %mul3A_23 : i32 to vector<16xi32>
      %add3A_272 = arith.addi %get3A_270, %add3A_271 : vector<16xi32>
      %swap3A_273 = arith.constant 32 : index
      %swap3A_274 = tpu.vector_load %arg9[%swap3A_273] {strides = array<i32>} : memref<128xi32, #tpu.memory_space<vmem>>, vector<16xi32>,
      %swap3A_275 = vector.shape_cast %swap3A_274 : vector<16xi32> to vector<16xi32>
      %swap3A_276 = vector.shape_cast %add3A_272 : vector<16xi32> to vector<16xi32>
      tpu.vector_store %arg9[%swap3A_273], %swap3A_276 {strides = array<i32>} : memref<128xi32, #tpu.memory_space<vmem>>, vector<16xi32>,
      %get3A_277 = arith.constant 32 : index
      %get3A_278 = tpu.vector_load %arg10[%get3A_277] {strides = array<i32>} : memref<128xi32, #tpu.memory_space<vmem>>, vector<16xi32>,
      %get3A_279 = vector.shape_cast %get3A_278 : vector<16xi32> to vector<16xi32>
      %add3A_280 = vector.broadcast %add3A_25 : i32 to vector<16xi32>
      %add3A_281 = arith.addi %get3A_279, %add3A_280 : vector<16xi32>
      %swap3A_282 = arith.constant 32 : index
      %swap3A_283 = tpu.vector_load %arg10[%swap3A_282] {strides = array<i32>} : memref<128xi32, #tpu.memory_space<vmem>>, vector<16xi32>,
      %swap3A_284 = vector.shape_cast %swap3A_283 : vector<16xi32> to vector<16xi32>
      %swap3A_285 = vector.shape_cast %add3A_281 : vector<16xi32> to vector<16xi32>
      tpu.vector_store %arg10[%swap3A_282], %swap3A_285 {strides = array<i32>} : memref<128xi32, #tpu.memory_space<vmem>>, vector<16xi32>,
      %get3A_286 = arith.constant 48 : index
      %get3A_287 = tpu.vector_load %arg9[%get3A_286] {strides = array<i32>} : memref<128xi32, #tpu.memory_space<vmem>>, vector<16xi32>,
      %get3A_288 = vector.shape_cast %get3A_287 : vector<16xi32> to vector<16xi32>
      %add3A_289 = vector.broadcast %mul3A_23 : i32 to vector<16xi32>
      %add3A_290 = arith.addi %get3A_288, %add3A_289 : vector<16xi32>
      %swap3A_291 = arith.constant 48 : index
      %swap3A_292 = tpu.vector_load %arg9[%swap3A_291] {strides = array<i32>} : memref<128xi32, #tpu.memory_space<vmem>>, vector<16xi32>,
      %swap3A_293 = vector.shape_cast %swap3A_292 : vector<16xi32> to vector<16xi32>
      %swap3A_294 = vector.shape_cast %add3A_290 : vector<16xi32> to vector<16xi32>
      tpu.vector_store %arg9[%swap3A_291], %swap3A_294 {strides = array<i32>} : memref<128xi32, #tpu.memory_space<vmem>>, vector<16xi32>,
      %get3A_295 = arith.constant 48 : index
      %get3A_296 = tpu.vector_load %arg10[%get3A_295] {strides = array<i32>} : memref<128xi32, #tpu.memory_space<vmem>>, vector<16xi32>,
      %get3A_297 = vector.shape_cast %get3A_296 : vector<16xi32> to vector<16xi32>
      %add3A_298 = vector.broadcast %add3A_25 : i32 to vector<16xi32>
      %add3A_299 = arith.addi %get3A_297, %add3A_298 : vector<16xi32>
      %swap3A_300 = arith.constant 48 : index
      %swap3A_301 = tpu.vector_load %arg10[%swap3A_300] {strides = array<i32>} : memref<128xi32, #tpu.memory_space<vmem>>, vector<16xi32>,
      %swap3A_302 = vector.shape_cast %swap3A_301 : vector<16xi32> to vector<16xi32>
      %swap3A_303 = vector.shape_cast %add3A_299 : vector<16xi32> to vector<16xi32>
      tpu.vector_store %arg10[%swap3A_300], %swap3A_303 {strides = array<i32>} : memref<128xi32, #tpu.memory_space<vmem>>, vector<16xi32>,
      %get3A_304 = arith.constant 64 : index
      %get3A_305 = tpu.vector_load %arg9[%get3A_304] {strides = array<i32>} : memref<128xi32, #tpu.memory_space<vmem>>, vector<16xi32>,
      %get3A_306 = vector.shape_cast %get3A_305 : vector<16xi32> to vector<16xi32>
      %add3A_307 = vector.broadcast %mul3A_23 : i32 to vector<16xi32>
      %add3A_308 = arith.addi %get3A_306, %add3A_307 : vector<16xi32>
      %swap3A_309 = arith.constant 64 : index
      %swap3A_310 = tpu.vector_load %arg9[%swap3A_309] {strides = array<i32>} : memref<128xi32, #tpu.memory_space<vmem>>, vector<16xi32>,
      %swap3A_311 = vector.shape_cast %swap3A_310 : vector<16xi32> to vector<16xi32>
      %swap3A_312 = vector.shape_cast %add3A_308 : vector<16xi32> to vector<16xi32>
      tpu.vector_store %arg9[%swap3A_309], %swap3A_312 {strides = array<i32>} : memref<128xi32, #tpu.memory_space<vmem>>, vector<16xi32>,
      %get3A_313 = arith.constant 64 : index
      %get3A_314 = tpu.vector_load %arg10[%get3A_313] {strides = array<i32>} : memref<128xi32, #tpu.memory_space<vmem>>, vector<16xi32>,
      %get3A_315 = vector.shape_cast %get3A_314 : vector<16xi32> to vector<16xi32>
      %add3A_316 = vector.broadcast %add3A_25 : i32 to vector<16xi32>
      %add3A_317 = arith.addi %get3A_315, %add3A_316 : vector<16xi32>
      %swap3A_318 = arith.constant 64 : index
      %swap3A_319 = tpu.vector_load %arg10[%swap3A_318] {strides = array<i32>} : memref<128xi32, #tpu.memory_space<vmem>>, vector<16xi32>,
      %swap3A_320 = vector.shape_cast %swap3A_319 : vector<16xi32> to vector<16xi32>
      %swap3A_321 = vector.shape_cast %add3A_317 : vector<16xi32> to vector<16xi32>
      tpu.vector_store %arg10[%swap3A_318], %swap3A_321 {strides = array<i32>} : memref<128xi32, #tpu.memory_space<vmem>>, vector<16xi32>,
      %get3A_322 = arith.constant 80 : index
      %get3A_323 = tpu.vector_load %arg9[%get3A_322] {strides = array<i32>} : memref<128xi32, #tpu.memory_space<vmem>>, vector<16xi32>,
      %get3A_324 = vector.shape_cast %get3A_323 : vector<16xi32> to vector<16xi32>
      %add3A_325 = vector.broadcast %mul3A_23 : i32 to vector<16xi32>
      %add3A_326 = arith.addi %get3A_324, %add3A_325 : vector<16xi32>
      %swap3A_327 = arith.constant 80 : index
      %swap3A_328 = tpu.vector_load %arg9[%swap3A_327] {strides = array<i32>} : memref<128xi32, #tpu.memory_space<vmem>>, vector<16xi32>,
      %swap3A_329 = vector.shape_cast %swap3A_328 : vector<16xi32> to vector<16xi32>
      %swap3A_330 = vector.shape_cast %add3A_326 : vector<16xi32> to vector<16xi32>
      tpu.vector_store %arg9[%swap3A_327], %swap3A_330 {strides = array<i32>} : memref<128xi32, #tpu.memory_space<vmem>>, vector<16xi32>,
      %get3A_331 = arith.constant 80 : index
      %get3A_332 = tpu.vector_load %arg10[%get3A_331] {strides = array<i32>} : memref<128xi32, #tpu.memory_space<vmem>>, vector<16xi32>,
      %get3A_333 = vector.shape_cast %get3A_332 : vector<16xi32> to vector<16xi32>
      %add3A_334 = vector.broadcast %add3A_25 : i32 to vector<16xi32>
      %add3A_335 = arith.addi %get3A_333, %add3A_334 : vector<16xi32>
      %swap3A_336 = arith.constant 80 : index
      %swap3A_337 = tpu.vector_load %arg10[%swap3A_336] {strides = array<i32>} : memref<128xi32, #tpu.memory_space<vmem>>, vector<16xi32>,
      %swap3A_338 = vector.shape_cast %swap3A_337 : vector<16xi32> to vector<16xi32>
      %swap3A_339 = vector.shape_cast %add3A_335 : vector<16xi32> to vector<16xi32>
      tpu.vector_store %arg10[%swap3A_336], %swap3A_339 {strides = array<i32>} : memref<128xi32, #tpu.memory_space<vmem>>, vector<16xi32>,
      %get3A_340 = arith.constant 96 : index
      %get3A_341 = tpu.vector_load %arg9[%get3A_340] {strides = array<i32>} : memref<128xi32, #tpu.memory_space<vmem>>, vector<16xi32>,
      %get3A_342 = vector.shape_cast %get3A_341 : vector<16xi32> to vector<16xi32>
      %add3A_343 = vector.broadcast %mul3A_23 : i32 to vector<16xi32>
      %add3A_344 = arith.addi %get3A_342, %add3A_343 : vector<16xi32>
      %swap3A_345 = arith.constant 96 : index
      %swap3A_346 = tpu.vector_load %arg9[%swap3A_345] {strides = array<i32>} : memref<128xi32, #tpu.memory_space<vmem>>, vector<16xi32>,
      %swap3A_347 = vector.shape_cast %swap3A_346 : vector<16xi32> to vector<16xi32>
      %swap3A_348 = vector.shape_cast %add3A_344 : vector<16xi32> to vector<16xi32>
      tpu.vector_store %arg9[%swap3A_345], %swap3A_348 {strides = array<i32>} : memref<128xi32, #tpu.memory_space<vmem>>, vector<16xi32>,
      %get3A_349 = arith.constant 96 : index
      %get3A_350 = tpu.vector_load %arg10[%get3A_349] {strides = array<i32>} : memref<128xi32, #tpu.memory_space<vmem>>, vector<16xi32>,
      %get3A_351 = vector.shape_cast %get3A_350 : vector<16xi32> to vector<16xi32>
      %add3A_352 = vector.broadcast %add3A_25 : i32 to vector<16xi32>
      %add3A_353 = arith.addi %get3A_351, %add3A_352 : vector<16xi32>
      %swap3A_354 = arith.constant 96 : index
      %swap3A_355 = tpu.vector_load %arg10[%swap3A_354] {strides = array<i32>} : memref<128xi32, #tpu.memory_space<vmem>>, vector<16xi32>,
      %swap3A_356 = vector.shape_cast %swap3A_355 : vector<16xi32> to vector<16xi32>
      %swap3A_357 = vector.shape_cast %add3A_353 : vector<16xi32> to vector<16xi32>
      tpu.vector_store %arg10[%swap3A_354], %swap3A_357 {strides = array<i32>} : memref<128xi32, #tpu.memory_space<vmem>>, vector<16xi32>,
      %get3A_358 = arith.constant 112 : index
      %get3A_359 = tpu.vector_load %arg9[%get3A_358] {strides = array<i32>} : memref<128xi32, #tpu.memory_space<vmem>>, vector<16xi32>,
      %get3A_360 = vector.shape_cast %get3A_359 : vector<16xi32> to vector<16xi32>
      %add3A_361 = vector.broadcast %mul3A_23 : i32 to vector<16xi32>
      %add3A_362 = arith.addi %get3A_360, %add3A_361 : vector<16xi32>
      %swap3A_363 = arith.constant 112 : index
      %swap3A_364 = tpu.vector_load %arg9[%swap3A_363] {strides = array<i32>} : memref<128xi32, #tpu.memory_space<vmem>>, vector<16xi32>,
      %swap3A_365 = vector.shape_cast %swap3A_364 : vector<16xi32> to vector<16xi32>
      %swap3A_366 = vector.shape_cast %add3A_362 : vector<16xi32> to vector<16xi32>
      tpu.vector_store %arg9[%swap3A_363], %swap3A_366 {strides = array<i32>} : memref<128xi32, #tpu.memory_space<vmem>>, vector<16xi32>,
      %get3A_367 = arith.constant 112 : index
      %get3A_368 = tpu.vector_load %arg10[%get3A_367] {strides = array<i32>} : memref<128xi32, #tpu.memory_space<vmem>>, vector<16xi32>,
      %get3A_369 = vector.shape_cast %get3A_368 : vector<16xi32> to vector<16xi32>
      %add3A_370 = vector.broadcast %add3A_25 : i32 to vector<16xi32>
      %add3A_371 = arith.addi %get3A_369, %add3A_370 : vector<16xi32>
      %swap3A_372 = arith.constant 112 : index
      %swap3A_373 = tpu.vector_load %arg10[%swap3A_372] {strides = array<i32>} : memref<128xi32, #tpu.memory_space<vmem>>, vector<16xi32>,
      %swap3A_374 = vector.shape_cast %swap3A_373 : vector<16xi32> to vector<16xi32>
      %swap3A_375 = vector.shape_cast %add3A_371 : vector<16xi32> to vector<16xi32>
      tpu.vector_store %arg10[%swap3A_372], %swap3A_375 {strides = array<i32>} : memref<128xi32, #tpu.memory_space<vmem>>, vector<16xi32>,
      %dma_start3A_376 = arith.constant 0 : i32
      %dma_start3A_377 = arith.constant 0 : i32
      %dma_start3A_378 = tpu.memref_slice %arg2[%dma_start3A_376, %dma_start3A_377] : memref<80000x128xf32, #tpu.memory_space<hbm>> -> memref<80000x128xf32, #tpu.memory_space<hbm>>
      tpu.enqueue_indirect_dma source(%dma_start3A_378 : memref<80000x128xf32, #tpu.memory_space<hbm>>) target(%arg13 : memref<128x128xf32, #tpu.memory_space<vmem>>) offsets(%arg9 : memref<128xi32, #tpu.memory_space<vmem>>) semaphore(%arg19 : memref<!tpu.dma_semaphore, #tpu.memory_space<semaphore_mem>>)
      %dma_start3A_379 = arith.constant 0 : i32
      %dma_start3A_380 = arith.constant 0 : i32
      %dma_start3A_381 = tpu.memref_slice %arg2[%dma_start3A_379, %dma_start3A_380] : memref<80000x128xf32, #tpu.memory_space<hbm>> -> memref<80000x128xf32, #tpu.memory_space<hbm>>
      tpu.enqueue_indirect_dma source(%dma_start3A_381 : memref<80000x128xf32, #tpu.memory_space<hbm>>) target(%arg14 : memref<128x128xf32, #tpu.memory_space<vmem>>) offsets(%arg10 : memref<128xi32, #tpu.memory_space<vmem>>) semaphore(%arg20 : memref<!tpu.dma_semaphore, #tpu.memory_space<semaphore_mem>>)
      %dma_wait3A_382 = arith.constant 0 : i32
      %dma_wait3A_383 = arith.constant 0 : i32
      %dma_wait3A_384 = tpu.memref_slice %arg2[%dma_wait3A_382, %dma_wait3A_383] : memref<80000x128xf32, #tpu.memory_space<hbm>> -> memref<80000x128xf32, #tpu.memory_space<hbm>>
      tpu.wait_indirect_dma semaphore(%arg17 : memref<!tpu.dma_semaphore, #tpu.memory_space<semaphore_mem>>) src(%dma_wait3A_384 : memref<80000x128xf32, #tpu.memory_space<hbm>>) dst(%arg11 : memref<128x128xf32, #tpu.memory_space<vmem>>)
      %dma_wait3A_385 = arith.constant 0 : i32
      %dma_wait3A_386 = arith.constant 0 : i32
      %dma_wait3A_387 = tpu.memref_slice %arg2[%dma_wait3A_385, %dma_wait3A_386] : memref<80000x128xf32, #tpu.memory_space<hbm>> -> memref<80000x128xf32, #tpu.memory_space<hbm>>
      tpu.wait_indirect_dma semaphore(%arg18 : memref<!tpu.dma_semaphore, #tpu.memory_space<semaphore_mem>>) src(%dma_wait3A_387 : memref<80000x128xf32, #tpu.memory_space<hbm>>) dst(%arg12 : memref<128x128xf32, #tpu.memory_space<vmem>>)
      %gt3A = arith.constant 0 : i32
      %gt3A_388 = arith.cmpi sgt, %while3A_222, %gt3A : i32
      %convert_element_type3A = arith.extui %gt3A_388 : i1 to i32
      %cond3A = arith.constant 0 : i32
      %cond3A_389 = arith.cmpi ne, %convert_element_type3A, %cond3A : i32
      scf.if %cond3A_389 {
        %sub3A_456 = arith.constant 2 : i32
        %sub3A_457 = arith.subi %mul3A_224, %sub3A_456 : i32
        %mul3A_458 = arith.constant 128 : i32
        %mul3A_459 = arith.muli %sub3A_457, %mul3A_458 : i32
        %add3A_460 = arith.addi %mul3A_6, %mul3A_459 : i32
        %dma_wait3A_461 = arith.constant 0 : i32
        %dma_wait3A_462 = tpu.memref_slice %arg6[%add3A_460, %dma_wait3A_461] : memref<327680x128xf32, #tpu.memory_space<hbm>> -> memref<128x128xf32, #tpu.memory_space<hbm>>
        %dma_wait3A_463 = arith.constant 0 : i32
        %dma_wait3A_464 = tpu.memref_slice %arg6[%add3A_460, %dma_wait3A_463] : memref<327680x128xf32, #tpu.memory_space<hbm>> -> memref<128x128xf32, #tpu.memory_space<hbm>>
        tpu.wait_dma2 semaphore(%arg21 : memref<!tpu.dma_semaphore, #tpu.memory_space<semaphore_mem>>) src(%arg15 : memref<128x128xf32, #tpu.memory_space<vmem>>) dst(%dma_wait3A_464 : memref<128x128xf32, #tpu.memory_space<hbm>>)
      } else {
      }
      %scan3A = arith.constant 0 : i32
      %scan3A_390 = arith.constant 0 : i32
      %scan3A_391 = arith.constant 128 : i32
      %scan3A_392 = arith.addi %scan3A_390, %scan3A_391 : i32
      %scan3A_393 = arith.constant 1 : i32
      scf.for %scan3A_456 = %scan3A_390 to %scan3A_392 step %scan3A_393  : i32 {
        %get3A_457 = arith.index_cast %scan3A_456 : i32 to index
        %get3A_458 = arith.constant 0 : index
        %get3A_459 = tpu.vector_load %arg11[%get3A_457, %get3A_458] {strides = array<i32>} : memref<128x128xf32, #tpu.memory_space<vmem>>, vector<1x16xf32>,
        %get3A_460 = vector.shape_cast %get3A_459 : vector<1x16xf32> to vector<16xf32>
        %get3A_461 = arith.index_cast %scan3A_456 : i32 to index
        %get3A_462 = arith.constant 0 : index
        %get3A_463 = tpu.vector_load %arg12[%get3A_461, %get3A_462] {strides = array<i32>} : memref<128x128xf32, #tpu.memory_space<vmem>>, vector<1x16xf32>,
        %get3A_464 = vector.shape_cast %get3A_463 : vector<1x16xf32> to vector<16xf32>
        %add3A_465 = arith.addf %get3A_460, %get3A_464 : vector<16xf32>
        %swap3A_466 = arith.index_cast %scan3A_456 : i32 to index
        %swap3A_467 = arith.constant 0 : index
        %swap3A_468 = tpu.vector_load %arg15[%swap3A_466, %swap3A_467] {strides = array<i32>} : memref<128x128xf32, #tpu.memory_space<vmem>>, vector<1x16xf32>,
        %swap3A_469 = vector.shape_cast %swap3A_468 : vector<1x16xf32> to vector<16xf32>
        %swap3A_470 = vector.shape_cast %add3A_465 : vector<16xf32> to vector<1x16xf32>
        tpu.vector_store %arg15[%swap3A_466, %swap3A_467], %swap3A_470 {strides = array<i32>} : memref<128x128xf32, #tpu.memory_space<vmem>>, vector<1x16xf32>,
        %get3A_471 = arith.index_cast %scan3A_456 : i32 to index
        %get3A_472 = arith.constant 16 : index
        %get3A_473 = tpu.vector_load %arg11[%get3A_471, %get3A_472] {strides = array<i32>} : memref<128x128xf32, #tpu.memory_space<vmem>>, vector<1x16xf32>,
        %get3A_474 = vector.shape_cast %get3A_473 : vector<1x16xf32> to vector<16xf32>
        %get3A_475 = arith.index_cast %scan3A_456 : i32 to index
        %get3A_476 = arith.constant 16 : index
        %get3A_477 = tpu.vector_load %arg12[%get3A_475, %get3A_476] {strides = array<i32>} : memref<128x128xf32, #tpu.memory_space<vmem>>, vector<1x16xf32>,
        %get3A_478 = vector.shape_cast %get3A_477 : vector<1x16xf32> to vector<16xf32>
        %add3A_479 = arith.addf %get3A_474, %get3A_478 : vector<16xf32>
        %swap3A_480 = arith.index_cast %scan3A_456 : i32 to index
        %swap3A_481 = arith.constant 16 : index
        %swap3A_482 = tpu.vector_load %arg15[%swap3A_480, %swap3A_481] {strides = array<i32>} : memref<128x128xf32, #tpu.memory_space<vmem>>, vector<1x16xf32>,
        %swap3A_483 = vector.shape_cast %swap3A_482 : vector<1x16xf32> to vector<16xf32>
        %swap3A_484 = vector.shape_cast %add3A_479 : vector<16xf32> to vector<1x16xf32>
        tpu.vector_store %arg15[%swap3A_480, %swap3A_481], %swap3A_484 {strides = array<i32>} : memref<128x128xf32, #tpu.memory_space<vmem>>, vector<1x16xf32>,
        %get3A_485 = arith.index_cast %scan3A_456 : i32 to index
        %get3A_486 = arith.constant 32 : index
        %get3A_487 = tpu.vector_load %arg11[%get3A_485, %get3A_486] {strides = array<i32>} : memref<128x128xf32, #tpu.memory_space<vmem>>, vector<1x16xf32>,
        %get3A_488 = vector.shape_cast %get3A_487 : vector<1x16xf32> to vector<16xf32>
        %get3A_489 = arith.index_cast %scan3A_456 : i32 to index
        %get3A_490 = arith.constant 32 : index
        %get3A_491 = tpu.vector_load %arg12[%get3A_489, %get3A_490] {strides = array<i32>} : memref<128x128xf32, #tpu.memory_space<vmem>>, vector<1x16xf32>,
        %get3A_492 = vector.shape_cast %get3A_491 : vector<1x16xf32> to vector<16xf32>
        %add3A_493 = arith.addf %get3A_488, %get3A_492 : vector<16xf32>
        %swap3A_494 = arith.index_cast %scan3A_456 : i32 to index
        %swap3A_495 = arith.constant 32 : index
        %swap3A_496 = tpu.vector_load %arg15[%swap3A_494, %swap3A_495] {strides = array<i32>} : memref<128x128xf32, #tpu.memory_space<vmem>>, vector<1x16xf32>,
        %swap3A_497 = vector.shape_cast %swap3A_496 : vector<1x16xf32> to vector<16xf32>
        %swap3A_498 = vector.shape_cast %add3A_493 : vector<16xf32> to vector<1x16xf32>
        tpu.vector_store %arg15[%swap3A_494, %swap3A_495], %swap3A_498 {strides = array<i32>} : memref<128x128xf32, #tpu.memory_space<vmem>>, vector<1x16xf32>,
        %get3A_499 = arith.index_cast %scan3A_456 : i32 to index
        %get3A_500 = arith.constant 48 : index
        %get3A_501 = tpu.vector_load %arg11[%get3A_499, %get3A_500] {strides = array<i32>} : memref<128x128xf32, #tpu.memory_space<vmem>>, vector<1x16xf32>,
        %get3A_502 = vector.shape_cast %get3A_501 : vector<1x16xf32> to vector<16xf32>
        %get3A_503 = arith.index_cast %scan3A_456 : i32 to index
        %get3A_504 = arith.constant 48 : index
        %get3A_505 = tpu.vector_load %arg12[%get3A_503, %get3A_504] {strides = array<i32>} : memref<128x128xf32, #tpu.memory_space<vmem>>, vector<1x16xf32>,
        %get3A_506 = vector.shape_cast %get3A_505 : vector<1x16xf32> to vector<16xf32>
        %add3A_507 = arith.addf %get3A_502, %get3A_506 : vector<16xf32>
        %swap3A_508 = arith.index_cast %scan3A_456 : i32 to index
        %swap3A_509 = arith.constant 48 : index
        %swap3A_510 = tpu.vector_load %arg15[%swap3A_508, %swap3A_509] {strides = array<i32>} : memref<128x128xf32, #tpu.memory_space<vmem>>, vector<1x16xf32>,
        %swap3A_511 = vector.shape_cast %swap3A_510 : vector<1x16xf32> to vector<16xf32>
        %swap3A_512 = vector.shape_cast %add3A_507 : vector<16xf32> to vector<1x16xf32>
        tpu.vector_store %arg15[%swap3A_508, %swap3A_509], %swap3A_512 {strides = array<i32>} : memref<128x128xf32, #tpu.memory_space<vmem>>, vector<1x16xf32>,
        %get3A_513 = arith.index_cast %scan3A_456 : i32 to index
        %get3A_514 = arith.constant 64 : index
        %get3A_515 = tpu.vector_load %arg11[%get3A_513, %get3A_514] {strides = array<i32>} : memref<128x128xf32, #tpu.memory_space<vmem>>, vector<1x16xf32>,
        %get3A_516 = vector.shape_cast %get3A_515 : vector<1x16xf32> to vector<16xf32>
        %get3A_517 = arith.index_cast %scan3A_456 : i32 to index
        %get3A_518 = arith.constant 64 : index
        %get3A_519 = tpu.vector_load %arg12[%get3A_517, %get3A_518] {strides = array<i32>} : memref<128x128xf32, #tpu.memory_space<vmem>>, vector<1x16xf32>,
        %get3A_520 = vector.shape_cast %get3A_519 : vector<1x16xf32> to vector<16xf32>
        %add3A_521 = arith.addf %get3A_516, %get3A_520 : vector<16xf32>
        %swap3A_522 = arith.index_cast %scan3A_456 : i32 to index
        %swap3A_523 = arith.constant 64 : index
        %swap3A_524 = tpu.vector_load %arg15[%swap3A_522, %swap3A_523] {strides = array<i32>} : memref<128x128xf32, #tpu.memory_space<vmem>>, vector<1x16xf32>,
        %swap3A_525 = vector.shape_cast %swap3A_524 : vector<1x16xf32> to vector<16xf32>
        %swap3A_526 = vector.shape_cast %add3A_521 : vector<16xf32> to vector<1x16xf32>
        tpu.vector_store %arg15[%swap3A_522, %swap3A_523], %swap3A_526 {strides = array<i32>} : memref<128x128xf32, #tpu.memory_space<vmem>>, vector<1x16xf32>,
        %get3A_527 = arith.index_cast %scan3A_456 : i32 to index
        %get3A_528 = arith.constant 80 : index
        %get3A_529 = tpu.vector_load %arg11[%get3A_527, %get3A_528] {strides = array<i32>} : memref<128x128xf32, #tpu.memory_space<vmem>>, vector<1x16xf32>,
        %get3A_530 = vector.shape_cast %get3A_529 : vector<1x16xf32> to vector<16xf32>
        %get3A_531 = arith.index_cast %scan3A_456 : i32 to index
        %get3A_532 = arith.constant 80 : index
        %get3A_533 = tpu.vector_load %arg12[%get3A_531, %get3A_532] {strides = array<i32>} : memref<128x128xf32, #tpu.memory_space<vmem>>, vector<1x16xf32>,
        %get3A_534 = vector.shape_cast %get3A_533 : vector<1x16xf32> to vector<16xf32>
        %add3A_535 = arith.addf %get3A_530, %get3A_534 : vector<16xf32>
        %swap3A_536 = arith.index_cast %scan3A_456 : i32 to index
        %swap3A_537 = arith.constant 80 : index
        %swap3A_538 = tpu.vector_load %arg15[%swap3A_536, %swap3A_537] {strides = array<i32>} : memref<128x128xf32, #tpu.memory_space<vmem>>, vector<1x16xf32>,
        %swap3A_539 = vector.shape_cast %swap3A_538 : vector<1x16xf32> to vector<16xf32>
        %swap3A_540 = vector.shape_cast %add3A_535 : vector<16xf32> to vector<1x16xf32>
        tpu.vector_store %arg15[%swap3A_536, %swap3A_537], %swap3A_540 {strides = array<i32>} : memref<128x128xf32, #tpu.memory_space<vmem>>, vector<1x16xf32>,
        %get3A_541 = arith.index_cast %scan3A_456 : i32 to index
        %get3A_542 = arith.constant 96 : index
        %get3A_543 = tpu.vector_load %arg11[%get3A_541, %get3A_542] {strides = array<i32>} : memref<128x128xf32, #tpu.memory_space<vmem>>, vector<1x16xf32>,
        %get3A_544 = vector.shape_cast %get3A_543 : vector<1x16xf32> to vector<16xf32>
        %get3A_545 = arith.index_cast %scan3A_456 : i32 to index
        %get3A_546 = arith.constant 96 : index
        %get3A_547 = tpu.vector_load %arg12[%get3A_545, %get3A_546] {strides = array<i32>} : memref<128x128xf32, #tpu.memory_space<vmem>>, vector<1x16xf32>,
        %get3A_548 = vector.shape_cast %get3A_547 : vector<1x16xf32> to vector<16xf32>
        %add3A_549 = arith.addf %get3A_544, %get3A_548 : vector<16xf32>
        %swap3A_550 = arith.index_cast %scan3A_456 : i32 to index
        %swap3A_551 = arith.constant 96 : index
        %swap3A_552 = tpu.vector_load %arg15[%swap3A_550, %swap3A_551] {strides = array<i32>} : memref<128x128xf32, #tpu.memory_space<vmem>>, vector<1x16xf32>,
        %swap3A_553 = vector.shape_cast %swap3A_552 : vector<1x16xf32> to vector<16xf32>
        %swap3A_554 = vector.shape_cast %add3A_549 : vector<16xf32> to vector<1x16xf32>
        tpu.vector_store %arg15[%swap3A_550, %swap3A_551], %swap3A_554 {strides = array<i32>} : memref<128x128xf32, #tpu.memory_space<vmem>>, vector<1x16xf32>,
        %get3A_555 = arith.index_cast %scan3A_456 : i32 to index
        %get3A_556 = arith.constant 112 : index
        %get3A_557 = tpu.vector_load %arg11[%get3A_555, %get3A_556] {strides = array<i32>} : memref<128x128xf32, #tpu.memory_space<vmem>>, vector<1x16xf32>,
        %get3A_558 = vector.shape_cast %get3A_557 : vector<1x16xf32> to vector<16xf32>
        %get3A_559 = arith.index_cast %scan3A_456 : i32 to index
        %get3A_560 = arith.constant 112 : index
        %get3A_561 = tpu.vector_load %arg12[%get3A_559, %get3A_560] {strides = array<i32>} : memref<128x128xf32, #tpu.memory_space<vmem>>, vector<1x16xf32>,
        %get3A_562 = vector.shape_cast %get3A_561 : vector<1x16xf32> to vector<16xf32>
        %add3A_563 = arith.addf %get3A_558, %get3A_562 : vector<16xf32>
        %swap3A_564 = arith.index_cast %scan3A_456 : i32 to index
        %swap3A_565 = arith.constant 112 : index
        %swap3A_566 = tpu.vector_load %arg15[%swap3A_564, %swap3A_565] {strides = array<i32>} : memref<128x128xf32, #tpu.memory_space<vmem>>, vector<1x16xf32>,
        %swap3A_567 = vector.shape_cast %swap3A_566 : vector<1x16xf32> to vector<16xf32>
        %swap3A_568 = vector.shape_cast %add3A_563 : vector<16xf32> to vector<1x16xf32>
        tpu.vector_store %arg15[%swap3A_564, %swap3A_565], %swap3A_568 {strides = array<i32>} : memref<128x128xf32, #tpu.memory_space<vmem>>, vector<1x16xf32>,
      }
      %scan3A_394 = arith.constant 128 : i32
      %mul3A_395 = arith.constant 128 : i32
      %mul3A_396 = arith.muli %mul3A_224, %mul3A_395 : i32
      %add3A_397 = arith.addi %mul3A_6, %mul3A_396 : i32
      %dma_start3A_398 = arith.constant 0 : i32
      %dma_start3A_399 = tpu.memref_slice %arg6[%add3A_397, %dma_start3A_398] : memref<327680x128xf32, #tpu.memory_space<hbm>> -> memref<128x128xf32, #tpu.memory_space<hbm>>
      %dma_start3A_400 = arith.constant 0 : i32
      %dma_start3A_401 = tpu.memref_slice %arg6[%add3A_397, %dma_start3A_400] : memref<327680x128xf32, #tpu.memory_space<hbm>> -> memref<128x128xf32, #tpu.memory_space<hbm>>
      tpu.enqueue_dma source(%arg15 : memref<128x128xf32, #tpu.memory_space<vmem>>) target(%dma_start3A_401 : memref<128x128xf32, #tpu.memory_space<hbm>>) target_semaphore(%arg21 : memref<!tpu.dma_semaphore, #tpu.memory_space<semaphore_mem>>)
      %jit3A_402 = arith.constant 2 : i32
      %div3A_403 = arith.divsi %select_n3A, %jit3A_402 : i32
      %sign3A_404 = arith.constant 0 : i32
      %sign3A_405 = arith.cmpi sgt, %select_n3A, %sign3A_404 : i32
      %sign3A_406 = arith.extui %sign3A_405 : i1 to i32
      %sign3A_407 = arith.constant 0 : i32
      %sign3A_408 = arith.cmpi slt, %select_n3A, %sign3A_407 : i32
      %sign3A_409 = arith.extui %sign3A_408 : i1 to i32
      %sign3A_410 = arith.subi %sign3A_406, %sign3A_409 : i32
      %sign3A_411 = arith.constant 0 : i32
      %sign3A_412 = arith.cmpi sgt, %jit3A_402, %sign3A_411 : i32
      %sign3A_413 = arith.extui %sign3A_412 : i1 to i32
      %sign3A_414 = arith.constant 0 : i32
      %sign3A_415 = arith.cmpi slt, %jit3A_402, %sign3A_414 : i32
      %sign3A_416 = arith.extui %sign3A_415 : i1 to i32
      %sign3A_417 = arith.subi %sign3A_413, %sign3A_416 : i32
      %ne3A_418 = arith.cmpi ne, %sign3A_410, %sign3A_417 : i32
      %rem3A_419 = arith.remsi %select_n3A, %jit3A_402 : i32
      %ne3A_420 = arith.constant 0 : i32
      %ne3A_421 = arith.cmpi ne, %rem3A_419, %ne3A_420 : i32
      %and3A_422 = arith.andi %ne3A_418, %ne3A_421 : i1
      %sub3A_423 = arith.constant 1 : i32
      %sub3A_424 = arith.subi %div3A_403, %sub3A_423 : i32
      %select_n3A_425 = arith.select %and3A_422, %sub3A_424, %div3A_403 : i32
      %sub3A_426 = arith.constant 1 : i32
      %sub3A_427 = arith.subi %select_n3A_425, %sub3A_426 : i32
      %lt3A_428 = arith.cmpi slt, %while3A_222, %sub3A_427 : i32
      %convert_element_type3A_429 = arith.extui %lt3A_428 : i1 to i32
      %cond3A_430 = arith.constant 0 : i32
      %cond3A_431 = arith.cmpi ne, %convert_element_type3A_429, %cond3A_430 : i32
      scf.if %cond3A_431 {
        %add3A_456 = arith.constant 2 : i32
        %add3A_457 = arith.addi %mul3A_224, %add3A_456 : i32
        %mul3A_458 = arith.constant 128 : i32
        %mul3A_459 = arith.muli %add3A_457, %mul3A_458 : i32
        %add3A_460 = arith.addi %mul3A_6, %mul3A_459 : i32
        "tpu.region"() ({
          %run_scoped3A = tpu.sem_alloc : memref<!tpu.dma_semaphore, #tpu.memory_space<semaphore_mem>>
          %dma_start3A_611 = tpu.memref_slice %arg3[%add3A_460] : memref<327680xi32, #tpu.memory_space<hbm>> -> memref<128xi32, #tpu.memory_space<hbm>>
          %dma_start3A_612 = tpu.memref_slice %arg3[%add3A_460] : memref<327680xi32, #tpu.memory_space<hbm>> -> memref<128xi32, #tpu.memory_space<hbm>>
          tpu.enqueue_dma source(%dma_start3A_612 : memref<128xi32, #tpu.memory_space<hbm>>) target(%arg7 : memref<128xi32, #tpu.memory_space<vmem>>) target_semaphore(%run_scoped3A : memref<!tpu.dma_semaphore, #tpu.memory_space<semaphore_mem>>)
          %dma_wait3A_613 = tpu.memref_slice %arg3[%add3A_460] : memref<327680xi32, #tpu.memory_space<hbm>> -> memref<128xi32, #tpu.memory_space<hbm>>
          %dma_wait3A_614 = tpu.memref_slice %arg3[%add3A_460] : memref<327680xi32, #tpu.memory_space<hbm>> -> memref<128xi32, #tpu.memory_space<hbm>>
          tpu.wait_dma2 semaphore(%run_scoped3A : memref<!tpu.dma_semaphore, #tpu.memory_space<semaphore_mem>>) src(%dma_wait3A_614 : memref<128xi32, #tpu.memory_space<hbm>>) dst(%arg7 : memref<128xi32, #tpu.memory_space<vmem>>)
          tpu.yield
        }) : () -> ()
        "tpu.region"() ({
          %run_scoped3A = tpu.sem_alloc : memref<!tpu.dma_semaphore, #tpu.memory_space<semaphore_mem>>
          %dma_start3A_611 = tpu.memref_slice %arg4[%add3A_460] : memref<327680xi32, #tpu.memory_space<hbm>> -> memref<128xi32, #tpu.memory_space<hbm>>
          %dma_start3A_612 = tpu.memref_slice %arg4[%add3A_460] : memref<327680xi32, #tpu.memory_space<hbm>> -> memref<128xi32, #tpu.memory_space<hbm>>
          tpu.enqueue_dma source(%dma_start3A_612 : memref<128xi32, #tpu.memory_space<hbm>>) target(%arg8 : memref<128xi32, #tpu.memory_space<vmem>>) target_semaphore(%run_scoped3A : memref<!tpu.dma_semaphore, #tpu.memory_space<semaphore_mem>>)
          %dma_wait3A_613 = tpu.memref_slice %arg4[%add3A_460] : memref<327680xi32, #tpu.memory_space<hbm>> -> memref<128xi32, #tpu.memory_space<hbm>>
          %dma_wait3A_614 = tpu.memref_slice %arg4[%add3A_460] : memref<327680xi32, #tpu.memory_space<hbm>> -> memref<128xi32, #tpu.memory_space<hbm>>
          tpu.wait_dma2 semaphore(%run_scoped3A : memref<!tpu.dma_semaphore, #tpu.memory_space<semaphore_mem>>) src(%dma_wait3A_614 : memref<128xi32, #tpu.memory_space<hbm>>) dst(%arg8 : memref<128xi32, #tpu.memory_space<vmem>>)
          tpu.yield
        }) : () -> ()
        %get3A_461 = arith.constant 0 : index
        %get3A_462 = tpu.vector_load %arg7[%get3A_461] {strides = array<i32>} : memref<128xi32, #tpu.memory_space<vmem>>, vector<16xi32>,
        %get3A_463 = vector.shape_cast %get3A_462 : vector<16xi32> to vector<16xi32>
        %add3A_464 = vector.broadcast %mul3A_23 : i32 to vector<16xi32>
        %add3A_465 = arith.addi %get3A_463, %add3A_464 : vector<16xi32>
        %swap3A_466 = arith.constant 0 : index
        %swap3A_467 = tpu.vector_load %arg7[%swap3A_466] {strides = array<i32>} : memref<128xi32, #tpu.memory_space<vmem>>, vector<16xi32>,
        %swap3A_468 = vector.shape_cast %swap3A_467 : vector<16xi32> to vector<16xi32>
        %swap3A_469 = vector.shape_cast %add3A_465 : vector<16xi32> to vector<16xi32>
        tpu.vector_store %arg7[%swap3A_466], %swap3A_469 {strides = array<i32>} : memref<128xi32, #tpu.memory_space<vmem>>, vector<16xi32>,
        %get3A_470 = arith.constant 0 : index
        %get3A_471 = tpu.vector_load %arg8[%get3A_470] {strides = array<i32>} : memref<128xi32, #tpu.memory_space<vmem>>, vector<16xi32>,
        %get3A_472 = vector.shape_cast %get3A_471 : vector<16xi32> to vector<16xi32>
        %add3A_473 = vector.broadcast %add3A_25 : i32 to vector<16xi32>
        %add3A_474 = arith.addi %get3A_472, %add3A_473 : vector<16xi32>
        %swap3A_475 = arith.constant 0 : index
        %swap3A_476 = tpu.vector_load %arg8[%swap3A_475] {strides = array<i32>} : memref<128xi32, #tpu.memory_space<vmem>>, vector<16xi32>,
        %swap3A_477 = vector.shape_cast %swap3A_476 : vector<16xi32> to vector<16xi32>
        %swap3A_478 = vector.shape_cast %add3A_474 : vector<16xi32> to vector<16xi32>
        tpu.vector_store %arg8[%swap3A_475], %swap3A_478 {strides = array<i32>} : memref<128xi32, #tpu.memory_space<vmem>>, vector<16xi32>,
        %get3A_479 = arith.constant 16 : index
        %get3A_480 = tpu.vector_load %arg7[%get3A_479] {strides = array<i32>} : memref<128xi32, #tpu.memory_space<vmem>>, vector<16xi32>,
        %get3A_481 = vector.shape_cast %get3A_480 : vector<16xi32> to vector<16xi32>
        %add3A_482 = vector.broadcast %mul3A_23 : i32 to vector<16xi32>
        %add3A_483 = arith.addi %get3A_481, %add3A_482 : vector<16xi32>
        %swap3A_484 = arith.constant 16 : index
        %swap3A_485 = tpu.vector_load %arg7[%swap3A_484] {strides = array<i32>} : memref<128xi32, #tpu.memory_space<vmem>>, vector<16xi32>,
        %swap3A_486 = vector.shape_cast %swap3A_485 : vector<16xi32> to vector<16xi32>
        %swap3A_487 = vector.shape_cast %add3A_483 : vector<16xi32> to vector<16xi32>
        tpu.vector_store %arg7[%swap3A_484], %swap3A_487 {strides = array<i32>} : memref<128xi32, #tpu.memory_space<vmem>>, vector<16xi32>,
        %get3A_488 = arith.constant 16 : index
        %get3A_489 = tpu.vector_load %arg8[%get3A_488] {strides = array<i32>} : memref<128xi32, #tpu.memory_space<vmem>>, vector<16xi32>,
        %get3A_490 = vector.shape_cast %get3A_489 : vector<16xi32> to vector<16xi32>
        %add3A_491 = vector.broadcast %add3A_25 : i32 to vector<16xi32>
        %add3A_492 = arith.addi %get3A_490, %add3A_491 : vector<16xi32>
        %swap3A_493 = arith.constant 16 : index
        %swap3A_494 = tpu.vector_load %arg8[%swap3A_493] {strides = array<i32>} : memref<128xi32, #tpu.memory_space<vmem>>, vector<16xi32>,
        %swap3A_495 = vector.shape_cast %swap3A_494 : vector<16xi32> to vector<16xi32>
        %swap3A_496 = vector.shape_cast %add3A_492 : vector<16xi32> to vector<16xi32>
        tpu.vector_store %arg8[%swap3A_493], %swap3A_496 {strides = array<i32>} : memref<128xi32, #tpu.memory_space<vmem>>, vector<16xi32>,
        %get3A_497 = arith.constant 32 : index
        %get3A_498 = tpu.vector_load %arg7[%get3A_497] {strides = array<i32>} : memref<128xi32, #tpu.memory_space<vmem>>, vector<16xi32>,
        %get3A_499 = vector.shape_cast %get3A_498 : vector<16xi32> to vector<16xi32>
        %add3A_500 = vector.broadcast %mul3A_23 : i32 to vector<16xi32>
        %add3A_501 = arith.addi %get3A_499, %add3A_500 : vector<16xi32>
        %swap3A_502 = arith.constant 32 : index
        %swap3A_503 = tpu.vector_load %arg7[%swap3A_502] {strides = array<i32>} : memref<128xi32, #tpu.memory_space<vmem>>, vector<16xi32>,
        %swap3A_504 = vector.shape_cast %swap3A_503 : vector<16xi32> to vector<16xi32>
        %swap3A_505 = vector.shape_cast %add3A_501 : vector<16xi32> to vector<16xi32>
        tpu.vector_store %arg7[%swap3A_502], %swap3A_505 {strides = array<i32>} : memref<128xi32, #tpu.memory_space<vmem>>, vector<16xi32>,
        %get3A_506 = arith.constant 32 : index
        %get3A_507 = tpu.vector_load %arg8[%get3A_506] {strides = array<i32>} : memref<128xi32, #tpu.memory_space<vmem>>, vector<16xi32>,
        %get3A_508 = vector.shape_cast %get3A_507 : vector<16xi32> to vector<16xi32>
        %add3A_509 = vector.broadcast %add3A_25 : i32 to vector<16xi32>
        %add3A_510 = arith.addi %get3A_508, %add3A_509 : vector<16xi32>
        %swap3A_511 = arith.constant 32 : index
        %swap3A_512 = tpu.vector_load %arg8[%swap3A_511] {strides = array<i32>} : memref<128xi32, #tpu.memory_space<vmem>>, vector<16xi32>,
        %swap3A_513 = vector.shape_cast %swap3A_512 : vector<16xi32> to vector<16xi32>
        %swap3A_514 = vector.shape_cast %add3A_510 : vector<16xi32> to vector<16xi32>
        tpu.vector_store %arg8[%swap3A_511], %swap3A_514 {strides = array<i32>} : memref<128xi32, #tpu.memory_space<vmem>>, vector<16xi32>,
        %get3A_515 = arith.constant 48 : index
        %get3A_516 = tpu.vector_load %arg7[%get3A_515] {strides = array<i32>} : memref<128xi32, #tpu.memory_space<vmem>>, vector<16xi32>,
        %get3A_517 = vector.shape_cast %get3A_516 : vector<16xi32> to vector<16xi32>
        %add3A_518 = vector.broadcast %mul3A_23 : i32 to vector<16xi32>
        %add3A_519 = arith.addi %get3A_517, %add3A_518 : vector<16xi32>
        %swap3A_520 = arith.constant 48 : index
        %swap3A_521 = tpu.vector_load %arg7[%swap3A_520] {strides = array<i32>} : memref<128xi32, #tpu.memory_space<vmem>>, vector<16xi32>,
        %swap3A_522 = vector.shape_cast %swap3A_521 : vector<16xi32> to vector<16xi32>
        %swap3A_523 = vector.shape_cast %add3A_519 : vector<16xi32> to vector<16xi32>
        tpu.vector_store %arg7[%swap3A_520], %swap3A_523 {strides = array<i32>} : memref<128xi32, #tpu.memory_space<vmem>>, vector<16xi32>,
        %get3A_524 = arith.constant 48 : index
        %get3A_525 = tpu.vector_load %arg8[%get3A_524] {strides = array<i32>} : memref<128xi32, #tpu.memory_space<vmem>>, vector<16xi32>,
        %get3A_526 = vector.shape_cast %get3A_525 : vector<16xi32> to vector<16xi32>
        %add3A_527 = vector.broadcast %add3A_25 : i32 to vector<16xi32>
        %add3A_528 = arith.addi %get3A_526, %add3A_527 : vector<16xi32>
        %swap3A_529 = arith.constant 48 : index
        %swap3A_530 = tpu.vector_load %arg8[%swap3A_529] {strides = array<i32>} : memref<128xi32, #tpu.memory_space<vmem>>, vector<16xi32>,
        %swap3A_531 = vector.shape_cast %swap3A_530 : vector<16xi32> to vector<16xi32>
        %swap3A_532 = vector.shape_cast %add3A_528 : vector<16xi32> to vector<16xi32>
        tpu.vector_store %arg8[%swap3A_529], %swap3A_532 {strides = array<i32>} : memref<128xi32, #tpu.memory_space<vmem>>, vector<16xi32>,
        %get3A_533 = arith.constant 64 : index
        %get3A_534 = tpu.vector_load %arg7[%get3A_533] {strides = array<i32>} : memref<128xi32, #tpu.memory_space<vmem>>, vector<16xi32>,
        %get3A_535 = vector.shape_cast %get3A_534 : vector<16xi32> to vector<16xi32>
        %add3A_536 = vector.broadcast %mul3A_23 : i32 to vector<16xi32>
        %add3A_537 = arith.addi %get3A_535, %add3A_536 : vector<16xi32>
        %swap3A_538 = arith.constant 64 : index
        %swap3A_539 = tpu.vector_load %arg7[%swap3A_538] {strides = array<i32>} : memref<128xi32, #tpu.memory_space<vmem>>, vector<16xi32>,
        %swap3A_540 = vector.shape_cast %swap3A_539 : vector<16xi32> to vector<16xi32>
        %swap3A_541 = vector.shape_cast %add3A_537 : vector<16xi32> to vector<16xi32>
        tpu.vector_store %arg7[%swap3A_538], %swap3A_541 {strides = array<i32>} : memref<128xi32, #tpu.memory_space<vmem>>, vector<16xi32>,
        %get3A_542 = arith.constant 64 : index
        %get3A_543 = tpu.vector_load %arg8[%get3A_542] {strides = array<i32>} : memref<128xi32, #tpu.memory_space<vmem>>, vector<16xi32>,
        %get3A_544 = vector.shape_cast %get3A_543 : vector<16xi32> to vector<16xi32>
        %add3A_545 = vector.broadcast %add3A_25 : i32 to vector<16xi32>
        %add3A_546 = arith.addi %get3A_544, %add3A_545 : vector<16xi32>
        %swap3A_547 = arith.constant 64 : index
        %swap3A_548 = tpu.vector_load %arg8[%swap3A_547] {strides = array<i32>} : memref<128xi32, #tpu.memory_space<vmem>>, vector<16xi32>,
        %swap3A_549 = vector.shape_cast %swap3A_548 : vector<16xi32> to vector<16xi32>
        %swap3A_550 = vector.shape_cast %add3A_546 : vector<16xi32> to vector<16xi32>
        tpu.vector_store %arg8[%swap3A_547], %swap3A_550 {strides = array<i32>} : memref<128xi32, #tpu.memory_space<vmem>>, vector<16xi32>,
        %get3A_551 = arith.constant 80 : index
        %get3A_552 = tpu.vector_load %arg7[%get3A_551] {strides = array<i32>} : memref<128xi32, #tpu.memory_space<vmem>>, vector<16xi32>,
        %get3A_553 = vector.shape_cast %get3A_552 : vector<16xi32> to vector<16xi32>
        %add3A_554 = vector.broadcast %mul3A_23 : i32 to vector<16xi32>
        %add3A_555 = arith.addi %get3A_553, %add3A_554 : vector<16xi32>
        %swap3A_556 = arith.constant 80 : index
        %swap3A_557 = tpu.vector_load %arg7[%swap3A_556] {strides = array<i32>} : memref<128xi32, #tpu.memory_space<vmem>>, vector<16xi32>,
        %swap3A_558 = vector.shape_cast %swap3A_557 : vector<16xi32> to vector<16xi32>
        %swap3A_559 = vector.shape_cast %add3A_555 : vector<16xi32> to vector<16xi32>
        tpu.vector_store %arg7[%swap3A_556], %swap3A_559 {strides = array<i32>} : memref<128xi32, #tpu.memory_space<vmem>>, vector<16xi32>,
        %get3A_560 = arith.constant 80 : index
        %get3A_561 = tpu.vector_load %arg8[%get3A_560] {strides = array<i32>} : memref<128xi32, #tpu.memory_space<vmem>>, vector<16xi32>,
        %get3A_562 = vector.shape_cast %get3A_561 : vector<16xi32> to vector<16xi32>
        %add3A_563 = vector.broadcast %add3A_25 : i32 to vector<16xi32>
        %add3A_564 = arith.addi %get3A_562, %add3A_563 : vector<16xi32>
        %swap3A_565 = arith.constant 80 : index
        %swap3A_566 = tpu.vector_load %arg8[%swap3A_565] {strides = array<i32>} : memref<128xi32, #tpu.memory_space<vmem>>, vector<16xi32>,
        %swap3A_567 = vector.shape_cast %swap3A_566 : vector<16xi32> to vector<16xi32>
        %swap3A_568 = vector.shape_cast %add3A_564 : vector<16xi32> to vector<16xi32>
        tpu.vector_store %arg8[%swap3A_565], %swap3A_568 {strides = array<i32>} : memref<128xi32, #tpu.memory_space<vmem>>, vector<16xi32>,
        %get3A_569 = arith.constant 96 : index
        %get3A_570 = tpu.vector_load %arg7[%get3A_569] {strides = array<i32>} : memref<128xi32, #tpu.memory_space<vmem>>, vector<16xi32>,
        %get3A_571 = vector.shape_cast %get3A_570 : vector<16xi32> to vector<16xi32>
        %add3A_572 = vector.broadcast %mul3A_23 : i32 to vector<16xi32>
        %add3A_573 = arith.addi %get3A_571, %add3A_572 : vector<16xi32>
        %swap3A_574 = arith.constant 96 : index
        %swap3A_575 = tpu.vector_load %arg7[%swap3A_574] {strides = array<i32>} : memref<128xi32, #tpu.memory_space<vmem>>, vector<16xi32>,
        %swap3A_576 = vector.shape_cast %swap3A_575 : vector<16xi32> to vector<16xi32>
        %swap3A_577 = vector.shape_cast %add3A_573 : vector<16xi32> to vector<16xi32>
        tpu.vector_store %arg7[%swap3A_574], %swap3A_577 {strides = array<i32>} : memref<128xi32, #tpu.memory_space<vmem>>, vector<16xi32>,
        %get3A_578 = arith.constant 96 : index
        %get3A_579 = tpu.vector_load %arg8[%get3A_578] {strides = array<i32>} : memref<128xi32, #tpu.memory_space<vmem>>, vector<16xi32>,
        %get3A_580 = vector.shape_cast %get3A_579 : vector<16xi32> to vector<16xi32>
        %add3A_581 = vector.broadcast %add3A_25 : i32 to vector<16xi32>
        %add3A_582 = arith.addi %get3A_580, %add3A_581 : vector<16xi32>
        %swap3A_583 = arith.constant 96 : index
        %swap3A_584 = tpu.vector_load %arg8[%swap3A_583] {strides = array<i32>} : memref<128xi32, #tpu.memory_space<vmem>>, vector<16xi32>,
        %swap3A_585 = vector.shape_cast %swap3A_584 : vector<16xi32> to vector<16xi32>
        %swap3A_586 = vector.shape_cast %add3A_582 : vector<16xi32> to vector<16xi32>
        tpu.vector_store %arg8[%swap3A_583], %swap3A_586 {strides = array<i32>} : memref<128xi32, #tpu.memory_space<vmem>>, vector<16xi32>,
        %get3A_587 = arith.constant 112 : index
        %get3A_588 = tpu.vector_load %arg7[%get3A_587] {strides = array<i32>} : memref<128xi32, #tpu.memory_space<vmem>>, vector<16xi32>,
        %get3A_589 = vector.shape_cast %get3A_588 : vector<16xi32> to vector<16xi32>
        %add3A_590 = vector.broadcast %mul3A_23 : i32 to vector<16xi32>
        %add3A_591 = arith.addi %get3A_589, %add3A_590 : vector<16xi32>
        %swap3A_592 = arith.constant 112 : index
        %swap3A_593 = tpu.vector_load %arg7[%swap3A_592] {strides = array<i32>} : memref<128xi32, #tpu.memory_space<vmem>>, vector<16xi32>,
        %swap3A_594 = vector.shape_cast %swap3A_593 : vector<16xi32> to vector<16xi32>
        %swap3A_595 = vector.shape_cast %add3A_591 : vector<16xi32> to vector<16xi32>
        tpu.vector_store %arg7[%swap3A_592], %swap3A_595 {strides = array<i32>} : memref<128xi32, #tpu.memory_space<vmem>>, vector<16xi32>,
        %get3A_596 = arith.constant 112 : index
        %get3A_597 = tpu.vector_load %arg8[%get3A_596] {strides = array<i32>} : memref<128xi32, #tpu.memory_space<vmem>>, vector<16xi32>,
        %get3A_598 = vector.shape_cast %get3A_597 : vector<16xi32> to vector<16xi32>
        %add3A_599 = vector.broadcast %add3A_25 : i32 to vector<16xi32>
        %add3A_600 = arith.addi %get3A_598, %add3A_599 : vector<16xi32>
        %swap3A_601 = arith.constant 112 : index
        %swap3A_602 = tpu.vector_load %arg8[%swap3A_601] {strides = array<i32>} : memref<128xi32, #tpu.memory_space<vmem>>, vector<16xi32>,
        %swap3A_603 = vector.shape_cast %swap3A_602 : vector<16xi32> to vector<16xi32>
        %swap3A_604 = vector.shape_cast %add3A_600 : vector<16xi32> to vector<16xi32>
        tpu.vector_store %arg8[%swap3A_601], %swap3A_604 {strides = array<i32>} : memref<128xi32, #tpu.memory_space<vmem>>, vector<16xi32>,
        %dma_start3A_605 = arith.constant 0 : i32
        %dma_start3A_606 = arith.constant 0 : i32
        %dma_start3A_607 = tpu.memref_slice %arg2[%dma_start3A_605, %dma_start3A_606] : memref<80000x128xf32, #tpu.memory_space<hbm>> -> memref<80000x128xf32, #tpu.memory_space<hbm>>
        tpu.enqueue_indirect_dma source(%dma_start3A_607 : memref<80000x128xf32, #tpu.memory_space<hbm>>) target(%arg11 : memref<128x128xf32, #tpu.memory_space<vmem>>) offsets(%arg7 : memref<128xi32, #tpu.memory_space<vmem>>) semaphore(%arg17 : memref<!tpu.dma_semaphore, #tpu.memory_space<semaphore_mem>>)
        %dma_start3A_608 = arith.constant 0 : i32
        %dma_start3A_609 = arith.constant 0 : i32
        %dma_start3A_610 = tpu.memref_slice %arg2[%dma_start3A_608, %dma_start3A_609] : memref<80000x128xf32, #tpu.memory_space<hbm>> -> memref<80000x128xf32, #tpu.memory_space<hbm>>
        tpu.enqueue_indirect_dma source(%dma_start3A_610 : memref<80000x128xf32, #tpu.memory_space<hbm>>) target(%arg12 : memref<128x128xf32, #tpu.memory_space<vmem>>) offsets(%arg8 : memref<128xi32, #tpu.memory_space<vmem>>) semaphore(%arg18 : memref<!tpu.dma_semaphore, #tpu.memory_space<semaphore_mem>>)
      } else {
      }
      %dma_wait3A_432 = arith.constant 0 : i32
      %dma_wait3A_433 = arith.constant 0 : i32
      %dma_wait3A_434 = tpu.memref_slice %arg2[%dma_wait3A_432, %dma_wait3A_433] : memref<80000x128xf32, #tpu.memory_space<hbm>> -> memref<80000x128xf32, #tpu.memory_space<hbm>>
      tpu.wait_indirect_dma semaphore(%arg19 : memref<!tpu.dma_semaphore, #tpu.memory_space<semaphore_mem>>) src(%dma_wait3A_434 : memref<80000x128xf32, #tpu.memory_space<hbm>>) dst(%arg13 : memref<128x128xf32, #tpu.memory_space<vmem>>)
      %dma_wait3A_435 = arith.constant 0 : i32
      %dma_wait3A_436 = arith.constant 0 : i32
      %dma_wait3A_437 = tpu.memref_slice %arg2[%dma_wait3A_435, %dma_wait3A_436] : memref<80000x128xf32, #tpu.memory_space<hbm>> -> memref<80000x128xf32, #tpu.memory_space<hbm>>
      tpu.wait_indirect_dma semaphore(%arg20 : memref<!tpu.dma_semaphore, #tpu.memory_space<semaphore_mem>>) src(%dma_wait3A_437 : memref<80000x128xf32, #tpu.memory_space<hbm>>) dst(%arg14 : memref<128x128xf32, #tpu.memory_space<vmem>>)
      %gt3A_438 = arith.constant 0 : i32
      %gt3A_439 = arith.cmpi sgt, %while3A_222, %gt3A_438 : i32
      %convert_element_type3A_440 = arith.extui %gt3A_439 : i1 to i32
      %cond3A_441 = arith.constant 0 : i32
      %cond3A_442 = arith.cmpi ne, %convert_element_type3A_440, %cond3A_441 : i32
      scf.if %cond3A_442 {
        %sub3A_456 = arith.constant 2 : i32
        %sub3A_457 = arith.subi %add3A_228, %sub3A_456 : i32
        %mul3A_458 = arith.constant 128 : i32
        %mul3A_459 = arith.muli %sub3A_457, %mul3A_458 : i32
        %add3A_460 = arith.addi %mul3A_6, %mul3A_459 : i32
        %dma_wait3A_461 = arith.constant 0 : i32
        %dma_wait3A_462 = tpu.memref_slice %arg6[%add3A_460, %dma_wait3A_461] : memref<327680x128xf32, #tpu.memory_space<hbm>> -> memref<128x128xf32, #tpu.memory_space<hbm>>
        %dma_wait3A_463 = arith.constant 0 : i32
        %dma_wait3A_464 = tpu.memref_slice %arg6[%add3A_460, %dma_wait3A_463] : memref<327680x128xf32, #tpu.memory_space<hbm>> -> memref<128x128xf32, #tpu.memory_space<hbm>>
        tpu.wait_dma2 semaphore(%arg22 : memref<!tpu.dma_semaphore, #tpu.memory_space<semaphore_mem>>) src(%arg16 : memref<128x128xf32, #tpu.memory_space<vmem>>) dst(%dma_wait3A_464 : memref<128x128xf32, #tpu.memory_space<hbm>>)
      } else {
      }
      %scan3A_443 = arith.constant 0 : i32
      %scan3A_444 = arith.constant 0 : i32
      %scan3A_445 = arith.constant 128 : i32
      %scan3A_446 = arith.addi %scan3A_444, %scan3A_445 : i32
      %scan3A_447 = arith.constant 1 : i32
      scf.for %scan3A_456 = %scan3A_444 to %scan3A_446 step %scan3A_447  : i32 {
        %get3A_457 = arith.index_cast %scan3A_456 : i32 to index
        %get3A_458 = arith.constant 0 : index
        %get3A_459 = tpu.vector_load %arg13[%get3A_457, %get3A_458] {strides = array<i32>} : memref<128x128xf32, #tpu.memory_space<vmem>>, vector<1x16xf32>,
        %get3A_460 = vector.shape_cast %get3A_459 : vector<1x16xf32> to vector<16xf32>
        %get3A_461 = arith.index_cast %scan3A_456 : i32 to index
        %get3A_462 = arith.constant 0 : index
        %get3A_463 = tpu.vector_load %arg14[%get3A_461, %get3A_462] {strides = array<i32>} : memref<128x128xf32, #tpu.memory_space<vmem>>, vector<1x16xf32>,
        %get3A_464 = vector.shape_cast %get3A_463 : vector<1x16xf32> to vector<16xf32>
        %add3A_465 = arith.addf %get3A_460, %get3A_464 : vector<16xf32>
        %swap3A_466 = arith.index_cast %scan3A_456 : i32 to index
        %swap3A_467 = arith.constant 0 : index
        %swap3A_468 = tpu.vector_load %arg16[%swap3A_466, %swap3A_467] {strides = array<i32>} : memref<128x128xf32, #tpu.memory_space<vmem>>, vector<1x16xf32>,
        %swap3A_469 = vector.shape_cast %swap3A_468 : vector<1x16xf32> to vector<16xf32>
        %swap3A_470 = vector.shape_cast %add3A_465 : vector<16xf32> to vector<1x16xf32>
        tpu.vector_store %arg16[%swap3A_466, %swap3A_467], %swap3A_470 {strides = array<i32>} : memref<128x128xf32, #tpu.memory_space<vmem>>, vector<1x16xf32>,
        %get3A_471 = arith.index_cast %scan3A_456 : i32 to index
        %get3A_472 = arith.constant 16 : index
        %get3A_473 = tpu.vector_load %arg13[%get3A_471, %get3A_472] {strides = array<i32>} : memref<128x128xf32, #tpu.memory_space<vmem>>, vector<1x16xf32>,
        %get3A_474 = vector.shape_cast %get3A_473 : vector<1x16xf32> to vector<16xf32>
        %get3A_475 = arith.index_cast %scan3A_456 : i32 to index
        %get3A_476 = arith.constant 16 : index
        %get3A_477 = tpu.vector_load %arg14[%get3A_475, %get3A_476] {strides = array<i32>} : memref<128x128xf32, #tpu.memory_space<vmem>>, vector<1x16xf32>,
        %get3A_478 = vector.shape_cast %get3A_477 : vector<1x16xf32> to vector<16xf32>
        %add3A_479 = arith.addf %get3A_474, %get3A_478 : vector<16xf32>
        %swap3A_480 = arith.index_cast %scan3A_456 : i32 to index
        %swap3A_481 = arith.constant 16 : index
        %swap3A_482 = tpu.vector_load %arg16[%swap3A_480, %swap3A_481] {strides = array<i32>} : memref<128x128xf32, #tpu.memory_space<vmem>>, vector<1x16xf32>,
        %swap3A_483 = vector.shape_cast %swap3A_482 : vector<1x16xf32> to vector<16xf32>
        %swap3A_484 = vector.shape_cast %add3A_479 : vector<16xf32> to vector<1x16xf32>
        tpu.vector_store %arg16[%swap3A_480, %swap3A_481], %swap3A_484 {strides = array<i32>} : memref<128x128xf32, #tpu.memory_space<vmem>>, vector<1x16xf32>,
        %get3A_485 = arith.index_cast %scan3A_456 : i32 to index
        %get3A_486 = arith.constant 32 : index
        %get3A_487 = tpu.vector_load %arg13[%get3A_485, %get3A_486] {strides = array<i32>} : memref<128x128xf32, #tpu.memory_space<vmem>>, vector<1x16xf32>,
        %get3A_488 = vector.shape_cast %get3A_487 : vector<1x16xf32> to vector<16xf32>
        %get3A_489 = arith.index_cast %scan3A_456 : i32 to index
        %get3A_490 = arith.constant 32 : index
        %get3A_491 = tpu.vector_load %arg14[%get3A_489, %get3A_490] {strides = array<i32>} : memref<128x128xf32, #tpu.memory_space<vmem>>, vector<1x16xf32>,
        %get3A_492 = vector.shape_cast %get3A_491 : vector<1x16xf32> to vector<16xf32>
        %add3A_493 = arith.addf %get3A_488, %get3A_492 : vector<16xf32>
        %swap3A_494 = arith.index_cast %scan3A_456 : i32 to index
        %swap3A_495 = arith.constant 32 : index
        %swap3A_496 = tpu.vector_load %arg16[%swap3A_494, %swap3A_495] {strides = array<i32>} : memref<128x128xf32, #tpu.memory_space<vmem>>, vector<1x16xf32>,
        %swap3A_497 = vector.shape_cast %swap3A_496 : vector<1x16xf32> to vector<16xf32>
        %swap3A_498 = vector.shape_cast %add3A_493 : vector<16xf32> to vector<1x16xf32>
        tpu.vector_store %arg16[%swap3A_494, %swap3A_495], %swap3A_498 {strides = array<i32>} : memref<128x128xf32, #tpu.memory_space<vmem>>, vector<1x16xf32>,
        %get3A_499 = arith.index_cast %scan3A_456 : i32 to index
        %get3A_500 = arith.constant 48 : index
        %get3A_501 = tpu.vector_load %arg13[%get3A_499, %get3A_500] {strides = array<i32>} : memref<128x128xf32, #tpu.memory_space<vmem>>, vector<1x16xf32>,
        %get3A_502 = vector.shape_cast %get3A_501 : vector<1x16xf32> to vector<16xf32>
        %get3A_503 = arith.index_cast %scan3A_456 : i32 to index
        %get3A_504 = arith.constant 48 : index
        %get3A_505 = tpu.vector_load %arg14[%get3A_503, %get3A_504] {strides = array<i32>} : memref<128x128xf32, #tpu.memory_space<vmem>>, vector<1x16xf32>,
        %get3A_506 = vector.shape_cast %get3A_505 : vector<1x16xf32> to vector<16xf32>
        %add3A_507 = arith.addf %get3A_502, %get3A_506 : vector<16xf32>
        %swap3A_508 = arith.index_cast %scan3A_456 : i32 to index
        %swap3A_509 = arith.constant 48 : index
        %swap3A_510 = tpu.vector_load %arg16[%swap3A_508, %swap3A_509] {strides = array<i32>} : memref<128x128xf32, #tpu.memory_space<vmem>>, vector<1x16xf32>,
        %swap3A_511 = vector.shape_cast %swap3A_510 : vector<1x16xf32> to vector<16xf32>
        %swap3A_512 = vector.shape_cast %add3A_507 : vector<16xf32> to vector<1x16xf32>
        tpu.vector_store %arg16[%swap3A_508, %swap3A_509], %swap3A_512 {strides = array<i32>} : memref<128x128xf32, #tpu.memory_space<vmem>>, vector<1x16xf32>,
        %get3A_513 = arith.index_cast %scan3A_456 : i32 to index
        %get3A_514 = arith.constant 64 : index
        %get3A_515 = tpu.vector_load %arg13[%get3A_513, %get3A_514] {strides = array<i32>} : memref<128x128xf32, #tpu.memory_space<vmem>>, vector<1x16xf32>,
        %get3A_516 = vector.shape_cast %get3A_515 : vector<1x16xf32> to vector<16xf32>
        %get3A_517 = arith.index_cast %scan3A_456 : i32 to index
        %get3A_518 = arith.constant 64 : index
        %get3A_519 = tpu.vector_load %arg14[%get3A_517, %get3A_518] {strides = array<i32>} : memref<128x128xf32, #tpu.memory_space<vmem>>, vector<1x16xf32>,
        %get3A_520 = vector.shape_cast %get3A_519 : vector<1x16xf32> to vector<16xf32>
        %add3A_521 = arith.addf %get3A_516, %get3A_520 : vector<16xf32>
        %swap3A_522 = arith.index_cast %scan3A_456 : i32 to index
        %swap3A_523 = arith.constant 64 : index
        %swap3A_524 = tpu.vector_load %arg16[%swap3A_522, %swap3A_523] {strides = array<i32>} : memref<128x128xf32, #tpu.memory_space<vmem>>, vector<1x16xf32>,
        %swap3A_525 = vector.shape_cast %swap3A_524 : vector<1x16xf32> to vector<16xf32>
        %swap3A_526 = vector.shape_cast %add3A_521 : vector<16xf32> to vector<1x16xf32>
        tpu.vector_store %arg16[%swap3A_522, %swap3A_523], %swap3A_526 {strides = array<i32>} : memref<128x128xf32, #tpu.memory_space<vmem>>, vector<1x16xf32>,
        %get3A_527 = arith.index_cast %scan3A_456 : i32 to index
        %get3A_528 = arith.constant 80 : index
        %get3A_529 = tpu.vector_load %arg13[%get3A_527, %get3A_528] {strides = array<i32>} : memref<128x128xf32, #tpu.memory_space<vmem>>, vector<1x16xf32>,
        %get3A_530 = vector.shape_cast %get3A_529 : vector<1x16xf32> to vector<16xf32>
        %get3A_531 = arith.index_cast %scan3A_456 : i32 to index
        %get3A_532 = arith.constant 80 : index
        %get3A_533 = tpu.vector_load %arg14[%get3A_531, %get3A_532] {strides = array<i32>} : memref<128x128xf32, #tpu.memory_space<vmem>>, vector<1x16xf32>,
        %get3A_534 = vector.shape_cast %get3A_533 : vector<1x16xf32> to vector<16xf32>
        %add3A_535 = arith.addf %get3A_530, %get3A_534 : vector<16xf32>
        %swap3A_536 = arith.index_cast %scan3A_456 : i32 to index
        %swap3A_537 = arith.constant 80 : index
        %swap3A_538 = tpu.vector_load %arg16[%swap3A_536, %swap3A_537] {strides = array<i32>} : memref<128x128xf32, #tpu.memory_space<vmem>>, vector<1x16xf32>,
        %swap3A_539 = vector.shape_cast %swap3A_538 : vector<1x16xf32> to vector<16xf32>
        %swap3A_540 = vector.shape_cast %add3A_535 : vector<16xf32> to vector<1x16xf32>
        tpu.vector_store %arg16[%swap3A_536, %swap3A_537], %swap3A_540 {strides = array<i32>} : memref<128x128xf32, #tpu.memory_space<vmem>>, vector<1x16xf32>,
        %get3A_541 = arith.index_cast %scan3A_456 : i32 to index
        %get3A_542 = arith.constant 96 : index
        %get3A_543 = tpu.vector_load %arg13[%get3A_541, %get3A_542] {strides = array<i32>} : memref<128x128xf32, #tpu.memory_space<vmem>>, vector<1x16xf32>,
        %get3A_544 = vector.shape_cast %get3A_543 : vector<1x16xf32> to vector<16xf32>
        %get3A_545 = arith.index_cast %scan3A_456 : i32 to index
        %get3A_546 = arith.constant 96 : index
        %get3A_547 = tpu.vector_load %arg14[%get3A_545, %get3A_546] {strides = array<i32>} : memref<128x128xf32, #tpu.memory_space<vmem>>, vector<1x16xf32>,
        %get3A_548 = vector.shape_cast %get3A_547 : vector<1x16xf32> to vector<16xf32>
        %add3A_549 = arith.addf %get3A_544, %get3A_548 : vector<16xf32>
        %swap3A_550 = arith.index_cast %scan3A_456 : i32 to index
        %swap3A_551 = arith.constant 96 : index
        %swap3A_552 = tpu.vector_load %arg16[%swap3A_550, %swap3A_551] {strides = array<i32>} : memref<128x128xf32, #tpu.memory_space<vmem>>, vector<1x16xf32>,
        %swap3A_553 = vector.shape_cast %swap3A_552 : vector<1x16xf32> to vector<16xf32>
        %swap3A_554 = vector.shape_cast %add3A_549 : vector<16xf32> to vector<1x16xf32>
        tpu.vector_store %arg16[%swap3A_550, %swap3A_551], %swap3A_554 {strides = array<i32>} : memref<128x128xf32, #tpu.memory_space<vmem>>, vector<1x16xf32>,
        %get3A_555 = arith.index_cast %scan3A_456 : i32 to index
        %get3A_556 = arith.constant 112 : index
        %get3A_557 = tpu.vector_load %arg13[%get3A_555, %get3A_556] {strides = array<i32>} : memref<128x128xf32, #tpu.memory_space<vmem>>, vector<1x16xf32>,
        %get3A_558 = vector.shape_cast %get3A_557 : vector<1x16xf32> to vector<16xf32>
        %get3A_559 = arith.index_cast %scan3A_456 : i32 to index
        %get3A_560 = arith.constant 112 : index
        %get3A_561 = tpu.vector_load %arg14[%get3A_559, %get3A_560] {strides = array<i32>} : memref<128x128xf32, #tpu.memory_space<vmem>>, vector<1x16xf32>,
        %get3A_562 = vector.shape_cast %get3A_561 : vector<1x16xf32> to vector<16xf32>
        %add3A_563 = arith.addf %get3A_558, %get3A_562 : vector<16xf32>
        %swap3A_564 = arith.index_cast %scan3A_456 : i32 to index
        %swap3A_565 = arith.constant 112 : index
        %swap3A_566 = tpu.vector_load %arg16[%swap3A_564, %swap3A_565] {strides = array<i32>} : memref<128x128xf32, #tpu.memory_space<vmem>>, vector<1x16xf32>,
        %swap3A_567 = vector.shape_cast %swap3A_566 : vector<1x16xf32> to vector<16xf32>
        %swap3A_568 = vector.shape_cast %add3A_563 : vector<16xf32> to vector<1x16xf32>
        tpu.vector_store %arg16[%swap3A_564, %swap3A_565], %swap3A_568 {strides = array<i32>} : memref<128x128xf32, #tpu.memory_space<vmem>>, vector<1x16xf32>,
      }
      %scan3A_448 = arith.constant 128 : i32
      %mul3A_449 = arith.constant 128 : i32
      %mul3A_450 = arith.muli %add3A_228, %mul3A_449 : i32
      %add3A_451 = arith.addi %mul3A_6, %mul3A_450 : i32
      %dma_start3A_452 = arith.constant 0 : i32
      %dma_start3A_453 = tpu.memref_slice %arg6[%add3A_451, %dma_start3A_452] : memref<327680x128xf32, #tpu.memory_space<hbm>> -> memref<128x128xf32, #tpu.memory_space<hbm>>
      %dma_start3A_454 = arith.constant 0 : i32
      %dma_start3A_455 = tpu.memref_slice %arg6[%add3A_451, %dma_start3A_454] : memref<327680x128xf32, #tpu.memory_space<hbm>> -> memref<128x128xf32, #tpu.memory_space<hbm>>
      tpu.enqueue_dma source(%arg16 : memref<128x128xf32, #tpu.memory_space<vmem>>) target(%dma_start3A_455 : memref<128x128xf32, #tpu.memory_space<hbm>>) target_semaphore(%arg22 : memref<!tpu.dma_semaphore, #tpu.memory_space<semaphore_mem>>)
    }
    %sub3A_205 = arith.constant 2 : i32
    %sub3A_206 = arith.subi %select_n3A, %sub3A_205 : i32
    %mul3A_207 = arith.constant 128 : i32
    %mul3A_208 = arith.muli %sub3A_206, %mul3A_207 : i32
    %add3A_209 = arith.addi %mul3A_6, %mul3A_208 : i32
    %dma_wait3A = arith.constant 0 : i32
    %dma_wait3A_210 = tpu.memref_slice %arg6[%add3A_209, %dma_wait3A] : memref<327680x128xf32, #tpu.memory_space<hbm>> -> memref<128x128xf32, #tpu.memory_space<hbm>>
    %dma_wait3A_211 = arith.constant 0 : i32
    %dma_wait3A_212 = tpu.memref_slice %arg6[%add3A_209, %dma_wait3A_211] : memref<327680x128xf32, #tpu.memory_space<hbm>> -> memref<128x128xf32, #tpu.memory_space<hbm>>
    tpu.wait_dma2 semaphore(%arg21 : memref<!tpu.dma_semaphore, #tpu.memory_space<semaphore_mem>>) src(%arg15 : memref<128x128xf32, #tpu.memory_space<vmem>>) dst(%dma_wait3A_212 : memref<128x128xf32, #tpu.memory_space<hbm>>)
    %sub3A_213 = arith.constant 1 : i32
    %sub3A_214 = arith.subi %select_n3A, %sub3A_213 : i32
    %mul3A_215 = arith.constant 128 : i32
    %mul3A_216 = arith.muli %sub3A_214, %mul3A_215 : i32
    %add3A_217 = arith.addi %mul3A_6, %mul3A_216 : i32
    %dma_wait3A_218 = arith.constant 0 : i32
    %dma_wait3A_219 = tpu.memref_slice %arg6[%add3A_217, %dma_wait3A_218] : memref<327680x128xf32, #tpu.memory_space<hbm>> -> memref<128x128xf32, #tpu.memory_space<hbm>>
    %dma_wait3A_220 = arith.constant 0 : i32
    %dma_wait3A_221 = tpu.memref_slice %arg6[%add3A_217, %dma_wait3A_220] : memref<327680x128xf32, #tpu.memory_space<hbm>> -> memref<128x128xf32, #tpu.memory_space<hbm>>
    tpu.wait_dma2 semaphore(%arg22 : memref<!tpu.dma_semaphore, #tpu.memory_space<semaphore_mem>>) src(%arg16 : memref<128x128xf32, #tpu.memory_space<vmem>>) dst(%dma_wait3A_221 : memref<128x128xf32, #tpu.memory_space<hbm>>)
    return
  }
}

#map = affine_map<(d0, d1) -> (0, 0)>
#map1 = affine_map<(d0, d1) -> (0)>
#map2 = affine_map<(d0, d1) -> (0, 0, 0)>
module attributes {stable_mosaic.version = 14 : i64} {
  func.func @_sc_scatter_body(%arg0: i32, %arg1: i32, %arg2: memref<327680x32xf32, #tpu.memory_space<hbm>>, %arg3: memref<327680xi32, #tpu.memory_space<hbm>>, %arg4: memref<2x10240x32xf32, #tpu.memory_space<hbm>>, %arg5: memref<128xi32, #tpu.memory_space<vmem>>, %arg6: memref<128x32xf32, #tpu.memory_space<vmem>>, %arg7: memref<640x32xf32, #tpu.memory_space<vmem>>, %arg8: memref<10240x32xf32, #tpu.memory_space<vmem_shared>>) attributes {dimension_semantics = [#tpu.dimension_semantics<core_parallel>, #tpu.dimension_semantics<subcore_parallel>], iteration_bounds = array<i64: 2, 16>, scalar_prefetch = 0 : i64, scratch_operands = 4 : i64, tpu.core_type = #tpu.core_type<sc_vector_subcore>, window_params = [{transform_indices = #map}, {transform_indices = #map1}, {transform_indices = #map2}]} {
    %mul3A = arith.constant 2 : i32
    %mul3A_0 = arith.muli %arg1, %mul3A : i32
    %add3A = arith.addi %mul3A_0, %arg0 : i32
    %broadcast_in_dim3A = arith.constant 0.000000e+00 : f32
    %broadcast_in_dim3A_1 = vector.broadcast %broadcast_in_dim3A : f32 to vector<16xf32>
    %scan3A = arith.constant 0 : i32
    %scan3A_2 = arith.constant 0 : i32
    %scan3A_3 = arith.constant 640 : i32
    %scan3A_4 = arith.addi %scan3A_2, %scan3A_3 : i32
    %scan3A_5 = arith.constant 1 : i32
    scf.for %scan3A_20 = %scan3A_2 to %scan3A_4 step %scan3A_5  : i32 {
      %swap3A = arith.index_cast %scan3A_20 : i32 to index
      %swap3A_21 = arith.constant 0 : index
      %swap3A_22 = tpu.vector_load %arg7[%swap3A, %swap3A_21] {strides = array<i32>} : memref<640x32xf32, #tpu.memory_space<vmem>>, vector<1x16xf32>,
      %swap3A_23 = vector.shape_cast %swap3A_22 : vector<1x16xf32> to vector<16xf32>
      %swap3A_24 = vector.shape_cast %broadcast_in_dim3A_1 : vector<16xf32> to vector<1x16xf32>
      tpu.vector_store %arg7[%swap3A, %swap3A_21], %swap3A_24 {strides = array<i32>} : memref<640x32xf32, #tpu.memory_space<vmem>>, vector<1x16xf32>,
      %swap3A_25 = arith.index_cast %scan3A_20 : i32 to index
      %swap3A_26 = arith.constant 16 : index
      %swap3A_27 = tpu.vector_load %arg7[%swap3A_25, %swap3A_26] {strides = array<i32>} : memref<640x32xf32, #tpu.memory_space<vmem>>, vector<1x16xf32>,
      %swap3A_28 = vector.shape_cast %swap3A_27 : vector<1x16xf32> to vector<16xf32>
      %swap3A_29 = vector.shape_cast %broadcast_in_dim3A_1 : vector<16xf32> to vector<1x16xf32>
      tpu.vector_store %arg7[%swap3A_25, %swap3A_26], %swap3A_29 {strides = array<i32>} : memref<640x32xf32, #tpu.memory_space<vmem>>, vector<1x16xf32>,
    }
    %scan3A_6 = arith.constant 640 : i32
    %mul3A_7 = arith.constant 640 : i32
    %mul3A_8 = arith.muli %arg1, %mul3A_7 : i32
    "tpu.region"() ({
      %run_scoped3A = tpu.sem_alloc : memref<!tpu.dma_semaphore, #tpu.memory_space<semaphore_mem>>
      %dma_start3A = arith.constant 0 : i32
      %dma_start3A_20 = tpu.memref_slice %arg8[%mul3A_8, %dma_start3A] : memref<10240x32xf32, #tpu.memory_space<vmem_shared>> -> memref<640x32xf32, #tpu.memory_space<vmem_shared>>
      %dma_start3A_21 = arith.constant 0 : i32
      %dma_start3A_22 = tpu.memref_slice %arg8[%mul3A_8, %dma_start3A_21] : memref<10240x32xf32, #tpu.memory_space<vmem_shared>> -> memref<640x32xf32, #tpu.memory_space<vmem_shared>>
      tpu.enqueue_dma source(%arg7 : memref<640x32xf32, #tpu.memory_space<vmem>>) target(%dma_start3A_22 : memref<640x32xf32, #tpu.memory_space<vmem_shared>>) target_semaphore(%run_scoped3A : memref<!tpu.dma_semaphore, #tpu.memory_space<semaphore_mem>>)
      %dma_wait3A = arith.constant 0 : i32
      %dma_wait3A_23 = tpu.memref_slice %arg8[%mul3A_8, %dma_wait3A] : memref<10240x32xf32, #tpu.memory_space<vmem_shared>> -> memref<640x32xf32, #tpu.memory_space<vmem_shared>>
      %dma_wait3A_24 = arith.constant 0 : i32
      %dma_wait3A_25 = tpu.memref_slice %arg8[%mul3A_8, %dma_wait3A_24] : memref<10240x32xf32, #tpu.memory_space<vmem_shared>> -> memref<640x32xf32, #tpu.memory_space<vmem_shared>>
      tpu.wait_dma2 semaphore(%run_scoped3A : memref<!tpu.dma_semaphore, #tpu.memory_space<semaphore_mem>>) src(%arg7 : memref<640x32xf32, #tpu.memory_space<vmem>>) dst(%dma_wait3A_25 : memref<640x32xf32, #tpu.memory_space<vmem_shared>>)
      tpu.yield
    }) : () -> ()
    %barrier3A = arith.constant 0 : index
    tpu.barrier barrier_id(%barrier3A)
    %scan3A_9 = arith.constant 0 : i32
    %scan3A_10 = arith.constant 0 : i32
    %scan3A_11 = arith.constant 80 : i32
    %scan3A_12 = arith.addi %scan3A_10, %scan3A_11 : i32
    %scan3A_13 = arith.constant 1 : i32
    scf.for %scan3A_20 = %scan3A_10 to %scan3A_12 step %scan3A_13  : i32 {
      %mul3A_21 = arith.constant 10240 : i32
      %mul3A_22 = arith.muli %add3A, %mul3A_21 : i32
      %mul3A_23 = arith.constant 128 : i32
      %mul3A_24 = arith.muli %scan3A_20, %mul3A_23 : i32
      %add3A_25 = arith.addi %mul3A_22, %mul3A_24 : i32
      "tpu.region"() ({
        %run_scoped3A = tpu.sem_alloc : memref<!tpu.dma_semaphore, #tpu.memory_space<semaphore_mem>>
        %dma_start3A = tpu.memref_slice %arg3[%add3A_25] : memref<327680xi32, #tpu.memory_space<hbm>> -> memref<128xi32, #tpu.memory_space<hbm>>
        %dma_start3A_26 = tpu.memref_slice %arg3[%add3A_25] : memref<327680xi32, #tpu.memory_space<hbm>> -> memref<128xi32, #tpu.memory_space<hbm>>
        tpu.enqueue_dma source(%dma_start3A_26 : memref<128xi32, #tpu.memory_space<hbm>>) target(%arg5 : memref<128xi32, #tpu.memory_space<vmem>>) target_semaphore(%run_scoped3A : memref<!tpu.dma_semaphore, #tpu.memory_space<semaphore_mem>>)
        %dma_wait3A = tpu.memref_slice %arg3[%add3A_25] : memref<327680xi32, #tpu.memory_space<hbm>> -> memref<128xi32, #tpu.memory_space<hbm>>
        %dma_wait3A_27 = tpu.memref_slice %arg3[%add3A_25] : memref<327680xi32, #tpu.memory_space<hbm>> -> memref<128xi32, #tpu.memory_space<hbm>>
        tpu.wait_dma2 semaphore(%run_scoped3A : memref<!tpu.dma_semaphore, #tpu.memory_space<semaphore_mem>>) src(%dma_wait3A_27 : memref<128xi32, #tpu.memory_space<hbm>>) dst(%arg5 : memref<128xi32, #tpu.memory_space<vmem>>)
        tpu.yield
      }) : () -> ()
      "tpu.region"() ({
        %run_scoped3A = tpu.sem_alloc : memref<!tpu.dma_semaphore, #tpu.memory_space<semaphore_mem>>
        %dma_start3A = arith.constant 0 : i32
        %dma_start3A_26 = tpu.memref_slice %arg2[%add3A_25, %dma_start3A] : memref<327680x32xf32, #tpu.memory_space<hbm>> -> memref<128x32xf32, #tpu.memory_space<hbm>>
        %dma_start3A_27 = arith.constant 0 : i32
        %dma_start3A_28 = tpu.memref_slice %arg2[%add3A_25, %dma_start3A_27] : memref<327680x32xf32, #tpu.memory_space<hbm>> -> memref<128x32xf32, #tpu.memory_space<hbm>>
        tpu.enqueue_dma source(%dma_start3A_28 : memref<128x32xf32, #tpu.memory_space<hbm>>) target(%arg6 : memref<128x32xf32, #tpu.memory_space<vmem>>) target_semaphore(%run_scoped3A : memref<!tpu.dma_semaphore, #tpu.memory_space<semaphore_mem>>)
        %dma_wait3A = arith.constant 0 : i32
        %dma_wait3A_29 = tpu.memref_slice %arg2[%add3A_25, %dma_wait3A] : memref<327680x32xf32, #tpu.memory_space<hbm>> -> memref<128x32xf32, #tpu.memory_space<hbm>>
        %dma_wait3A_30 = arith.constant 0 : i32
        %dma_wait3A_31 = tpu.memref_slice %arg2[%add3A_25, %dma_wait3A_30] : memref<327680x32xf32, #tpu.memory_space<hbm>> -> memref<128x32xf32, #tpu.memory_space<hbm>>
        tpu.wait_dma2 semaphore(%run_scoped3A : memref<!tpu.dma_semaphore, #tpu.memory_space<semaphore_mem>>) src(%dma_wait3A_31 : memref<128x32xf32, #tpu.memory_space<hbm>>) dst(%arg6 : memref<128x32xf32, #tpu.memory_space<vmem>>)
        tpu.yield
      }) : () -> ()
      "tpu.region"() ({
        %run_scoped3A = tpu.sem_alloc : memref<!tpu.dma_semaphore, #tpu.memory_space<semaphore_mem>>
        %dma_start3A = arith.constant 0 : i32
        %dma_start3A_26 = arith.constant 0 : i32
        %dma_start3A_27 = tpu.memref_slice %arg8[%dma_start3A, %dma_start3A_26] : memref<10240x32xf32, #tpu.memory_space<vmem_shared>> -> memref<10240x32xf32, #tpu.memory_space<vmem_shared>>
        tpu.enqueue_indirect_dma source(%arg6 : memref<128x32xf32, #tpu.memory_space<vmem>>) target(%dma_start3A_27 : memref<10240x32xf32, #tpu.memory_space<vmem_shared>>) offsets(%arg5 : memref<128xi32, #tpu.memory_space<vmem>>) semaphore(%run_scoped3A : memref<!tpu.dma_semaphore, #tpu.memory_space<semaphore_mem>>) {add = true}
        %dma_wait3A = arith.constant 0 : i32
        %dma_wait3A_28 = arith.constant 0 : i32
        %dma_wait3A_29 = tpu.memref_slice %arg8[%dma_wait3A, %dma_wait3A_28] : memref<10240x32xf32, #tpu.memory_space<vmem_shared>> -> memref<10240x32xf32, #tpu.memory_space<vmem_shared>>
        tpu.wait_indirect_dma semaphore(%run_scoped3A : memref<!tpu.dma_semaphore, #tpu.memory_space<semaphore_mem>>) src(%arg6 : memref<128x32xf32, #tpu.memory_space<vmem>>) dst(%dma_wait3A_29 : memref<10240x32xf32, #tpu.memory_space<vmem_shared>>)
        tpu.yield
      }) : () -> ()
    }
    %scan3A_14 = arith.constant 80 : i32
    %barrier3A_15 = arith.constant 0 : index
    tpu.barrier barrier_id(%barrier3A_15)
    %mul3A_16 = arith.constant 640 : i32
    %mul3A_17 = arith.muli %arg1, %mul3A_16 : i32
    "tpu.region"() ({
      %run_scoped3A = tpu.sem_alloc : memref<!tpu.dma_semaphore, #tpu.memory_space<semaphore_mem>>
      %dma_start3A = arith.constant 0 : i32
      %dma_start3A_20 = tpu.memref_slice %arg8[%mul3A_17, %dma_start3A] : memref<10240x32xf32, #tpu.memory_space<vmem_shared>> -> memref<640x32xf32, #tpu.memory_space<vmem_shared>>
      %dma_start3A_21 = arith.constant 0 : i32
      %dma_start3A_22 = tpu.memref_slice %arg8[%mul3A_17, %dma_start3A_21] : memref<10240x32xf32, #tpu.memory_space<vmem_shared>> -> memref<640x32xf32, #tpu.memory_space<vmem_shared>>
      tpu.enqueue_dma source(%dma_start3A_22 : memref<640x32xf32, #tpu.memory_space<vmem_shared>>) target(%arg7 : memref<640x32xf32, #tpu.memory_space<vmem>>) target_semaphore(%run_scoped3A : memref<!tpu.dma_semaphore, #tpu.memory_space<semaphore_mem>>)
      %dma_wait3A = arith.constant 0 : i32
      %dma_wait3A_23 = tpu.memref_slice %arg8[%mul3A_17, %dma_wait3A] : memref<10240x32xf32, #tpu.memory_space<vmem_shared>> -> memref<640x32xf32, #tpu.memory_space<vmem_shared>>
      %dma_wait3A_24 = arith.constant 0 : i32
      %dma_wait3A_25 = tpu.memref_slice %arg8[%mul3A_17, %dma_wait3A_24] : memref<10240x32xf32, #tpu.memory_space<vmem_shared>> -> memref<640x32xf32, #tpu.memory_space<vmem_shared>>
      tpu.wait_dma2 semaphore(%run_scoped3A : memref<!tpu.dma_semaphore, #tpu.memory_space<semaphore_mem>>) src(%dma_wait3A_25 : memref<640x32xf32, #tpu.memory_space<vmem_shared>>) dst(%arg7 : memref<640x32xf32, #tpu.memory_space<vmem>>)
      tpu.yield
    }) : () -> ()
    %mul3A_18 = arith.constant 640 : i32
    %mul3A_19 = arith.muli %arg1, %mul3A_18 : i32
    "tpu.region"() ({
      %run_scoped3A = tpu.sem_alloc : memref<!tpu.dma_semaphore, #tpu.memory_space<semaphore_mem>>
      %dma_start3A = arith.constant 0 : i32
      %dma_start3A_20 = tpu.memref_slice %arg4[%arg0, %mul3A_19, %dma_start3A] : memref<2x10240x32xf32, #tpu.memory_space<hbm>> -> memref<1x640x32xf32, #tpu.memory_space<hbm>>
      %dma_start3A_21 = tpu.memref_squeeze %dma_start3A_20 : memref<1x640x32xf32, #tpu.memory_space<hbm>> -> memref<640x32xf32, #tpu.memory_space<hbm>>
      %dma_start3A_22 = arith.constant 0 : i32
      %dma_start3A_23 = tpu.memref_slice %arg4[%arg0, %mul3A_19, %dma_start3A_22] : memref<2x10240x32xf32, #tpu.memory_space<hbm>> -> memref<1x640x32xf32, #tpu.memory_space<hbm>>
      %dma_start3A_24 = tpu.memref_squeeze %dma_start3A_23 : memref<1x640x32xf32, #tpu.memory_space<hbm>> -> memref<640x32xf32, #tpu.memory_space<hbm>>
      tpu.enqueue_dma source(%arg7 : memref<640x32xf32, #tpu.memory_space<vmem>>) target(%dma_start3A_24 : memref<640x32xf32, #tpu.memory_space<hbm>>) target_semaphore(%run_scoped3A : memref<!tpu.dma_semaphore, #tpu.memory_space<semaphore_mem>>)
      %dma_wait3A = arith.constant 0 : i32
      %dma_wait3A_25 = tpu.memref_slice %arg4[%arg0, %mul3A_19, %dma_wait3A] : memref<2x10240x32xf32, #tpu.memory_space<hbm>> -> memref<1x640x32xf32, #tpu.memory_space<hbm>>
      %dma_wait3A_26 = tpu.memref_squeeze %dma_wait3A_25 : memref<1x640x32xf32, #tpu.memory_space<hbm>> -> memref<640x32xf32, #tpu.memory_space<hbm>>
      %dma_wait3A_27 = arith.constant 0 : i32
      %dma_wait3A_28 = tpu.memref_slice %arg4[%arg0, %mul3A_19, %dma_wait3A_27] : memref<2x10240x32xf32, #tpu.memory_space<hbm>> -> memref<1x640x32xf32, #tpu.memory_space<hbm>>
      %dma_wait3A_29 = tpu.memref_squeeze %dma_wait3A_28 : memref<1x640x32xf32, #tpu.memory_space<hbm>> -> memref<640x32xf32, #tpu.memory_space<hbm>>
      tpu.wait_dma2 semaphore(%run_scoped3A : memref<!tpu.dma_semaphore, #tpu.memory_space<semaphore_mem>>) src(%arg7 : memref<640x32xf32, #tpu.memory_space<vmem>>) dst(%dma_wait3A_29 : memref<640x32xf32, #tpu.memory_space<hbm>>)
      tpu.yield
    }) : () -> ()
    return
  }
}

module attributes {stable_mosaic.version = 14 : i64} {
  func.func @_node_body(%arg0: i32, %arg1: memref<400x128xf32, #tpu.memory_space<vmem>>, %arg2: memref<128x128xf32, #tpu.memory_space<vmem>>, %arg3: memref<1x128xf32, #tpu.memory_space<vmem>>, %arg4: memref<128x128xf32, #tpu.memory_space<vmem>>, %arg5: memref<1x128xf32, #tpu.memory_space<vmem>>, %arg6: memref<400x128xf32, #tpu.memory_space<vmem>>, %arg7: memref<400x128xf32, #tpu.memory_space<vmem>>) attributes {dimension_semantics = [#tpu.dimension_semantics<arbitrary>], iteration_bounds = array<i64: 25>, scalar_prefetch = 0 : i64, scratch_operands = 0 : i64, tpu.core_type = #tpu.core_type<tc>, window_params = [{transform_indices = @transform_0, window_bounds = array<i64: 400, 128>}, {pipeline_mode = #tpu.pipeline_mode<synchronous>, transform_indices = @transform_1, window_bounds = array<i64: 128, 128>}, {pipeline_mode = #tpu.pipeline_mode<synchronous>, transform_indices = @transform_2, window_bounds = array<i64: 1, 128>}, {pipeline_mode = #tpu.pipeline_mode<synchronous>, transform_indices = @transform_3, window_bounds = array<i64: 128, 128>}, {pipeline_mode = #tpu.pipeline_mode<synchronous>, transform_indices = @transform_4, window_bounds = array<i64: 1, 128>}, {transform_indices = @transform_5, window_bounds = array<i64: 400, 128>}, {transform_indices = @transform_6, window_bounds = array<i64: 400, 128>}]} {
    %get3A = arith.constant 0 : index
    %get3A_0 = arith.constant 0 : index
    %get3A_1 = vector.load %arg1[%get3A, %get3A_0] : memref<400x128xf32, #tpu.memory_space<vmem>>, vector<400x128xf32>
    %get3A_2 = arith.constant 0 : index
    %get3A_3 = arith.constant 0 : index
    %get3A_4 = vector.load %arg2[%get3A_2, %get3A_3] : memref<128x128xf32, #tpu.memory_space<vmem>>, vector<128x128xf32>
    %dot_general3A = arith.constant dense<0.000000e+00> : vector<400x128xf32>
    %dot_general3A_5 = tpu.matmul %get3A_1, %get3A_4, %dot_general3A {dimension_numbers = #tpu.dot_dimension_numbers<[1], [0], [0], [1], [0, 0, 1, 1], [], []>, transpose_lhs_hint = false} : vector<400x128xf32>, vector<128x128xf32>, vector<400x128xf32> -> vector<400x128xf32>
    %get3A_6 = arith.constant 0 : index
    %get3A_7 = arith.constant 0 : index
    %get3A_8 = vector.load %arg3[%get3A_6, %get3A_7] : memref<1x128xf32, #tpu.memory_space<vmem>>, vector<1x128xf32>
    %add3A = vector.broadcast %get3A_8 : vector<1x128xf32> to vector<400x128xf32>
    %add3A_9 = arith.addf %dot_general3A_5, %add3A : vector<400x128xf32>
    %swap3A = arith.constant 0 : index
    %swap3A_10 = arith.constant 0 : index
    %swap3A_11 = vector.load %arg6[%swap3A, %swap3A_10] : memref<400x128xf32, #tpu.memory_space<vmem>>, vector<400x128xf32>
    tpu.vector_store %arg6[%swap3A, %swap3A_10], %add3A_9 {strides = array<i32>} : memref<400x128xf32, #tpu.memory_space<vmem>>, vector<400x128xf32>,
    %get3A_12 = arith.constant 0 : index
    %get3A_13 = arith.constant 0 : index
    %get3A_14 = vector.load %arg4[%get3A_12, %get3A_13] : memref<128x128xf32, #tpu.memory_space<vmem>>, vector<128x128xf32>
    %dot_general3A_15 = arith.constant dense<0.000000e+00> : vector<400x128xf32>
    %dot_general3A_16 = tpu.matmul %get3A_1, %get3A_14, %dot_general3A_15 {dimension_numbers = #tpu.dot_dimension_numbers<[1], [0], [0], [1], [0, 0, 1, 1], [], []>, transpose_lhs_hint = false} : vector<400x128xf32>, vector<128x128xf32>, vector<400x128xf32> -> vector<400x128xf32>
    %get3A_17 = arith.constant 0 : index
    %get3A_18 = arith.constant 0 : index
    %get3A_19 = vector.load %arg5[%get3A_17, %get3A_18] : memref<1x128xf32, #tpu.memory_space<vmem>>, vector<1x128xf32>
    %add3A_20 = vector.broadcast %get3A_19 : vector<1x128xf32> to vector<400x128xf32>
    %add3A_21 = arith.addf %dot_general3A_16, %add3A_20 : vector<400x128xf32>
    %swap3A_22 = arith.constant 0 : index
    %swap3A_23 = arith.constant 0 : index
    %swap3A_24 = vector.load %arg7[%swap3A_22, %swap3A_23] : memref<400x128xf32, #tpu.memory_space<vmem>>, vector<400x128xf32>
    tpu.vector_store %arg7[%swap3A_22, %swap3A_23], %add3A_21 {strides = array<i32>} : memref<400x128xf32, #tpu.memory_space<vmem>>, vector<400x128xf32>,
    return
  }
  func.func @transform_0(%arg0: i32) -> (i32, i32) {
    %c0_i32 = arith.constant 0 : i32
    %c0_i32_0 = arith.constant 0 : i32
    return %arg0, %c0_i32 : i32, i32
  }
  func.func @transform_1(%arg0: i32) -> (i32, i32) {
    %c0_i32 = arith.constant 0 : i32
    %c0_i32_0 = arith.constant 0 : i32
    %c0_i32_1 = arith.constant 0 : i32
    return %c0_i32, %c0_i32_0 : i32, i32
  }
  func.func @transform_2(%arg0: i32) -> (i32, i32) {
    %c0_i32 = arith.constant 0 : i32
    %c0_i32_0 = arith.constant 0 : i32
    %c0_i32_1 = arith.constant 0 : i32
    return %c0_i32, %c0_i32_0 : i32, i32
  }
  func.func @transform_3(%arg0: i32) -> (i32, i32) {
    %c0_i32 = arith.constant 0 : i32
    %c0_i32_0 = arith.constant 0 : i32
    %c0_i32_1 = arith.constant 0 : i32
    return %c0_i32, %c0_i32_0 : i32, i32
  }
  func.func @transform_4(%arg0: i32) -> (i32, i32) {
    %c0_i32 = arith.constant 0 : i32
    %c0_i32_0 = arith.constant 0 : i32
    %c0_i32_1 = arith.constant 0 : i32
    return %c0_i32, %c0_i32_0 : i32, i32
  }
  func.func @transform_5(%arg0: i32) -> (i32, i32) {
    %c0_i32 = arith.constant 0 : i32
    %c0_i32_0 = arith.constant 0 : i32
    return %arg0, %c0_i32 : i32, i32
  }
  func.func @transform_6(%arg0: i32) -> (i32, i32) {
    %c0_i32 = arith.constant 0 : i32
    %c0_i32_0 = arith.constant 0 : i32
    return %arg0, %c0_i32 : i32, i32
  }
}

module attributes {stable_mosaic.version = 14 : i64} {
  func.func @_edge_body(%arg0: i32, %arg1: memref<512x128xf32, #tpu.memory_space<vmem>>, %arg2: memref<512x16xf32, #tpu.memory_space<vmem>>, %arg3: memref<1x128xf32, #tpu.memory_space<vmem>>, %arg4: memref<128x128xf32, #tpu.memory_space<vmem>>, %arg5: memref<16x128xf32, #tpu.memory_space<vmem>>, %arg6: memref<1x128xf32, #tpu.memory_space<vmem>>, %arg7: memref<128x16xf32, #tpu.memory_space<vmem>>, %arg8: memref<1x16xf32, #tpu.memory_space<vmem>>, %arg9: memref<512x32xf32, #tpu.memory_space<vmem>>) attributes {dimension_semantics = [#tpu.dimension_semantics<arbitrary>], iteration_bounds = array<i64: 640>, scalar_prefetch = 0 : i64, scratch_operands = 0 : i64, tpu.core_type = #tpu.core_type<tc>, window_params = [{transform_indices = @transform_0, window_bounds = array<i64: 512, 128>}, {transform_indices = @transform_1, window_bounds = array<i64: 512, 16>}, {pipeline_mode = #tpu.pipeline_mode<synchronous>, transform_indices = @transform_2, window_bounds = array<i64: 1, 128>}, {pipeline_mode = #tpu.pipeline_mode<synchronous>, transform_indices = @transform_3, window_bounds = array<i64: 128, 128>}, {pipeline_mode = #tpu.pipeline_mode<synchronous>, transform_indices = @transform_4, window_bounds = array<i64: 16, 128>}, {pipeline_mode = #tpu.pipeline_mode<synchronous>, transform_indices = @transform_5, window_bounds = array<i64: 1, 128>}, {pipeline_mode = #tpu.pipeline_mode<synchronous>, transform_indices = @transform_6, window_bounds = array<i64: 128, 16>}, {pipeline_mode = #tpu.pipeline_mode<synchronous>, transform_indices = @transform_7, window_bounds = array<i64: 1, 16>}, {transform_indices = @transform_8, window_bounds = array<i64: 512, 32>}]} {
    %get3A = arith.constant 0 : index
    %get3A_0 = arith.constant 0 : index
    %get3A_1 = vector.load %arg1[%get3A, %get3A_0] : memref<512x128xf32, #tpu.memory_space<vmem>>, vector<512x128xf32>
    %gt3A = arith.constant 0.000000e+00 : f32
    %gt3A_2 = vector.broadcast %gt3A : f32 to vector<512x128xf32>
    %gt3A_3 = arith.cmpf ogt, %get3A_1, %gt3A_2 : vector<512x128xf32>
    %min3A = arith.constant 0.000000e+00 : f32
    %min3A_4 = vector.broadcast %min3A : f32 to vector<512x128xf32>
    %min3A_5 = arith.minimumf %get3A_1, %min3A_4 : vector<512x128xf32>
    %exp3A = math.exp %min3A_5 : vector<512x128xf32>
    %sub3A = arith.constant 1.000000e+00 : f32
    %sub3A_6 = vector.broadcast %sub3A : f32 to vector<512x128xf32>
    %sub3A_7 = arith.subf %exp3A, %sub3A_6 : vector<512x128xf32>
    %mul3A = arith.constant 1.67326319 : f32
    %mul3A_8 = vector.broadcast %mul3A : f32 to vector<512x128xf32>
    %mul3A_9 = arith.mulf %mul3A_8, %sub3A_7 : vector<512x128xf32>
    %select_n3A = arith.select %gt3A_3, %get3A_1, %mul3A_9 : vector<512x128xi1>, vector<512x128xf32>
    %mul3A_10 = arith.constant 1.05070102 : f32
    %mul3A_11 = vector.broadcast %mul3A_10 : f32 to vector<512x128xf32>
    %mul3A_12 = arith.mulf %mul3A_11, %select_n3A : vector<512x128xf32>
    %get3A_13 = arith.constant 0 : index
    %get3A_14 = arith.constant 0 : index
    %get3A_15 = vector.load %arg2[%get3A_13, %get3A_14] : memref<512x16xf32, #tpu.memory_space<vmem>>, vector<512x16xf32>
    %eq3A = arith.constant 0.000000e+00 : f32
    %eq3A_16 = vector.broadcast %eq3A : f32 to vector<512x16xf32>
    %eq3A_17 = arith.cmpf oeq, %get3A_15, %eq3A_16 : vector<512x16xf32>
    %reduce_and3A = arith.constant 1.000000e+00 : f32
    %reduce_and3A_18 = arith.constant 0.000000e+00 : f32
    %reduce_and3A_19 = vector.broadcast %reduce_and3A : f32 to vector<512x16xf32>
    %reduce_and3A_20 = vector.broadcast %reduce_and3A_18 : f32 to vector<512x16xf32>
    %reduce_and3A_21 = arith.select %eq3A_17, %reduce_and3A_19, %reduce_and3A_20 : vector<512x16xi1>, vector<512x16xf32>
    %reduce_and3A_22 = arith.constant dense<0x7F800000> : vector<512xf32>
    %reduce_and3A_23 = vector.multi_reduction <minimumf>, %reduce_and3A_21, %reduce_and3A_22 [1] : vector<512x16xf32> to vector<512xf32>
    %reduce_and3A_24 = arith.constant 0.000000e+00 : f32
    %reduce_and3A_25 = vector.broadcast %reduce_and3A_24 : f32 to vector<512xf32>
    %reduce_and3A_26 = arith.cmpf ogt, %reduce_and3A_23, %reduce_and3A_25 : vector<512xf32>
    %broadcast_in_dim3A = vector.shape_cast %reduce_and3A_26 : vector<512xi1> to vector<512x1xi1>
    %jit3A = arith.constant 0.000000e+00 : f32
    %broadcast_in_dim3A_27 = vector.shape_cast %broadcast_in_dim3A : vector<512x1xi1> to vector<512x1xi1>
    %broadcast_in_dim3A_28 = vector.broadcast %broadcast_in_dim3A_27 : vector<512x1xi1> to vector<512x128xi1>
    %broadcast_in_dim3A_29 = vector.broadcast %jit3A : f32 to vector<512x128xf32>
    %select_n3A_30 = arith.select %broadcast_in_dim3A_28, %broadcast_in_dim3A_29, %mul3A_12 : vector<512x128xi1>, vector<512x128xf32>
    %get3A_31 = arith.constant 0 : index
    %get3A_32 = arith.constant 0 : index
    %get3A_33 = vector.load %arg3[%get3A_31, %get3A_32] : memref<1x128xf32, #tpu.memory_space<vmem>>, vector<1x128xf32>
    %mul3A_34 = vector.broadcast %get3A_33 : vector<1x128xf32> to vector<512x128xf32>
    %mul3A_35 = arith.mulf %select_n3A_30, %mul3A_34 : vector<512x128xf32>
    %reduce_sum3A = arith.constant dense<0.000000e+00> : vector<512xf32>
    %reduce_sum3A_36 = vector.multi_reduction <add>, %mul3A_35, %reduce_sum3A [1] : vector<512x128xf32> to vector<512xf32>
    %broadcast_in_dim3A_37 = vector.shape_cast %reduce_sum3A_36 : vector<512xf32> to vector<512x1xf32>
    %mul3A_38 = arith.constant 512 : i32
    %mul3A_39 = arith.muli %arg0, %mul3A_38 : i32
    %iota3A = tpu.iota {dimensions = array<i32: 0>} : vector<512x1xi32>
    %add3A = vector.broadcast %mul3A_39 : i32 to vector<512x1xi32>
    %add3A_40 = arith.addi %add3A, %iota3A : vector<512x1xi32>
    %ne3A = arith.constant 0.000000e+00 : f32
    %ne3A_41 = vector.broadcast %ne3A : f32 to vector<512x1xf32>
    %ne3A_42 = arith.cmpf one, %broadcast_in_dim3A_37, %ne3A_41 : vector<512x1xf32>
    %lt3A = arith.constant 320000 : i32
    %lt3A_43 = vector.broadcast %lt3A : i32 to vector<512x1xi32>
    %lt3A_44 = arith.cmpi slt, %add3A_40, %lt3A_43 : vector<512x1xi32>
    %and3A = arith.andi %ne3A_42, %lt3A_44 : vector<512x1xi1>
    %exp3A_45 = math.exp %broadcast_in_dim3A_37 : vector<512x1xf32>
    %jit3A_46 = arith.constant 0.000000e+00 : f32
    %broadcast_in_dim3A_47 = vector.broadcast %jit3A_46 : f32 to vector<512x1xf32>
    %select_n3A_48 = arith.select %and3A, %exp3A_45, %broadcast_in_dim3A_47 : vector<512x1xi1>, vector<512x1xf32>
    %get3A_49 = arith.constant 0 : index
    %get3A_50 = arith.constant 0 : index
    %get3A_51 = vector.load %arg4[%get3A_49, %get3A_50] : memref<128x128xf32, #tpu.memory_space<vmem>>, vector<128x128xf32>
    %dot_general3A = arith.constant dense<0.000000e+00> : vector<512x128xf32>
    %dot_general3A_52 = tpu.matmul %select_n3A_30, %get3A_51, %dot_general3A {dimension_numbers = #tpu.dot_dimension_numbers<[1], [0], [0], [1], [0, 0, 1, 1], [], []>, transpose_lhs_hint = false} : vector<512x128xf32>, vector<128x128xf32>, vector<512x128xf32> -> vector<512x128xf32>
    %get3A_53 = arith.constant 0 : index
    %get3A_54 = arith.constant 0 : index
    %get3A_55 = vector.load %arg5[%get3A_53, %get3A_54] : memref<16x128xf32, #tpu.memory_space<vmem>>, vector<16x128xf32>
    %dot_general3A_56 = arith.constant dense<0.000000e+00> : vector<512x128xf32>
    %dot_general3A_57 = tpu.matmul %get3A_15, %get3A_55, %dot_general3A_56 {dimension_numbers = #tpu.dot_dimension_numbers<[1], [0], [0], [1], [0, 0, 1, 1], [], []>, transpose_lhs_hint = false} : vector<512x16xf32>, vector<16x128xf32>, vector<512x128xf32> -> vector<512x128xf32>
    %add3A_58 = arith.addf %dot_general3A_52, %dot_general3A_57 : vector<512x128xf32>
    %get3A_59 = arith.constant 0 : index
    %get3A_60 = arith.constant 0 : index
    %get3A_61 = vector.load %arg6[%get3A_59, %get3A_60] : memref<1x128xf32, #tpu.memory_space<vmem>>, vector<1x128xf32>
    %add3A_62 = vector.broadcast %get3A_61 : vector<1x128xf32> to vector<512x128xf32>
    %add3A_63 = arith.addf %add3A_58, %add3A_62 : vector<512x128xf32>
    %gt3A_64 = arith.constant 0.000000e+00 : f32
    %gt3A_65 = vector.broadcast %gt3A_64 : f32 to vector<512x128xf32>
    %gt3A_66 = arith.cmpf ogt, %add3A_63, %gt3A_65 : vector<512x128xf32>
    %min3A_67 = arith.constant 0.000000e+00 : f32
    %min3A_68 = vector.broadcast %min3A_67 : f32 to vector<512x128xf32>
    %min3A_69 = arith.minimumf %add3A_63, %min3A_68 : vector<512x128xf32>
    %exp3A_70 = math.exp %min3A_69 : vector<512x128xf32>
    %sub3A_71 = arith.constant 1.000000e+00 : f32
    %sub3A_72 = vector.broadcast %sub3A_71 : f32 to vector<512x128xf32>
    %sub3A_73 = arith.subf %exp3A_70, %sub3A_72 : vector<512x128xf32>
    %mul3A_74 = arith.constant 1.67326319 : f32
    %mul3A_75 = vector.broadcast %mul3A_74 : f32 to vector<512x128xf32>
    %mul3A_76 = arith.mulf %mul3A_75, %sub3A_73 : vector<512x128xf32>
    %select_n3A_77 = arith.select %gt3A_66, %add3A_63, %mul3A_76 : vector<512x128xi1>, vector<512x128xf32>
    %mul3A_78 = arith.constant 1.05070102 : f32
    %mul3A_79 = vector.broadcast %mul3A_78 : f32 to vector<512x128xf32>
    %mul3A_80 = arith.mulf %mul3A_79, %select_n3A_77 : vector<512x128xf32>
    %get3A_81 = arith.constant 0 : index
    %get3A_82 = arith.constant 0 : index
    %get3A_83 = vector.load %arg7[%get3A_81, %get3A_82] : memref<128x16xf32, #tpu.memory_space<vmem>>, vector<128x16xf32>
    %dot_general3A_84 = arith.constant dense<0.000000e+00> : vector<512x16xf32>
    %dot_general3A_85 = tpu.matmul %mul3A_80, %get3A_83, %dot_general3A_84 {dimension_numbers = #tpu.dot_dimension_numbers<[1], [0], [0], [1], [0, 0, 1, 1], [], []>, transpose_lhs_hint = false} : vector<512x128xf32>, vector<128x16xf32>, vector<512x16xf32> -> vector<512x16xf32>
    %get3A_86 = arith.constant 0 : index
    %get3A_87 = arith.constant 0 : index
    %get3A_88 = vector.load %arg8[%get3A_86, %get3A_87] : memref<1x16xf32, #tpu.memory_space<vmem>>, vector<1x16xf32>
    %add3A_89 = vector.broadcast %get3A_88 : vector<1x16xf32> to vector<512x16xf32>
    %add3A_90 = arith.addf %dot_general3A_85, %add3A_89 : vector<512x16xf32>
    %gt3A_91 = arith.constant 0.000000e+00 : f32
    %gt3A_92 = vector.broadcast %gt3A_91 : f32 to vector<512x16xf32>
    %gt3A_93 = arith.cmpf ogt, %add3A_90, %gt3A_92 : vector<512x16xf32>
    %min3A_94 = arith.constant 0.000000e+00 : f32
    %min3A_95 = vector.broadcast %min3A_94 : f32 to vector<512x16xf32>
    %min3A_96 = arith.minimumf %add3A_90, %min3A_95 : vector<512x16xf32>
    %exp3A_97 = math.exp %min3A_96 : vector<512x16xf32>
    %sub3A_98 = arith.constant 1.000000e+00 : f32
    %sub3A_99 = vector.broadcast %sub3A_98 : f32 to vector<512x16xf32>
    %sub3A_100 = arith.subf %exp3A_97, %sub3A_99 : vector<512x16xf32>
    %mul3A_101 = arith.constant 1.67326319 : f32
    %mul3A_102 = vector.broadcast %mul3A_101 : f32 to vector<512x16xf32>
    %mul3A_103 = arith.mulf %mul3A_102, %sub3A_100 : vector<512x16xf32>
    %select_n3A_104 = arith.select %gt3A_93, %add3A_90, %mul3A_103 : vector<512x16xi1>, vector<512x16xf32>
    %mul3A_105 = arith.constant 1.05070102 : f32
    %mul3A_106 = vector.broadcast %mul3A_105 : f32 to vector<512x16xf32>
    %mul3A_107 = arith.mulf %mul3A_106, %select_n3A_104 : vector<512x16xf32>
    %mul3A_108 = vector.broadcast %select_n3A_48 : vector<512x1xf32> to vector<512x16xf32>
    %mul3A_109 = arith.mulf %mul3A_107, %mul3A_108 : vector<512x16xf32>
    %broadcast_in_dim3A_110 = arith.constant 0.000000e+00 : f32
    %broadcast_in_dim3A_111 = vector.broadcast %broadcast_in_dim3A_110 : f32 to vector<512x15xf32>
    %concatenate3A = tpu.concatenate %mul3A_109, %select_n3A_48, %broadcast_in_dim3A_111 in 1 : vector<512x16xf32>, vector<512x1xf32>, vector<512x15xf32> -> vector<512x32xf32>
    %swap3A = arith.constant 0 : index
    %swap3A_112 = arith.constant 0 : index
    %swap3A_113 = vector.load %arg9[%swap3A, %swap3A_112] : memref<512x32xf32, #tpu.memory_space<vmem>>, vector<512x32xf32>
    tpu.vector_store %arg9[%swap3A, %swap3A_112], %concatenate3A {strides = array<i32>} : memref<512x32xf32, #tpu.memory_space<vmem>>, vector<512x32xf32>,
    return
  }
  func.func @transform_0(%arg0: i32) -> (i32, i32) {
    %c0_i32 = arith.constant 0 : i32
    %c0_i32_0 = arith.constant 0 : i32
    return %arg0, %c0_i32 : i32, i32
  }
  func.func @transform_1(%arg0: i32) -> (i32, i32) {
    %c0_i32 = arith.constant 0 : i32
    %c0_i32_0 = arith.constant 0 : i32
    return %arg0, %c0_i32 : i32, i32
  }
  func.func @transform_2(%arg0: i32) -> (i32, i32) {
    %c0_i32 = arith.constant 0 : i32
    %c0_i32_0 = arith.constant 0 : i32
    %c0_i32_1 = arith.constant 0 : i32
    return %c0_i32, %c0_i32_0 : i32, i32
  }
  func.func @transform_3(%arg0: i32) -> (i32, i32) {
    %c0_i32 = arith.constant 0 : i32
    %c0_i32_0 = arith.constant 0 : i32
    %c0_i32_1 = arith.constant 0 : i32
    return %c0_i32, %c0_i32_0 : i32, i32
  }
  func.func @transform_4(%arg0: i32) -> (i32, i32) {
    %c0_i32 = arith.constant 0 : i32
    %c0_i32_0 = arith.constant 0 : i32
    %c0_i32_1 = arith.constant 0 : i32
    return %c0_i32, %c0_i32_0 : i32, i32
  }
  func.func @transform_5(%arg0: i32) -> (i32, i32) {
    %c0_i32 = arith.constant 0 : i32
    %c0_i32_0 = arith.constant 0 : i32
    %c0_i32_1 = arith.constant 0 : i32
    return %c0_i32, %c0_i32_0 : i32, i32
  }
  func.func @transform_6(%arg0: i32) -> (i32, i32) {
    %c0_i32 = arith.constant 0 : i32
    %c0_i32_0 = arith.constant 0 : i32
    %c0_i32_1 = arith.constant 0 : i32
    return %c0_i32, %c0_i32_0 : i32, i32
  }
  func.func @transform_7(%arg0: i32) -> (i32, i32) {
    %c0_i32 = arith.constant 0 : i32
    %c0_i32_0 = arith.constant 0 : i32
    %c0_i32_1 = arith.constant 0 : i32
    return %c0_i32, %c0_i32_0 : i32, i32
  }
  func.func @transform_8(%arg0: i32) -> (i32, i32) {
    %c0_i32 = arith.constant 0 : i32
    %c0_i32_0 = arith.constant 0 : i32
    return %arg0, %c0_i32 : i32, i32
  }
}

module attributes {stable_mosaic.version = 14 : i64} {
  func.func @_final_body(%arg0: i32, %arg1: memref<2x400x32xf32, #tpu.memory_space<vmem>>, %arg2: memref<400x16xf32, #tpu.memory_space<vmem>>, %arg3: memref<1x16xf32, #tpu.memory_space<vmem>>, %arg4: memref<400x16xf32, #tpu.memory_space<vmem>>) attributes {dimension_semantics = [#tpu.dimension_semantics<arbitrary>], iteration_bounds = array<i64: 25>, scalar_prefetch = 0 : i64, scratch_operands = 0 : i64, tpu.core_type = #tpu.core_type<tc>, window_params = [{transform_indices = @transform_0, window_bounds = array<i64: 2, 400, 32>}, {transform_indices = @transform_1, window_bounds = array<i64: 400, 16>}, {pipeline_mode = #tpu.pipeline_mode<synchronous>, transform_indices = @transform_2, window_bounds = array<i64: 1, 16>}, {transform_indices = @transform_3, window_bounds = array<i64: 400, 16>}]} {
    %get3A = arith.constant 0 : index
    %get3A_0 = arith.constant 0 : index
    %get3A_1 = arith.constant 0 : index
    %get3A_2 = vector.load %arg1[%get3A, %get3A_0, %get3A_1] : memref<2x400x32xf32, #tpu.memory_space<vmem>>, vector<1x400x32xf32>
    %get3A_3 = vector.shape_cast %get3A_2 : vector<1x400x32xf32> to vector<400x32xf32>
    %get3A_4 = arith.constant 1 : index
    %get3A_5 = arith.constant 0 : index
    %get3A_6 = arith.constant 0 : index
    %get3A_7 = vector.load %arg1[%get3A_4, %get3A_5, %get3A_6] : memref<2x400x32xf32, #tpu.memory_space<vmem>>, vector<1x400x32xf32>
    %get3A_8 = vector.shape_cast %get3A_7 : vector<1x400x32xf32> to vector<400x32xf32>
    %add3A = arith.addf %get3A_3, %get3A_8 : vector<400x32xf32>
    %slice3A = vector.extract_strided_slice %add3A {offsets = [0, 0], sizes = [400, 16], strides = [1, 1]} : vector<400x32xf32> to vector<400x16xf32>
    %slice3A_9 = vector.extract_strided_slice %add3A {offsets = [0, 16], sizes = [400, 1], strides = [1, 1]} : vector<400x32xf32> to vector<400x1xf32>
    %add3A_10 = arith.constant 1.000000e-16 : f32
    %add3A_11 = vector.broadcast %add3A_10 : f32 to vector<400x1xf32>
    %add3A_12 = arith.addf %slice3A_9, %add3A_11 : vector<400x1xf32>
    %div3A = vector.broadcast %add3A_12 : vector<400x1xf32> to vector<400x16xf32>
    %div3A_13 = arith.divf %slice3A, %div3A : vector<400x16xf32>
    %eq3A = arith.constant 0.000000e+00 : f32
    %eq3A_14 = vector.broadcast %eq3A : f32 to vector<400x16xf32>
    %eq3A_15 = arith.cmpf oeq, %div3A_13, %eq3A_14 : vector<400x16xf32>
    %reduce_and3A = arith.constant 1.000000e+00 : f32
    %reduce_and3A_16 = arith.constant 0.000000e+00 : f32
    %reduce_and3A_17 = vector.broadcast %reduce_and3A : f32 to vector<400x16xf32>
    %reduce_and3A_18 = vector.broadcast %reduce_and3A_16 : f32 to vector<400x16xf32>
    %reduce_and3A_19 = arith.select %eq3A_15, %reduce_and3A_17, %reduce_and3A_18 : vector<400x16xi1>, vector<400x16xf32>
    %reduce_and3A_20 = arith.constant dense<0x7F800000> : vector<400xf32>
    %reduce_and3A_21 = vector.multi_reduction <minimumf>, %reduce_and3A_19, %reduce_and3A_20 [1] : vector<400x16xf32> to vector<400xf32>
    %reduce_and3A_22 = arith.constant 0.000000e+00 : f32
    %reduce_and3A_23 = vector.broadcast %reduce_and3A_22 : f32 to vector<400xf32>
    %reduce_and3A_24 = arith.cmpf ogt, %reduce_and3A_21, %reduce_and3A_23 : vector<400xf32>
    %broadcast_in_dim3A = vector.shape_cast %reduce_and3A_24 : vector<400xi1> to vector<400x1xi1>
    %get3A_25 = arith.constant 0 : index
    %get3A_26 = arith.constant 0 : index
    %get3A_27 = vector.load %arg2[%get3A_25, %get3A_26] : memref<400x16xf32, #tpu.memory_space<vmem>>, vector<400x16xf32>
    %get3A_28 = arith.constant 0 : index
    %get3A_29 = arith.constant 0 : index
    %get3A_30 = vector.load %arg3[%get3A_28, %get3A_29] : memref<1x16xf32, #tpu.memory_space<vmem>>, vector<1x16xf32>
    %add3A_31 = vector.broadcast %get3A_30 : vector<1x16xf32> to vector<400x16xf32>
    %add3A_32 = arith.addf %div3A_13, %add3A_31 : vector<400x16xf32>
    %neg3A = arith.constant 0.000000e+00 : f32
    %neg3A_33 = vector.broadcast %neg3A : f32 to vector<400x16xf32>
    %neg3A_34 = arith.subf %neg3A_33, %add3A_32 : vector<400x16xf32>
    %exp3A = math.exp %neg3A_34 : vector<400x16xf32>
    %add3A_35 = arith.constant 1.000000e+00 : f32
    %add3A_36 = vector.broadcast %add3A_35 : f32 to vector<400x16xf32>
    %add3A_37 = arith.addf %add3A_36, %exp3A : vector<400x16xf32>
    %div3A_38 = arith.constant 1.000000e+00 : f32
    %div3A_39 = vector.broadcast %div3A_38 : f32 to vector<400x16xf32>
    %div3A_40 = arith.divf %div3A_39, %add3A_37 : vector<400x16xf32>
    %broadcast_in_dim3A_41 = vector.shape_cast %broadcast_in_dim3A : vector<400x1xi1> to vector<400x1xi1>
    %broadcast_in_dim3A_42 = vector.broadcast %broadcast_in_dim3A_41 : vector<400x1xi1> to vector<400x16xi1>
    %select_n3A = arith.select %broadcast_in_dim3A_42, %get3A_27, %div3A_40 : vector<400x16xi1>, vector<400x16xf32>
    %swap3A = arith.constant 0 : index
    %swap3A_43 = arith.constant 0 : index
    %swap3A_44 = vector.load %arg4[%swap3A, %swap3A_43] : memref<400x16xf32, #tpu.memory_space<vmem>>, vector<400x16xf32>
    tpu.vector_store %arg4[%swap3A, %swap3A_43], %select_n3A {strides = array<i32>} : memref<400x16xf32, #tpu.memory_space<vmem>>, vector<400x16xf32>,
    return
  }
  func.func @transform_0(%arg0: i32) -> (i32, i32, i32) {
    %c0_i32 = arith.constant 0 : i32
    %c0_i32_0 = arith.constant 0 : i32
    %c0_i32_1 = arith.constant 0 : i32
    return %c0_i32, %arg0, %c0_i32_0 : i32, i32, i32
  }
  func.func @transform_1(%arg0: i32) -> (i32, i32) {
    %c0_i32 = arith.constant 0 : i32
    %c0_i32_0 = arith.constant 0 : i32
    return %arg0, %c0_i32 : i32, i32
  }
  func.func @transform_2(%arg0: i32) -> (i32, i32) {
    %c0_i32 = arith.constant 0 : i32
    %c0_i32_0 = arith.constant 0 : i32
    %c0_i32_1 = arith.constant 0 : i32
    return %c0_i32, %c0_i32_0 : i32, i32
  }
  func.func @transform_3(%arg0: i32) -> (i32, i32) {
    %c0_i32 = arith.constant 0 : i32
    %c0_i32_0 = arith.constant 0 : i32
    return %arg0, %c0_i32 : i32, i32
  }
}

</mosaic_0001>

<sc_bundles>
// kernel: kernel.11.cloned.1.call-start
scs
__scs_entry_jumppad:
0x0: {  	(pc) =	sbr.rel $0x88, $3  }
0x1: {  	(tag) =	ssettag $0x0;
	lr =	simm.s32 $0x1  }
0x2: {  	[smem:$0x3F92] =	sst lr;
	_ =	strace $0xD0000000  }
0x3: {  	_ = 	snop  }
0x4: {  	_ = 	snop  }
0x5: {  	_ = 	snop  }
0x6: {  	_ = 	snop  }
0x7: {  	_ = 	snop  }
__scs_overlays_trampoline_lowered:
0x8: {  	[smem:$0x3FA1] =	sst s0  }
0x9: {  	[smem:$0x3FA2] =	sst s1  }
0xa: {  	[smem:$0x3FA3] =	sst s2  }
0xb: {  	[smem:$0x3FA4] =	sst s3  }
0xc: {  	[smem:$0x3FA5] =	sst s4  }
0xd: {  	[smem:$0x3FA6] =	sst s5  }
0xe: {  	[smem:$0x3FA7] =	sst s6  }
0xf: {  	[smem:$0x3FA8] =	sst s7  }
0x10: {  	[smem:$0x3FA9] =	sst s8  }
0x11: {  	[smem:$0x3FAA] =	sst s9;
	s0 =	simm.s32 @!p0 $0x0  }
0x12: {  	s1 =	sld [smem:$0x3F90];
	s0 =	simm.s32 @p0 $0x1  }
0x13: {  	[smem:$0x3FAB] =	sst s0;
	s0 =	simm.s32 @!p1 $0x0  }
0x14: {  	s2 =	sld [smem:$0x3F8F];
	s0 =	simm.s32 @p1 $0x1  }
0x15: {  	[smem:$0x3FAC] =	sst s0;
	s0 =	simm.s32 @!p2 $0x0  }
0x16: {  	s3 =	sld [smem:$0x3FDB];
	s0 =	simm.s32 @p2 $0x1  }
0x17: {  	s4 =	simm.s32 $0x1BF5;
	[smem:$0x3FAE] =	sst s0  }
0x18: {  	s0 =	sld [smem:$0x3F91];
	_ =	swait.ge [sflag:s4], $0x0  }
0x19: {  	s7 =	sld [smem:$0x3F92]  }
0x1a: {  	s8 =	sadd.s32 $0xFFFFE003, lr  }
0x1b: {  	s9 =	sadd.s32 $0xFFFFFEF7, lr;
	s5 =	simm.s32 $0xFFFFFFFF;
	p2 =	slt.u32 s8, $0xFFFFF086  }
0x1c: {  	p1 =	slt.u32 s9, $0xF7A;
	s5 =	simm.s32 @!p2 $0x0  }
0x1d: {  	s5 =	simm.s32 @p1 $0x1;
	p0 =	seq.s32 s7, s2  }
0x1e: {  	s7 =	smul.u32 @!p0 $0xF7A, s2;
	p2 =	seq.s32 @!p0 s5, $0x0  }
0x1f: {  	s9 =	smul.u32 $0xF7A, s1;
	s8 =	simm.s32 @!p0 $0x1BF5;
	p2 =	por !p2, p0  }
0x20: {  	[sflag:s8] =	ssyncset.s32 @!p0 $0xFFFFF086;
	s6 =	sadd.s32 @!p0 s3, s7;
	s7 =	simm.s32 @!p0 $0x108  }
0x21: {  	s3 =	sadd.s32 s3, s9;
	s6 =	sadd.s32 @!p0 $0x88, s6;
	s7 =	simm.s32 @p2 $0x1082  }
0x22: {  	[simem:s7], [sflag:s8] =	dma.local @!p0 [hbm:s6], $0xF7A  }
0x23: {  	s9 =	sor.u32 $0xD0000000, s2;
	s6 =	simm.s32 $0x108;
	_ =	swait.ge @!p0 [sflag:s8], $0x0  }
0x24: {  	s3 =	sadd.s32 $0x88, s3;
	s6 =	simm.s32 @!p1 $0x1082;
	[sflag:s4] =	ssyncset.s32 $0xFFFFF086  }
0x25: {  	[simem:s6], [sflag:s4] =	dma.local [hbm:s3], $0xF7A  }
0x26: {  	[smem:$0x3F92] =	sst s1;
	(tag) =	ssettag s2;
	_ =	strace s9  }
0x27: {  	s1 =	sld [smem:$0x3FA2]  }
0x28: {  	s2 =	sld [smem:$0x3FA3]  }
0x29: {  	s4 =	sld [smem:$0x3FA5]  }
0x2a: {  	p0 =	seq.s32 s5, $0x0;
	s5 =	sld [smem:$0x3FA6]  }
0x2b: {  	s6 =	sld [smem:$0x3FA7]  }
0x2c: {  	s7 =	sld [smem:$0x3FA8]  }
0x2d: {  	s3 =	simm.s32 $0x108;
	s8 =	sld [smem:$0x3FA9]  }
0x2e: {  	s3 =	simm.s32 @!p0 $0x1082;
	s9 =	sld [smem:$0x3FAA]  }
0x2f: {  	lr =	sadd.s32 s0, s3;
	s0 =	sld [smem:$0x3FA1]  }
0x30: {  	s3 =	sld [smem:$0x3FA4]  }
0x31: {  	[smem:$0x3FAD] =	sst s10  }
0x32: {  	s10 =	sld [smem:$0x3FAB];
	_ =	sdelay $0x3  }
0x33: {  	p0 =	seq.s32 s10, $0x1;
	s10 =	sld [smem:$0x3FAD];
	_ =	sdelay $0x3  }
0x34: {  	[smem:$0x3FAD] =	sst s10  }
0x35: {  	s10 =	sld [smem:$0x3FAC];
	_ =	sdelay $0x3  }
0x36: {  	p1 =	seq.s32 s10, $0x1;
	s10 =	sld [smem:$0x3FAD];
	_ =	sdelay $0x3  }
0x37: {  	[smem:$0x3FAD] =	sst s10  }
0x38: {  	s10 =	sld [smem:$0x3FAE]  }
0x39: {  	_ = 	snop;
	(pc) =	sbr.ind lr, $3  }
0x3a: {  	_ = 	snop  }
0x3b: {  	_ = 	snop  }
0x3c: {  	p2 =	seq.s32 s10, $0x1;
	s10 =	sld [smem:$0x3FAD]  }
0x3d: {  	_ =	shalt  }
0x3e: {  	_ =	shalt  }
0x3f: {  	_ =	shalt  }
0x40: {  	_ =	shalt  }
0x41: {  	_ =	shalt  }
0x42: {  	_ =	shalt  }
0x43: {  	_ =	shalt  }
0x44: {  	_ =	shalt  }
0x45: {  	_ =	shalt  }
0x46: {  	_ =	shalt  }
0x47: {  	_ =	shalt  }
0x48: {  	_ =	shalt  }
0x49: {  	_ =	shalt  }
0x4a: {  	_ =	shalt  }
0x4b: {  	_ =	shalt  }
0x4c: {  	_ =	shalt  }
0x4d: {  	_ =	shalt  }
0x4e: {  	_ =	shalt  }
0x4f: {  	_ =	shalt  }
0x50: {  	_ =	shalt  }
0x51: {  	_ =	shalt  }
0x52: {  	_ =	shalt  }
0x53: {  	_ =	shalt  }
0x54: {  	_ =	shalt  }
0x55: {  	_ =	shalt  }
0x56: {  	_ =	shalt  }
0x57: {  	_ =	shalt  }
0x58: {  	_ =	shalt  }
0x59: {  	_ =	shalt  }
0x5a: {  	_ =	shalt  }
0x5b: {  	_ =	shalt  }
0x5c: {  	_ =	shalt  }
0x5d: {  	_ =	shalt  }
0x5e: {  	_ =	shalt  }
0x5f: {  	_ =	shalt  }
0x60: {  	_ =	shalt  }
0x61: {  	_ =	shalt  }
0x62: {  	_ =	shalt  }
0x63: {  	_ =	shalt  }
0x64: {  	_ =	shalt  }
0x65: {  	_ =	shalt  }
0x66: {  	_ =	shalt  }
0x67: {  	_ =	shalt  }
0x68: {  	_ =	shalt  }
0x69: {  	_ =	shalt  }
0x6a: {  	_ =	shalt  }
0x6b: {  	_ =	shalt  }
0x6c: {  	_ =	shalt  }
0x6d: {  	_ =	shalt  }
0x6e: {  	_ =	shalt  }
0x6f: {  	_ =	shalt  }
0x70: {  	_ =	shalt  }
0x71: {  	_ =	shalt  }
0x72: {  	_ =	shalt  }
0x73: {  	_ =	shalt  }
0x74: {  	_ =	shalt  }
0x75: {  	_ =	shalt  }
0x76: {  	_ =	shalt  }
0x77: {  	_ =	shalt  }
0x78: {  	_ =	shalt  }
0x79: {  	_ =	shalt  }
0x7a: {  	_ =	shalt  }
0x7b: {  	_ =	shalt  }
0x7c: {  	_ =	shalt  }
0x7d: {  	_ =	shalt  }
0x7e: {  	_ =	shalt  }
0x7f: {  	_ =	shalt  }
0x80: {  	_ =	shalt  }
0x81: {  	_ =	shalt  }
0x82: {  	_ =	shalt  }
0x83: {  	_ =	shalt  }
0x84: {  	_ =	shalt  }
0x85: {  	_ =	shalt  }
0x86: {  	_ =	shalt  }
0x87: {  	_ =	shalt  }
.Lfunc_end0:
.L_simem_size_0:
called_computation.1_lowered:
.L_overlay_start_0:
0x88: {  	s2 =	sld [smem:$0x3FD9]  }
0x89: {  	s3 =	sld [smem:$0x3FFE];
	_ =	sdelay $0x1  }
0x8a: {  	s1 =	srdreg.scid  }
0x8b: {  	s0 =	sand.u32 $0x1, s1  }
0x8c: {  	s16 =	sshll.u32 s0, $0xA;
	s2 =	sadd.s32 s3, s2  }
0x8d: {  	s2 =	sadd.s32 s2, s16  }
0x8e: {  	[smem:$0x3FB9] =	sst s2  }
0x8f: {  	_ = 	snop  }
0x90: {  	(tm) =	ssettm $0x1  }
0x91: {  	s17 =	sld [smem:$0x3FFB];
	_ =	sdelay $0x3  }
0x92: {  	_ =	strace s17  }
0x93: {  	s2 =	sld [smem:$0x3FFC];
	_ =	sdelay $0x3  }
0x94: {  	_ =	strace s2  }
0x95: {  	s2 =	sld [smem:$0x3FFD];
	_ =	sdelay $0x3  }
0x96: {  	_ =	strace s2  }
0x97: {  	_ =	strace $0x8FFFFFFF  }
0x98: {  	s18 =	sld [smem:$0x3FDB];
	_ =	sdelay $0x1  }
0x99: {  	s19 =	simm.s32 $_scs_section_size  }
0x9a: {  	s4 =	simm.s32 $_size__tile_overlayer_lowered;
	s5 =	simm.s32 $_tile_overlayer_lowered  }
0x9b: {  	s22 =	simm.s32 $0x1BFF;
	s21 =	sshll.u32 s5, $0x1;
	s2 =	sadd.s32 s19, s18  }
0x9c: {  	s6 =	simm.s32 $0x0;
	s20 =	sshll.u32 s4, $0x1;
	s4 =	sadd.s32 s21, s2  }
0x9d: {  	[timem:s6], [sflag:s22] =	dma.local [hbm:s4], s20  }
0x9e: {  	_ =	swait.ge [sflag:s22], s20  }
0x9f: {  	s3 =	ssub.s32 $0x0, s20;
	[sflag:s22] =	ssyncset.done $0x0  }
0xa0: {  	[sflag:s22] =	ssyncadd.s32 s3;
	_ =	sdelay $0x1  }
0xa1: {  	s23 =	simm.s32 $0x1B8B  }
0xa2: {  	_ =	swait.ge [sflag:s23], $0x1  }
0xa3: {  	[sflag:s23] =	ssyncset.done $0x0  }
0xa4: {  	s25 =	simm.s32 $0x1B8E;
	s24 =	sld [smem:$0x3FFE];
	[sflag:s23] =	ssyncadd.s32 $0xFFFFFFFF  }
0xa5: {  	s26 =	simm.s32 $execute0_lowered;
	[smem:$0x3FD2] =	sst s25  }
0xa6: {  	s4 =	sshll.u32 s26, $0x1;
	_ =	strace $0x80000049;
	[dreg:$0x1] =	wrdreg $0xFFFFFFFF  }
0xa7: {  	s28 =	simm.s32 $_size_execute0_lowered;
	s2 =	sadd.s32 s2, s4;
	[dreg:$0x0] =	wrdreg $0x0  }
0xa8: {  	s4 =	sshll.u32 s28, $0x1;
	[dreg:$0x2] =	wrdreg s2  }
0xa9: {  	[dreg:$0x3] =	wrdreg s4  }
0xaa: {  	[dreg:$0x4] =	wrdreg $0xC0  }
0xab: {  	_ =	task [dreg:s6], $0x5FFFF  }
0xac: {  	[dreg:$0x1] =	wrdreg $0xFFFFFFFF  }
0xad: {  	[dreg:$0x0] =	wrdreg $0x60  }
0xae: {  	[dreg:$0x2] =	wrdreg s24  }
0xaf: {  	[dreg:$0x3] =	wrdreg $0x9  }
0xb0: {  	_ =	task.clear_ibuf [dreg:s6], $0x4FFFF;
	_ =	strace $0x90000049  }
0xb1: {  	s29 =	simm.s32 $0x9;
	_ =	strace $0x8000004B  }
0xb2: {  	_ =	swait.ge [sflag:s29], $0x1  }
0xb3: {  	[sflag:s29] =	ssyncadd.s32 $0xFFFFFFFF  }
0xb4: {  	_ =	strace $0x9000004B  }
0xb5: {  	_ =	sfence  }
0xb6: {  	s30 =	sld [smem:$0x0];
	_ =	sdelay $0x2  }
0xb7: {  	s31 =	sshll.u32 s1, $0xD;
	s1 =	sshrl.u32 s1, $0x2  }
0xb8: {  	s3 =	sand.u32 $0x4000, s31;
	s1 =	sadd.s32 s1, s30  }
0xb9: {  	s0 =	sor.u32 s3, s0;
	s1 =	sshll.u32 s1, $0x11  }
0xba: {  	s0 =	sor.u32 s1, s0  }
0xbb: {  	s0 =	sadd.s32 $0x8F2B, s0  }
0xbc: {  	[sflag:s0] =	ssyncadd.remote.s32 $0x1  }
0xbd: {  	_ =	sfence.sel $0xFFFF  }
0xbe: {  	[dreg:$0x0] =	wrdreg $0xFFFFFFFF;
	(pc) =	sbr.abs _section_cstart, $3  }
0xbf: {  	[dreg:$0x1] =	wrdreg $0xFFFFFFFF  }
0xc0: {  	_ =	task.clear_ibuf [dreg:s6], $0x2FFFF;
	_ =	strace $0x9FFFFFFF  }
0xc1: {  	(tm) =	ssettm $0x7FFFFFFF  }
tec
execute0_lowered:
.L_overlay_start_1:
0x0: {  	(tag) =	ssettag $0x1  }
0x1: {  	s0 =	rddreg [dreg:$0x0];
	s1 =	simm.s32 $0x0  }
0x2: {  	s2 =	srdreg.scid;
	s5 =	stileid.u32;
	s13 =	simm.s32 $0x7  }
0x3: {  	s14 =	simm.s32 $0x80;
	s15 =	simm.s32 $0x200;
	s16 =	simm.s32 $0x4200  }
0x4: {  	s17 =	simm.s32 $0x100;
	s18 =	simm.s32 $0x180;
	s19 =	simm.s32 $0x8200  }
0x5: {  	s20 =	simm.s32 $0xC200;
	s21 =	simm.s32 $0x1;
	s22 =	simm.s32 $0x2  }
0x6: {  	s23 =	simm.s32 $0x10200;
	s24 =	simm.s32 $0x3;
	s28 =	simm.s32 $0x5  }
0x7: {  	s29 =	simm.s32 $0x6;
	s30 =	simm.s32 $0x0;
	[smem:$0x7FF] =	sst s1  }
0x8: {  	s3 =	sadd.s32 $0xDD200, s0;
	s4 =	sadd.s32 $0x29200, s0;
	s2 =	sand.u32 $0x1, s2  }
0x9: {  	s7 =	smul.u32 $0xA0, s5;
	s6 =	sshll.u32 s5, $0x1;
	s5 =	sadd.s32 $0xD3200, s0  }
0xa: {  	_ =	strace $0x8000004A;
	s8 =	smul.u32 $0x50, s2;
	s9 =	sand.u32 $0x2, s6  }
0xb: {  	s6 =	sadd.s32 $0x715A00, s0;
	s25 =	ssub.s32 $0x2, s2;
	s2 =	sor.u32 s2, s9  }
0xc: {  	s26 =	sshrl.u32 s25, $0x1;
	s8 =	sadd.s32 s8, s7;
	s2 =	smul.u32 $0x4E20, s2  }
0xd: {  	s0 =	ssub.s32 s25, s26;
	s25 =	simm.s32 $0x4;
	s26 =	simm.s32 $0x14200  }
0xe: {  	s7 =	sshll.u32 s8, $0x7;
	s31 =	sshll.u32 s8, $0x4;
	s0 =	smax.u32 s0, $0x1  }
0xf: {  	s8 =	sshll.u32 s8, $0xB;
	s10 =	sadd.s32 s4, s31;
	[dreg:$0x4] =	wrdreg s0  }
0x10: {  	s12 =	sadd.s32 $0x2710, s2;
	s9 =	sadd.s32 s5, s31;
	[dreg:$0x2] =	wrdreg s10  }
0x11: {  	s11 =	sor.u32 $0x100, s7;
	v0 =	vmov s2;
	[dreg:$0x3] =	wrdreg s9;
	s10 =	sadd.s32 s6, s8;
	v1 =	vmov s12  }
.LBB2_1:
0x12: {  	s0 =	rddreg [dreg:$0x2]  }
0x13: {  	[tilespmem:s1], [sflag:$0x7] =	stream.linear.gather [hbm4b:s0+s1], $0x80, $0x38;
	[tilespmem:$0x18200] =	vst v63  }
0x14: {  	_ =	swait.ge [sflag:s13], $0x80  }
0x15: {  	[sflag:s13] =	ssyncset.done $0x0  }
0x16: {  	s12 =	rddreg [dreg:$0x3];
	[sflag:s13] =	ssyncadd.s32 $0xFFFFFF80  }
0x17: {  	[tilespmem:s14], [sflag:$0x7] =	stream.linear.gather [hbm4b:s12+s1], $0x80, $0x38;
	[tilespmem:$0x18200] =	vst v63  }
0x18: {  	_ =	swait.ge [sflag:s13], $0x80  }
0x19: {  	[sflag:s13] =	ssyncset.done $0x0  }
0x1a: {  	[sflag:s13] =	ssyncadd.s32 $0xFFFFFF80  }
0x1b: {  	v2 =	vld [tilespmem:$0x0]  }
0x1c: {  	v3 =	vld [tilespmem:$0x80]  }
0x1d: {  	v4 =	vld [tilespmem:$0x10]  }
0x1e: {  	v5 =	vld [tilespmem:$0x90]  }
0x1f: {  	v6 =	vld [tilespmem:$0x20]  }
0x20: {  	v7 =	vld [tilespmem:$0xA0];
	v2 =	vadd.s32 v0, v2  }
0x21: {  	[tilespmem:$0x0] =	vst v2;
	v2 =	vadd.s32 v1, v3;
	v3 =	vld [tilespmem:$0x30]  }
0x22: {  	v56 =	vld [tilespmem:$0xB0];
	[tilespmem:$0x80] =	vst v2;
	v2 =	vadd.s32 v0, v4  }
0x23: {  	v57 =	vld [tilespmem:$0x40];
	[tilespmem:$0x10] =	vst v2;
	v2 =	vadd.s32 v1, v5  }
0x24: {  	v58 =	vld [tilespmem:$0xC0];
	[tilespmem:$0x90] =	vst v2;
	v2 =	vadd.s32 v0, v6  }
0x25: {  	v59 =	vld [tilespmem:$0x50];
	[tilespmem:$0x20] =	vst v2;
	v2 =	vadd.s32 v1, v7  }
0x26: {  	[tilespmem:$0xA0] =	vst v2;
	v2 =	vadd.s32 v0, v3;
	v3 =	vld [tilespmem:$0xD0]  }
0x27: {  	v60 =	vld [tilespmem:$0x60];
	[tilespmem:$0x30] =	vst v2;
	v2 =	vadd.s32 v1, v56  }
0x28: {  	v61 =	vld [tilespmem:$0xE0];
	[tilespmem:$0xB0] =	vst v2;
	v2 =	vadd.s32 v0, v57  }
0x29: {  	v62 =	vld [tilespmem:$0x70];
	[tilespmem:$0x40] =	vst v2;
	v2 =	vadd.s32 v1, v58  }
0x2a: {  	v63 =	vld [tilespmem:$0xF0];
	[tilespmem:$0xC0] =	vst v2;
	v2 =	vadd.s32 v0, v59  }
0x2b: {  	[tilespmem:$0x50] =	vst v2;
	v2 =	vadd.s32 v1, v3  }
0x2c: {  	[tilespmem:$0xD0] =	vst v2;
	v2 =	vadd.s32 v0, v60  }
0x2d: {  	[tilespmem:$0x60] =	vst v2;
	v2 =	vadd.s32 v1, v61  }
0x2e: {  	[tilespmem:$0xE0] =	vst v2;
	v2 =	vadd.s32 v0, v62  }
0x2f: {  	[tilespmem:$0x70] =	vst v2;
	v2 =	vadd.s32 v1, v63  }
0x30: {  	[tilespmem:$0xF0] =	vst v2  }
0x31: {  	[tilespmem:s15], [sflag:$0x1] =	stream.indirect.gather [hbm4b:s3+s14], $0x80, s1, s14, $0xb8;
	[tilespmem:$0x18200] =	vst v63  }
0x32: {  	s31 =	simm.s32 $0x0  }
0x33: {  	[tilespmem:s16], [sflag:$0x2] =	stream.indirect.gather [hbm4b:s3+s14], $0x80, s14, s14, $0xb8;
	[tilespmem:$0x18200] =	vst v63  }
.LBB2_2:
0x34: {  	s2 =	sshll.u32 s31, $0x8  }
0x35: {  	s0 =	sadd.s32 s2, s7  }
0x36: {  	s0 =	sadd.s32 $0x80, s0  }
0x37: {  	s8 =	sshrl.u32 s0, $0x3  }
0x38: {  	s9 =	sadd.s32 s4, s8  }
0x39: {  	[tilespmem:s17], [sflag:$0x7] =	stream.linear.gather [hbm4b:s9+s1], $0x80, $0x38;
	[tilespmem:$0x18200] =	vst v63  }
0x3a: {  	_ =	swait.ge [sflag:s13], $0x80  }
0x3b: {  	[sflag:s13] =	ssyncset.done $0x0  }
0x3c: {  	s8 =	sadd.s32 s5, s8;
	[sflag:s13] =	ssyncadd.s32 $0xFFFFFF80  }
0x3d: {  	[tilespmem:s18], [sflag:$0x7] =	stream.linear.gather [hbm4b:s8+s1], $0x80, $0x38;
	[tilespmem:$0x18200] =	vst v63  }
0x3e: {  	_ =	swait.ge [sflag:s13], $0x80  }
0x3f: {  	[sflag:s13] =	ssyncset.done $0x0  }
0x40: {  	[sflag:s13] =	ssyncadd.s32 $0xFFFFFF80  }
0x41: {  	v2 =	vld [tilespmem:$0x100]  }
0x42: {  	v3 =	vld [tilespmem:$0x180]  }
0x43: {  	v4 =	vld [tilespmem:$0x110]  }
0x44: {  	v5 =	vld [tilespmem:$0x190]  }
0x45: {  	v6 =	vld [tilespmem:$0x120]  }
0x46: {  	v7 =	vld [tilespmem:$0x1A0];
	v2 =	vadd.s32 v0, v2  }
0x47: {  	[tilespmem:$0x100] =	vst v2;
	v2 =	vadd.s32 v1, v3;
	v3 =	vld [tilespmem:$0x130]  }
0x48: {  	[tilespmem:$0x180] =	vst v2;
	v2 =	vadd.s32 v0, v4;
	v4 =	vld [tilespmem:$0x1B0]  }
0x49: {  	[tilespmem:$0x110] =	vst v2;
	v2 =	vadd.s32 v1, v5;
	v5 =	vld [tilespmem:$0x140]  }
0x4a: {  	[tilespmem:$0x190] =	vst v2;
	v2 =	vadd.s32 v0, v6;
	v6 =	vld [tilespmem:$0x1C0]  }
0x4b: {  	[tilespmem:$0x120] =	vst v2;
	v2 =	vadd.s32 v1, v7;
	v7 =	vld [tilespmem:$0x150]  }
0x4c: {  	[tilespmem:$0x1A0] =	vst v2;
	v2 =	vadd.s32 v0, v3;
	v3 =	vld [tilespmem:$0x1D0]  }
0x4d: {  	[tilespmem:$0x130] =	vst v2;
	v2 =	vadd.s32 v1, v4;
	v4 =	vld [tilespmem:$0x160]  }
0x4e: {  	[tilespmem:$0x1B0] =	vst v2;
	v2 =	vadd.s32 v0, v5;
	v5 =	vld [tilespmem:$0x1E0]  }
0x4f: {  	[tilespmem:$0x140] =	vst v2;
	v2 =	vadd.s32 v1, v6;
	v6 =	vld [tilespmem:$0x170]  }
0x50: {  	[tilespmem:$0x1C0] =	vst v2;
	v2 =	vadd.s32 v0, v7;
	v7 =	vld [tilespmem:$0x1F0]  }
0x51: {  	[tilespmem:$0x150] =	vst v2;
	v2 =	vadd.s32 v1, v3  }
0x52: {  	[tilespmem:$0x1D0] =	vst v2;
	v2 =	vadd.s32 v0, v4  }
0x53: {  	[tilespmem:$0x160] =	vst v2;
	v2 =	vadd.s32 v1, v5  }
0x54: {  	[tilespmem:$0x1E0] =	vst v2;
	v2 =	vadd.s32 v0, v6  }
0x55: {  	[tilespmem:$0x170] =	vst v2;
	v2 =	vadd.s32 v1, v7  }
0x56: {  	[tilespmem:$0x1F0] =	vst v2  }
0x57: {  	[tilespmem:s19], [sflag:$0x3] =	stream.indirect.gather [hbm4b:s3+s14], $0x80, s17, s14, $0xb8;
	[tilespmem:$0x18200] =	vst v63  }
0x58: {  	_ = 	snop  }
0x59: {  	[tilespmem:s20], [sflag:$0x4] =	stream.indirect.gather [hbm4b:s3+s14], $0x80, s18, s14, $0xb8;
	[tilespmem:$0x18200] =	vst v63  }
0x5a: {  	_ =	swait.ge [sflag:s21], $0x4000  }
0x5b: {  	[sflag:s21] =	ssyncset.done $0x0  }
0x5c: {  	[sflag:s21] =	ssyncadd.s32 $0xFFFFC000  }
0x5d: {  	_ =	swait.ge [sflag:s22], $0x4000  }
0x5e: {  	p0 =	seq.s32 s31, $0x0;
	[sflag:s22] =	ssyncset.done $0x0  }
0x5f: {  	s8 =	simm.s32 @!p0 $0x5;
	[sflag:s22] =	ssyncadd.s32 $0xFFFFC000  }
0x60: {  	_ =	swait.ge @!p0 [sflag:s8], $0x4000  }
0x61: {  	[sflag:s8] =	ssyncset.done @!p0 $0x0  }
0x62: {  	[sflag:s8] =	ssyncadd.s32 @!p0 $0xFFFFC000;
	s8 =	simm.s32 $0x0  }
0x63: {  	v2 =	vld [tilespmem:s8+$0x270]  }
0x64: {  	v3 =	vld [tilespmem:s8+$0x4270]  }
0x65: {  	v4 =	vld [tilespmem:s8+$0x200]  }
0x66: {  	v5 =	vld [tilespmem:s8+$0x4200]  }
0x67: {  	v6 =	vld [tilespmem:s8+$0x210]  }
0x68: {  	v7 =	vld [tilespmem:s8+$0x4210]  }
0x69: {  	v8 =	vld [tilespmem:s8+$0x220]  }
0x6a: {  	v9 =	vld [tilespmem:s8+$0x230]  }
0x6b: {  	v2 =	vadd.f32 v3, v2;
	v3 =	vld [tilespmem:s8+$0x4220]  }
0x6c: {  	v10 =	vld [tilespmem:s8+$0x4230]  }
0x6d: {  	v11 =	vld [tilespmem:s8+$0x4240];
	v4 =	vadd.f32 v5, v4  }
0x6e: {  	[tilespmem:s8+$0x10270] =	vst v2;
	v2 =	vadd.f32 v7, v6;
	v7 =	vld [tilespmem:s8+$0x240]  }
0x6f: {  	v5 =	vld [tilespmem:s8+$0x4250];
	[tilespmem:s8+$0x10200] =	vst v4  }
0x70: {  	v4 =	vld [tilespmem:s8+$0x250];
	[tilespmem:s8+$0x10210] =	vst v2;
	v2 =	vadd.f32 v3, v8  }
0x71: {  	v6 =	vld [tilespmem:s8+$0x4260];
	v8 =	vadd.f32 v10, v9  }
0x72: {  	s9 =	simm.s32 $0x80;
	[tilespmem:s8+$0x10220] =	vst v2;
	v2 =	vld [tilespmem:s8+$0x260]  }
0x73: {  	s12 =	simm.s32 $0x400;
	v7 =	vadd.f32 v11, v7;
	v3 =	vld [tilespmem:s9+$0x270];
	[tilespmem:s8+$0x10230] =	vst v8  }
.LBB2_3:
0x74: {  	p1 =	sne.s32 s12, $0xFE00;
	v8 =	vld [tilespmem:s9+$0x4270]  }
0x75: {  	v9 =	vld [tilespmem:s9+$0x200];
	[tilespmem:s8+$0x10240] =	vst v7;
	v4 =	vadd.f32 v5, v4  }
0x76: {  	v5 =	vld [tilespmem:s9+$0x4200]  }
0x77: {  	v7 =	vld [tilespmem:s9+$0x210];
	[tilespmem:s8+$0x10250] =	vst v4;
	v2 =	vadd.f32 v6, v2  }
0x78: {  	v4 =	vld [tilespmem:s9+$0x4210]  }
0x79: {  	v6 =	vld [tilespmem:s9+$0x220];
	v3 =	vadd.f32 v8, v3;
	[tilespmem:s8+$0x10260] =	vst v2;
	s8 =	smov.u32 s9  }
0x7a: {  	v2 =	vld [tilespmem:s8+$0x4220]  }
0x7b: {  	v5 =	vadd.f32 v5, v9;
	v8 =	vld [tilespmem:s8+$0x230];
	[tilespmem:s8+$0x10270] =	vst v3  }
0x7c: {  	v3 =	vld [tilespmem:s8+$0x4230]  }
0x7d: {  	[tilespmem:s8+$0x10200] =	vst v5;
	v4 =	vadd.f32 v4, v7;
	v7 =	vld [tilespmem:s8+$0x240]  }
0x7e: {  	v9 =	vld [tilespmem:s8+$0x4240]  }
.Ltmp0:
0x7f: {  	[tilespmem:s8+$0x10210] =	vst v4;
	v2 =	vadd.f32 v2, v6;
	v4 =	vld [tilespmem:s8+$0x250];
	(pc) =	sbr.rel @p1 .LBB2_3-.Ltmp0, $4  }
0x80: {  	v5 =	vld [tilespmem:s8+$0x4250]  }
0x81: {  	[tilespmem:s8+$0x10220] =	vst v2;
	v8 =	vadd.f32 v3, v8;
	v2 =	vld [tilespmem:s8+$0x260]  }
0x82: {  	s9 =	sshra.s32 s12, $0x2;
	v6 =	vld [tilespmem:s8+$0x4260]  }
0x83: {  	s12 =	sadd.s32 $0x200, s12;
	v3 =	vld [tilespmem:s9+$0x270];
	[tilespmem:s8+$0x10230] =	vst v8;
	v7 =	vadd.f32 v9, v7  }
0x84: {  	v8 =	vld [tilespmem:s9+$0x4270]  }
0x85: {  	v9 =	vld [tilespmem:s9+$0x200];
	[tilespmem:s8+$0x10240] =	vst v7;
	v4 =	vadd.f32 v5, v4  }
0x86: {  	v56 =	vld [tilespmem:s9+$0x4200]  }
0x87: {  	v7 =	vld [tilespmem:s9+$0x210];
	[tilespmem:s8+$0x10250] =	vst v4;
	v2 =	vadd.f32 v6, v2  }
0x88: {  	v4 =	vld [tilespmem:s9+$0x4210]  }
0x89: {  	v57 =	vld [tilespmem:s9+$0x220];
	[tilespmem:s8+$0x10260] =	vst v2  }
0x8a: {  	v2 =	vadd.f32 v8, v3;
	v3 =	vld [tilespmem:s9+$0x4220]  }
0x8b: {  	v58 =	vld [tilespmem:s9+$0x230]  }
0x8c: {  	v59 =	vld [tilespmem:s9+$0x240]  }
0x8d: {  	v60 =	vld [tilespmem:s9+$0x4240]  }
0x8e: {  	v61 =	vld [tilespmem:s9+$0x250]  }
0x8f: {  	[tilespmem:s9+$0x10270] =	vst v2;
	v2 =	vld [tilespmem:s9+$0x4230]  }
0x90: {  	v62 =	vld [tilespmem:s9+$0x4250];
	v3 =	vadd.f32 v3, v57  }
0x91: {  	v63 =	vld [tilespmem:s9+$0x4260]  }
0x92: {  	v5 =	vadd.f32 v56, v9;
	[tilespmem:s9+$0x10220] =	vst v3;
	v3 =	vld [tilespmem:s9+$0x260]  }
0x93: {  	v4 =	vadd.f32 v4, v7  }
0x94: {  	[tilespmem:s9+$0x10200] =	vst v5;
	v2 =	vadd.f32 v2, v58  }
0x95: {  	p1 =	seq.s32 s31, $0x27;
	[tilespmem:s9+$0x10210] =	vst v4;
	v5 =	vadd.f32 v60, v59  }
.Ltmp1:
0x96: {  	[tilespmem:s9+$0x10230] =	vst v2;
	v2 =	vadd.f32 v62, v61;
	(pc) =	sbr.rel @p1 .LBB2_6-.Ltmp1, $4  }
0x97: {  	[tilespmem:s9+$0x10240] =	vst v5;
	v3 =	vadd.f32 v63, v3  }
0x98: {  	s12 =	sshll.u32 s31, $0xC;
	[tilespmem:s9+$0x10250] =	vst v2  }
0x99: {  	s8 =	sadd.s32 s12, s10;
	[tilespmem:s9+$0x10260] =	vst v3  }
0x9a: {  	[hbm4b:s8+s1] =	stream.linear.scatter [tilespmem:s23], [sflag:$0x5], $0x4000, $0x38;
	[tilespmem:$0x18200] =	vst v63  }
0x9b: {  	s2 =	sadd.s32 s2, s11  }
0x9c: {  	s2 =	sshrl.u32 s2, $0x3  }
0x9d: {  	s8 =	sadd.s32 s4, s2  }
0x9e: {  	[tilespmem:s1], [sflag:$0x7] =	stream.linear.gather [hbm4b:s8+s1], $0x80, $0x38;
	[tilespmem:$0x18200] =	vst v63  }
0x9f: {  	_ =	swait.ge [sflag:s13], $0x80  }
0xa0: {  	[sflag:s13] =	ssyncset.done $0x0  }
0xa1: {  	s2 =	sadd.s32 s5, s2;
	[sflag:s13] =	ssyncadd.s32 $0xFFFFFF80  }
0xa2: {  	[tilespmem:s14], [sflag:$0x7] =	stream.linear.gather [hbm4b:s2+s1], $0x80, $0x38;
	[tilespmem:$0x18200] =	vst v63  }
0xa3: {  	_ =	swait.ge [sflag:s13], $0x80  }
0xa4: {  	[sflag:s13] =	ssyncset.done $0x0  }
0xa5: {  	[sflag:s13] =	ssyncadd.s32 $0xFFFFFF80  }
0xa6: {  	v2 =	vld [tilespmem:$0x0]  }
0xa7: {  	v3 =	vld [tilespmem:$0x80]  }
0xa8: {  	v4 =	vld [tilespmem:$0x10]  }
0xa9: {  	v5 =	vld [tilespmem:$0x90]  }
0xaa: {  	v6 =	vld [tilespmem:$0x20]  }
0xab: {  	v7 =	vld [tilespmem:$0xA0];
	v2 =	vadd.s32 v0, v2  }
0xac: {  	[tilespmem:$0x0] =	vst v2;
	v2 =	vadd.s32 v1, v3;
	v3 =	vld [tilespmem:$0x30]  }
0xad: {  	v56 =	vld [tilespmem:$0xB0];
	[tilespmem:$0x80] =	vst v2;
	v2 =	vadd.s32 v0, v4  }
0xae: {  	v57 =	vld [tilespmem:$0x40];
	[tilespmem:$0x10] =	vst v2;
	v2 =	vadd.s32 v1, v5  }
0xaf: {  	v58 =	vld [tilespmem:$0xC0];
	[tilespmem:$0x90] =	vst v2;
	v2 =	vadd.s32 v0, v6  }
0xb0: {  	v59 =	vld [tilespmem:$0x50];
	[tilespmem:$0x20] =	vst v2;
	v2 =	vadd.s32 v1, v7  }
0xb1: {  	[tilespmem:$0xA0] =	vst v2;
	v2 =	vadd.s32 v0, v3;
	v3 =	vld [tilespmem:$0xD0]  }
0xb2: {  	v60 =	vld [tilespmem:$0x60];
	[tilespmem:$0x30] =	vst v2;
	v2 =	vadd.s32 v1, v56  }
0xb3: {  	v61 =	vld [tilespmem:$0xE0];
	[tilespmem:$0xB0] =	vst v2;
	v2 =	vadd.s32 v0, v57  }
0xb4: {  	v62 =	vld [tilespmem:$0x70];
	[tilespmem:$0x40] =	vst v2;
	v2 =	vadd.s32 v1, v58  }
0xb5: {  	v63 =	vld [tilespmem:$0xF0];
	[tilespmem:$0xC0] =	vst v2;
	v2 =	vadd.s32 v0, v59  }
0xb6: {  	[tilespmem:$0x50] =	vst v2;
	v2 =	vadd.s32 v1, v3  }
0xb7: {  	[tilespmem:$0xD0] =	vst v2;
	v2 =	vadd.s32 v0, v60  }
0xb8: {  	[tilespmem:$0x60] =	vst v2;
	v2 =	vadd.s32 v1, v61  }
0xb9: {  	[tilespmem:$0xE0] =	vst v2;
	v2 =	vadd.s32 v0, v62  }
0xba: {  	[tilespmem:$0x70] =	vst v2;
	v2 =	vadd.s32 v1, v63  }
0xbb: {  	[tilespmem:$0xF0] =	vst v2  }
0xbc: {  	[tilespmem:s15], [sflag:$0x1] =	stream.indirect.gather [hbm4b:s3+s14], $0x80, s1, s14, $0xb8;
	[tilespmem:$0x18200] =	vst v63  }
0xbd: {  	_ = 	snop  }
0xbe: {  	[tilespmem:s16], [sflag:$0x2] =	stream.indirect.gather [hbm4b:s3+s14], $0x80, s14, s14, $0xb8;
	[tilespmem:$0x18200] =	vst v63  }
.LBB2_6:
0xbf: {  	_ =	swait.ge [sflag:s24], $0x4000  }
0xc0: {  	[sflag:s24] =	ssyncset.done $0x0  }
0xc1: {  	[sflag:s24] =	ssyncadd.s32 $0xFFFFC000  }
0xc2: {  	_ =	swait.ge [sflag:s25], $0x4000  }
0xc3: {  	[sflag:s25] =	ssyncset.done $0x0  }
0xc4: {  	s2 =	simm.s32 @!p0 $0x6;
	[sflag:s25] =	ssyncadd.s32 $0xFFFFC000  }
0xc5: {  	_ =	swait.ge @!p0 [sflag:s2], $0x4000  }
0xc6: {  	[sflag:s2] =	ssyncset.done @!p0 $0x0  }
0xc7: {  	[sflag:s2] =	ssyncadd.s32 @!p0 $0xFFFFC000;
	s2 =	simm.s32 $0x0  }
0xc8: {  	v2 =	vld [tilespmem:s2+$0x8270]  }
0xc9: {  	v3 =	vld [tilespmem:s2+$0xC270]  }
0xca: {  	v4 =	vld [tilespmem:s2+$0x8200]  }
0xcb: {  	v5 =	vld [tilespmem:s2+$0xC200]  }
0xcc: {  	v6 =	vld [tilespmem:s2+$0x8210]  }
0xcd: {  	v7 =	vld [tilespmem:s2+$0xC210]  }
0xce: {  	v8 =	vld [tilespmem:s2+$0x8220]  }
0xcf: {  	v9 =	vld [tilespmem:s2+$0x8230]  }
0xd0: {  	v2 =	vadd.f32 v3, v2;
	v3 =	vld [tilespmem:s2+$0xC220]  }
0xd1: {  	v10 =	vld [tilespmem:s2+$0xC230]  }
0xd2: {  	v11 =	vld [tilespmem:s2+$0xC240];
	v4 =	vadd.f32 v5, v4  }
0xd3: {  	[tilespmem:s2+$0x14270] =	vst v2;
	v2 =	vadd.f32 v7, v6;
	v7 =	vld [tilespmem:s2+$0x8240]  }
0xd4: {  	v5 =	vld [tilespmem:s2+$0xC250];
	[tilespmem:s2+$0x14200] =	vst v4  }
0xd5: {  	v4 =	vld [tilespmem:s2+$0x8250];
	[tilespmem:s2+$0x14210] =	vst v2;
	v2 =	vadd.f32 v3, v8  }
0xd6: {  	v6 =	vld [tilespmem:s2+$0xC260];
	v8 =	vadd.f32 v10, v9  }
0xd7: {  	s8 =	simm.s32 $0x80;
	[tilespmem:s2+$0x14220] =	vst v2;
	v2 =	vld [tilespmem:s2+$0x8260]  }
0xd8: {  	s9 =	simm.s32 $0x400;
	v7 =	vadd.f32 v11, v7;
	v3 =	vld [tilespmem:s8+$0x8270];
	[tilespmem:s2+$0x14230] =	vst v8  }
.LBB2_7:
0xd9: {  	p0 =	sne.s32 s9, $0xFE00;
	v8 =	vld [tilespmem:s8+$0xC270]  }
0xda: {  	v9 =	vld [tilespmem:s8+$0x8200];
	[tilespmem:s2+$0x14240] =	vst v7;
	v4 =	vadd.f32 v5, v4  }
0xdb: {  	v5 =	vld [tilespmem:s8+$0xC200]  }
0xdc: {  	v7 =	vld [tilespmem:s8+$0x8210];
	[tilespmem:s2+$0x14250] =	vst v4;
	v2 =	vadd.f32 v6, v2  }
0xdd: {  	v4 =	vld [tilespmem:s8+$0xC210]  }
0xde: {  	v6 =	vld [tilespmem:s8+$0x8220];
	v3 =	vadd.f32 v8, v3;
	[tilespmem:s2+$0x14260] =	vst v2;
	s2 =	smov.u32 s8  }
0xdf: {  	v2 =	vld [tilespmem:s2+$0xC220]  }
0xe0: {  	v5 =	vadd.f32 v5, v9;
	v8 =	vld [tilespmem:s2+$0x8230];
	[tilespmem:s2+$0x14270] =	vst v3  }
0xe1: {  	v3 =	vld [tilespmem:s2+$0xC230]  }
0xe2: {  	[tilespmem:s2+$0x14200] =	vst v5;
	v4 =	vadd.f32 v4, v7;
	v7 =	vld [tilespmem:s2+$0x8240]  }
0xe3: {  	v9 =	vld [tilespmem:s2+$0xC240]  }
.Ltmp2:
0xe4: {  	[tilespmem:s2+$0x14210] =	vst v4;
	v2 =	vadd.f32 v2, v6;
	v4 =	vld [tilespmem:s2+$0x8250];
	(pc) =	sbr.rel @p0 .LBB2_7-.Ltmp2, $4  }
0xe5: {  	v5 =	vld [tilespmem:s2+$0xC250]  }
0xe6: {  	[tilespmem:s2+$0x14220] =	vst v2;
	v8 =	vadd.f32 v3, v8;
	v2 =	vld [tilespmem:s2+$0x8260]  }
0xe7: {  	s8 =	sshra.s32 s9, $0x2;
	v6 =	vld [tilespmem:s2+$0xC260]  }
0xe8: {  	s9 =	sadd.s32 $0x200, s9;
	v3 =	vld [tilespmem:s8+$0x8270];
	[tilespmem:s2+$0x14230] =	vst v8;
	v7 =	vadd.f32 v9, v7  }
0xe9: {  	v8 =	vld [tilespmem:s8+$0xC270]  }
0xea: {  	v9 =	vld [tilespmem:s8+$0x8200];
	[tilespmem:s2+$0x14240] =	vst v7;
	v4 =	vadd.f32 v5, v4  }
0xeb: {  	v56 =	vld [tilespmem:s8+$0xC200]  }
0xec: {  	v7 =	vld [tilespmem:s8+$0x8210];
	[tilespmem:s2+$0x14250] =	vst v4;
	v2 =	vadd.f32 v6, v2  }
0xed: {  	v4 =	vld [tilespmem:s8+$0xC210]  }
0xee: {  	v57 =	vld [tilespmem:s8+$0x8220];
	[tilespmem:s2+$0x14260] =	vst v2  }
0xef: {  	v2 =	vadd.f32 v8, v3;
	v3 =	vld [tilespmem:s8+$0xC220]  }
0xf0: {  	v58 =	vld [tilespmem:s8+$0x8230]  }
0xf1: {  	v59 =	vld [tilespmem:s8+$0x8240]  }
0xf2: {  	v60 =	vld [tilespmem:s8+$0xC240]  }
0xf3: {  	v61 =	vld [tilespmem:s8+$0x8250]  }
0xf4: {  	[tilespmem:s8+$0x14270] =	vst v2;
	v2 =	vld [tilespmem:s8+$0xC230]  }
0xf5: {  	v62 =	vld [tilespmem:s8+$0xC250];
	v3 =	vadd.f32 v3, v57  }
0xf6: {  	v63 =	vld [tilespmem:s8+$0xC260]  }
0xf7: {  	v5 =	vadd.f32 v56, v9;
	[tilespmem:s8+$0x14220] =	vst v3;
	v3 =	vld [tilespmem:s8+$0x8260]  }
0xf8: {  	v4 =	vadd.f32 v4, v7  }
0xf9: {  	s31 =	sadd.s32 $0x1, s31;
	[tilespmem:s8+$0x14200] =	vst v5;
	v2 =	vadd.f32 v2, v58  }
0xfa: {  	p0 =	sne.s32 s31, $0x28;
	[tilespmem:s8+$0x14210] =	vst v4;
	v5 =	vadd.f32 v60, v59  }
.Ltmp3:
0xfb: {  	[tilespmem:s8+$0x14230] =	vst v2;
	v2 =	vadd.f32 v62, v61;
	(pc) =	sbr.rel @p0 .LBB2_2-.Ltmp3, $4  }
0xfc: {  	[tilespmem:s8+$0x14240] =	vst v5;
	v3 =	vadd.f32 v63, v3  }
0xfd: {  	s0 =	sshll.u32 s0, $0x4;
	[tilespmem:s8+$0x14250] =	vst v2  }
0xfe: {  	s0 =	sadd.s32 s6, s0;
	[tilespmem:s8+$0x14260] =	vst v3  }
0xff: {  	[hbm4b:s0+s1] =	stream.linear.scatter [tilespmem:s26], [sflag:$0x6], $0x4000, $0x38;
	[tilespmem:$0x18200] =	vst v63  }
0x100: {  	_ =	swait.ge [sflag:s28], $0x4000  }
0x101: {  	[sflag:s28] =	ssyncset.done $0x0  }
0x102: {  	[sflag:s28] =	ssyncadd.s32 $0xFFFFC000  }
0x103: {  	_ =	swait.ge [sflag:s29], $0x4000  }
0x104: {  	s30 =	sadd.s32 $0x1, s30;
	s0 =	rddreg [dreg:$0x4]  }
0x105: {  	p0 =	sne.s32 s30, s0  }
.Ltmp4:
0x106: {  	_ = 	snop;
	(pc) =	sbr.rel @p0 .LBB2_1-.Ltmp4, $3  }
0x107: {  	_ =	sdelay $0x1  }
0x108: {  	[sflag:s29] =	ssyncset.done $0x0  }
0x109: {  	[sflag:s29] =	ssyncadd.s32 $0xFFFFC000  }
0x10a: {  	_ =	sfence.sel $0x180000  }
0x10b: {  	[bflag:$0x0] =	sbarrier.arrive $0xFFFF  }
0x10c: {  	_ =	strace $0x9000004A  }
0x10d: {  	s0 =	stileid.u32;
	[bflag:$0x2] =	sbarrier.arrive $0xFFFF  }
0x10e: {  	p0 =	sne.s32 s0, $0x0;
	s0 =	rddreg [dreg:$0x1]  }
0x10f: {  	s0 =	sadd.s32 @!p0 $0x100000, s0  }
0x110: {  	[sflag:s0] =	ssyncadd.tile.s32 @!p0 $0x1;
	_ =	shalt  }
.Lfunc_end2:
_tile_overlayer_lowered:
.L_overlay_start_2:
0x111: {  	(tag) =	ssettag $0x2  }
0x112: {  	s0 =	rddreg [dreg:$0x0];
	s2 =	stileid.u32  }
0x113: {  	s1 =	rddreg [dreg:$0x1];
	p0 =	sne.s32 s2, $0x0  }
0x114: {  	s3 =	rddreg [dreg:$0x2];
	[bflag:$0x3] =	sbarrier.arrive $0xFFFF;
	s2 =	simm.s32 @!p0 $0x1C07  }
0x115: {  	[timem:s3], [sflag:s2] =	dma.local @!p0 [hbm:s0], s1  }
0x116: {  	s0 =	simm.s32 @!p0 $0x7  }
0x117: {  	_ =	swait.ge @!p0 [sflag:s0], s1  }
0x118: {  	s1 =	ssub.s32 @!p0 $0x0, s1;
	[sflag:s0] =	ssyncset.done @!p0 $0x0  }
0x119: {  	[sflag:s0] =	ssyncadd.s32 @!p0 s1  }
0x11a: {  	[bflag:$0x3] =	sbarrier.arrive $0xFFFF  }
0x11b: {  	_ =	shalt  }

// kernel: kernel.14.cloned.1.call-start
scs
__scs_entry_jumppad:
0x0: {  	(pc) =	sbr.rel $0x88, $3  }
0x1: {  	(tag) =	ssettag $0x0;
	lr =	simm.s32 $0x1  }
0x2: {  	[smem:$0x3F92] =	sst lr;
	_ =	strace $0xD0000000  }
0x3: {  	_ = 	snop  }
0x4: {  	_ = 	snop  }
0x5: {  	_ = 	snop  }
0x6: {  	_ = 	snop  }
0x7: {  	_ = 	snop  }
__scs_overlays_trampoline_lowered:
0x8: {  	[smem:$0x3FA1] =	sst s0  }
0x9: {  	[smem:$0x3FA2] =	sst s1  }
0xa: {  	[smem:$0x3FA3] =	sst s2  }
0xb: {  	[smem:$0x3FA4] =	sst s3  }
0xc: {  	[smem:$0x3FA5] =	sst s4  }
0xd: {  	[smem:$0x3FA6] =	sst s5  }
0xe: {  	[smem:$0x3FA7] =	sst s6  }
0xf: {  	[smem:$0x3FA8] =	sst s7  }
0x10: {  	[smem:$0x3FA9] =	sst s8  }
0x11: {  	[smem:$0x3FAA] =	sst s9;
	s0 =	simm.s32 @!p0 $0x0  }
0x12: {  	s1 =	sld [smem:$0x3F90];
	s0 =	simm.s32 @p0 $0x1  }
0x13: {  	[smem:$0x3FAB] =	sst s0;
	s0 =	simm.s32 @!p1 $0x0  }
0x14: {  	s2 =	sld [smem:$0x3F8F];
	s0 =	simm.s32 @p1 $0x1  }
0x15: {  	[smem:$0x3FAC] =	sst s0;
	s0 =	simm.s32 @!p2 $0x0  }
0x16: {  	s3 =	sld [smem:$0x3FDB];
	s0 =	simm.s32 @p2 $0x1  }
0x17: {  	s4 =	simm.s32 $0x1BF5;
	[smem:$0x3FAE] =	sst s0  }
0x18: {  	s0 =	sld [smem:$0x3F91];
	_ =	swait.ge [sflag:s4], $0x0  }
0x19: {  	s7 =	sld [smem:$0x3F92]  }
0x1a: {  	s8 =	sadd.s32 $0xFFFFE003, lr  }
0x1b: {  	s9 =	sadd.s32 $0xFFFFFEF7, lr;
	s5 =	simm.s32 $0xFFFFFFFF;
	p2 =	slt.u32 s8, $0xFFFFF086  }
0x1c: {  	p1 =	slt.u32 s9, $0xF7A;
	s5 =	simm.s32 @!p2 $0x0  }
0x1d: {  	s5 =	simm.s32 @p1 $0x1;
	p0 =	seq.s32 s7, s2  }
0x1e: {  	s7 =	smul.u32 @!p0 $0xF7A, s2;
	p2 =	seq.s32 @!p0 s5, $0x0  }
0x1f: {  	s9 =	smul.u32 $0xF7A, s1;
	s8 =	simm.s32 @!p0 $0x1BF5;
	p2 =	por !p2, p0  }
0x20: {  	[sflag:s8] =	ssyncset.s32 @!p0 $0xFFFFF086;
	s6 =	sadd.s32 @!p0 s3, s7;
	s7 =	simm.s32 @!p0 $0x108  }
0x21: {  	s3 =	sadd.s32 s3, s9;
	s6 =	sadd.s32 @!p0 $0x88, s6;
	s7 =	simm.s32 @p2 $0x1082  }
0x22: {  	[simem:s7], [sflag:s8] =	dma.local @!p0 [hbm:s6], $0xF7A  }
0x23: {  	s9 =	sor.u32 $0xD0000000, s2;
	s6 =	simm.s32 $0x108;
	_ =	swait.ge @!p0 [sflag:s8], $0x0  }
0x24: {  	s3 =	sadd.s32 $0x88, s3;
	s6 =	simm.s32 @!p1 $0x1082;
	[sflag:s4] =	ssyncset.s32 $0xFFFFF086  }
0x25: {  	[simem:s6], [sflag:s4] =	dma.local [hbm:s3], $0xF7A  }
0x26: {  	[smem:$0x3F92] =	sst s1;
	(tag) =	ssettag s2;
	_ =	strace s9  }
0x27: {  	s1 =	sld [smem:$0x3FA2]  }
0x28: {  	s2 =	sld [smem:$0x3FA3]  }
0x29: {  	s4 =	sld [smem:$0x3FA5]  }
0x2a: {  	p0 =	seq.s32 s5, $0x0;
	s5 =	sld [smem:$0x3FA6]  }
0x2b: {  	s6 =	sld [smem:$0x3FA7]  }
0x2c: {  	s7 =	sld [smem:$0x3FA8]  }
0x2d: {  	s3 =	simm.s32 $0x108;
	s8 =	sld [smem:$0x3FA9]  }
0x2e: {  	s3 =	simm.s32 @!p0 $0x1082;
	s9 =	sld [smem:$0x3FAA]  }
0x2f: {  	lr =	sadd.s32 s0, s3;
	s0 =	sld [smem:$0x3FA1]  }
0x30: {  	s3 =	sld [smem:$0x3FA4]  }
0x31: {  	[smem:$0x3FAD] =	sst s10  }
0x32: {  	s10 =	sld [smem:$0x3FAB];
	_ =	sdelay $0x3  }
0x33: {  	p0 =	seq.s32 s10, $0x1;
	s10 =	sld [smem:$0x3FAD];
	_ =	sdelay $0x3  }
0x34: {  	[smem:$0x3FAD] =	sst s10  }
0x35: {  	s10 =	sld [smem:$0x3FAC];
	_ =	sdelay $0x3  }
0x36: {  	p1 =	seq.s32 s10, $0x1;
	s10 =	sld [smem:$0x3FAD];
	_ =	sdelay $0x3  }
0x37: {  	[smem:$0x3FAD] =	sst s10  }
0x38: {  	s10 =	sld [smem:$0x3FAE]  }
0x39: {  	_ = 	snop;
	(pc) =	sbr.ind lr, $3  }
0x3a: {  	_ = 	snop  }
0x3b: {  	_ = 	snop  }
0x3c: {  	p2 =	seq.s32 s10, $0x1;
	s10 =	sld [smem:$0x3FAD]  }
0x3d: {  	_ =	shalt  }
0x3e: {  	_ =	shalt  }
0x3f: {  	_ =	shalt  }
0x40: {  	_ =	shalt  }
0x41: {  	_ =	shalt  }
0x42: {  	_ =	shalt  }
0x43: {  	_ =	shalt  }
0x44: {  	_ =	shalt  }
0x45: {  	_ =	shalt  }
0x46: {  	_ =	shalt  }
0x47: {  	_ =	shalt  }
0x48: {  	_ =	shalt  }
0x49: {  	_ =	shalt  }
0x4a: {  	_ =	shalt  }
0x4b: {  	_ =	shalt  }
0x4c: {  	_ =	shalt  }
0x4d: {  	_ =	shalt  }
0x4e: {  	_ =	shalt  }
0x4f: {  	_ =	shalt  }
0x50: {  	_ =	shalt  }
0x51: {  	_ =	shalt  }
0x52: {  	_ =	shalt  }
0x53: {  	_ =	shalt  }
0x54: {  	_ =	shalt  }
0x55: {  	_ =	shalt  }
0x56: {  	_ =	shalt  }
0x57: {  	_ =	shalt  }
0x58: {  	_ =	shalt  }
0x59: {  	_ =	shalt  }
0x5a: {  	_ =	shalt  }
0x5b: {  	_ =	shalt  }
0x5c: {  	_ =	shalt  }
0x5d: {  	_ =	shalt  }
0x5e: {  	_ =	shalt  }
0x5f: {  	_ =	shalt  }
0x60: {  	_ =	shalt  }
0x61: {  	_ =	shalt  }
0x62: {  	_ =	shalt  }
0x63: {  	_ =	shalt  }
0x64: {  	_ =	shalt  }
0x65: {  	_ =	shalt  }
0x66: {  	_ =	shalt  }
0x67: {  	_ =	shalt  }
0x68: {  	_ =	shalt  }
0x69: {  	_ =	shalt  }
0x6a: {  	_ =	shalt  }
0x6b: {  	_ =	shalt  }
0x6c: {  	_ =	shalt  }
0x6d: {  	_ =	shalt  }
0x6e: {  	_ =	shalt  }
0x6f: {  	_ =	shalt  }
0x70: {  	_ =	shalt  }
0x71: {  	_ =	shalt  }
0x72: {  	_ =	shalt  }
0x73: {  	_ =	shalt  }
0x74: {  	_ =	shalt  }
0x75: {  	_ =	shalt  }
0x76: {  	_ =	shalt  }
0x77: {  	_ =	shalt  }
0x78: {  	_ =	shalt  }
0x79: {  	_ =	shalt  }
0x7a: {  	_ =	shalt  }
0x7b: {  	_ =	shalt  }
0x7c: {  	_ =	shalt  }
0x7d: {  	_ =	shalt  }
0x7e: {  	_ =	shalt  }
0x7f: {  	_ =	shalt  }
0x80: {  	_ =	shalt  }
0x81: {  	_ =	shalt  }
0x82: {  	_ =	shalt  }
0x83: {  	_ =	shalt  }
0x84: {  	_ =	shalt  }
0x85: {  	_ =	shalt  }
0x86: {  	_ =	shalt  }
0x87: {  	_ =	shalt  }
.Lfunc_end0:
.L_simem_size_0:
called_computation.2_lowered:
.L_overlay_start_0:
0x88: {  	s2 =	sld [smem:$0x3FD9]  }
0x89: {  	s3 =	sld [smem:$0x3FFE];
	_ =	sdelay $0x1  }
0x8a: {  	s1 =	srdreg.scid  }
0x8b: {  	s0 =	sand.u32 $0x1, s1  }
0x8c: {  	s16 =	sshll.u32 s0, $0xA;
	s2 =	sadd.s32 s3, s2  }
0x8d: {  	s2 =	sadd.s32 s2, s16  }
0x8e: {  	[smem:$0x3FB9] =	sst s2  }
0x8f: {  	_ = 	snop  }
0x90: {  	(tm) =	ssettm $0x1  }
0x91: {  	s17 =	sld [smem:$0x3FFB];
	_ =	sdelay $0x3  }
0x92: {  	_ =	strace s17  }
0x93: {  	s2 =	sld [smem:$0x3FFC];
	_ =	sdelay $0x3  }
0x94: {  	_ =	strace s2  }
0x95: {  	s2 =	sld [smem:$0x3FFD];
	_ =	sdelay $0x3  }
0x96: {  	_ =	strace s2  }
0x97: {  	_ =	strace $0x8FFFFFFF  }
0x98: {  	s18 =	sld [smem:$0x3FDB];
	_ =	sdelay $0x1  }
0x99: {  	s19 =	simm.s32 $_scs_section_size  }
0x9a: {  	s4 =	simm.s32 $_size__tile_overlayer_lowered;
	s5 =	simm.s32 $_tile_overlayer_lowered  }
0x9b: {  	s22 =	simm.s32 $0x1BFF;
	s21 =	sshll.u32 s5, $0x1;
	s2 =	sadd.s32 s19, s18  }
0x9c: {  	s6 =	simm.s32 $0x0;
	s20 =	sshll.u32 s4, $0x1;
	s4 =	sadd.s32 s21, s2  }
0x9d: {  	[timem:s6], [sflag:s22] =	dma.local [hbm:s4], s20  }
0x9e: {  	_ =	swait.ge [sflag:s22], s20  }
0x9f: {  	s3 =	ssub.s32 $0x0, s20;
	[sflag:s22] =	ssyncset.done $0x0  }
0xa0: {  	[sflag:s22] =	ssyncadd.s32 s3;
	_ =	sdelay $0x1  }
0xa1: {  	s23 =	simm.s32 $0x1B8B  }
0xa2: {  	_ =	swait.ge [sflag:s23], $0x1  }
0xa3: {  	[sflag:s23] =	ssyncset.done $0x0  }
0xa4: {  	s25 =	simm.s32 $0x1B8E;
	s24 =	sld [smem:$0x3FFE];
	[sflag:s23] =	ssyncadd.s32 $0xFFFFFFFF  }
0xa5: {  	s26 =	simm.s32 $execute0_lowered;
	[smem:$0x3FD2] =	sst s25  }
0xa6: {  	s4 =	sshll.u32 s26, $0x1;
	_ =	strace $0x8000004C;
	[dreg:$0x1] =	wrdreg $0xFFFFFFFF  }
0xa7: {  	s28 =	simm.s32 $_size_execute0_lowered;
	s2 =	sadd.s32 s2, s4;
	[dreg:$0x0] =	wrdreg $0x0  }
0xa8: {  	s4 =	sshll.u32 s28, $0x1;
	[dreg:$0x2] =	wrdreg s2  }
0xa9: {  	[dreg:$0x3] =	wrdreg s4  }
0xaa: {  	[dreg:$0x4] =	wrdreg $0xC0  }
0xab: {  	_ =	task [dreg:s6], $0x5FFFF  }
0xac: {  	[dreg:$0x1] =	wrdreg $0xFFFFFFFF  }
0xad: {  	[dreg:$0x0] =	wrdreg $0x60  }
0xae: {  	[dreg:$0x2] =	wrdreg s24  }
0xaf: {  	[dreg:$0x3] =	wrdreg $0x60800  }
0xb0: {  	[dreg:$0x4] =	wrdreg $0x9  }
0xb1: {  	_ =	task.clear_ibuf [dreg:s6], $0x5FFFF;
	_ =	strace $0x9000004C  }
0xb2: {  	s29 =	simm.s32 $0x9;
	_ =	strace $0x8000004E  }
0xb3: {  	_ =	swait.ge [sflag:s29], $0x1  }
0xb4: {  	[sflag:s29] =	ssyncadd.s32 $0xFFFFFFFF  }
0xb5: {  	_ =	strace $0x9000004E  }
0xb6: {  	_ =	sfence  }
0xb7: {  	s30 =	sld [smem:$0x0];
	_ =	sdelay $0x2  }
0xb8: {  	s31 =	sshll.u32 s1, $0xD;
	s1 =	sshrl.u32 s1, $0x2  }
0xb9: {  	s3 =	sand.u32 $0x4000, s31;
	s1 =	sadd.s32 s1, s30  }
0xba: {  	s0 =	sor.u32 s3, s0;
	s1 =	sshll.u32 s1, $0x11  }
0xbb: {  	s0 =	sor.u32 s1, s0  }
0xbc: {  	s0 =	sadd.s32 $0x8F2B, s0  }
0xbd: {  	[sflag:s0] =	ssyncadd.remote.s32 $0x1  }
0xbe: {  	_ =	sfence.sel $0xFFFF  }
0xbf: {  	[dreg:$0x0] =	wrdreg $0xFFFFFFFF;
	(pc) =	sbr.abs _section_cstart, $3  }
0xc0: {  	[dreg:$0x1] =	wrdreg $0xFFFFFFFF  }
0xc1: {  	_ =	task.clear_ibuf [dreg:s6], $0x2FFFF;
	_ =	strace $0x9FFFFFFF  }
0xc2: {  	(tm) =	ssettm $0x7FFFFFFF  }
0xc3: {  	_ =	shalt  }
tec
execute0_lowered:
.L_overlay_start_1:
0x0: {  	(tag) =	ssettag $0x1  }
0x1: {  	s0 =	stileid.u32  }
0x2: {  	s1 =	srdreg.scid;
	s4 =	rddreg [dreg:$0x0]  }
0x3: {  	s2 =	rddreg [dreg:$0x1];
	s6 =	smul.u32 $0x5000, s0  }
0x4: {  	s3 =	simm.s32 $0x0;
	s5 =	sand.u32 $0x1, s1;
	s8 =	smul.u32 $0x14000, s0  }
0x5: {  	[smem:$0x7FF] =	sst s3;
	s7 =	smul.u32 $0x2800, s5  }
0x6: {  	s1 =	rddreg [dreg:$0x2];
	s9 =	smul.u32 $0x50000, s5;
	_ =	strace $0x8000004D  }
0x7: {  	s28 =	ssub.s32 $0x2, s5;
	s12 =	smul.u32 $0xA000, s5;
	s8 =	sadd.s32 s8, s4  }
0x8: {  	s11 =	sshrl.u32 s28, $0x1;
	s7 =	sadd.s32 s7, s6;
	s26 =	sadd.s32 s6, s9  }
0x9: {  	s30 =	ssub.s32 s28, s11;
	s31 =	sadd.s32 s12, s8;
	s7 =	sshrl.u32 s7, $0x3  }
0xa: {  	s9 =	simm.s32 $0x1080;
	s10 =	sadd.s32 s7, s4;
	s7 =	sshrl.u32 s26, $0x3  }
0xb: {  	s11 =	simm.s32 $0x80;
	s12 =	simm.s32 $0x0;
	s29 =	sadd.s32 s7, s4  }
0xc: {  	s4 =	sadd.s32 s6, s2;
	s6 =	smax.u32 s30, $0x1;
	s7 =	sadd.s32 $0xDD200, s31  }
0xd: {  	v0 =	vimm.f32 $0.0e+00;
	s8 =	sadd.s32 $0xD3200, s10;
	s10 =	simm.s32 $0x1;
	s5 =	sadd.s32 $0x29200, s29  }
.LBB2_1:
0xe: {  	s13 =	simm.s32 $0x80;
	s14 =	simm.s32 $0x0  }
.LBB2_2:
0xf: {  	p0 =	sne.s32 s13, $0x13F80;
	[tilespmem:s14+$0x1080] =	vst v0;
	s15 =	smov.u32 s13;
	s13 =	sadd.s32 $0x80, s13  }
.Ltmp0:
0x10: {  	[tilespmem:s14+$0x1090] =	vst v0;
	(pc) =	sbr.rel @p0 .LBB2_2-.Ltmp0, $2  }
0x11: {  	_ =	sdelay $0x2  }
0x12: {  	s14 =	sshra.s32 s15, $0x2  }
0x13: {  	[tilespmem:s14+$0x1080] =	vst v0  }
0x14: {  	[tilespmem:s14+$0x1090] =	vst v0  }
0x15: {  	[spmem:s4] =	stream.linear.scatter [tilespmem:s9], [sflag:$0x1], $0x5000, $0x38;
	[tilespmem:$0xB080] =	vst v63  }
0x16: {  	_ =	swait.ge [sflag:s10], $0x5000  }
0x17: {  	[sflag:s10] =	ssyncset.done $0x0  }
0x18: {  	[sflag:s10] =	ssyncadd.s32 $0xFFFFB000  }
0x19: {  	s13 =	sadd.s32 $0x0, s8;
	[bflag:$0x0] =	sbarrier.arrive $0xFFFF  }
0x1a: {  	[tilespmem:s3], [sflag:$0x1] =	stream.linear.gather [hbm4b:s13+s3], $0x80, $0x38;
	[tilespmem:$0xB080] =	vst v63  }
0x1b: {  	_ =	swait.ge [sflag:s10], $0x80  }
0x1c: {  	[sflag:s10] =	ssyncset.done $0x0  }
0x1d: {  	[sflag:s10] =	ssyncadd.s32 $0xFFFFFF80  }
0x1e: {  	[tilespmem:s11], [sflag:$0x1] =	stream.linear.gather [hbm4b:s7+s3], $0x1000, $0x38;
	[tilespmem:$0xB080] =	vst v63  }
0x1f: {  	_ =	swait.ge [sflag:s10], $0x1000  }
0x20: {  	[sflag:s10] =	ssyncset.done $0x0  }
0x21: {  	[sflag:s10] =	ssyncadd.s32 $0xFFFFF000  }
0x22: {  	[spmem:s2] =	stream.indirect.scatter.add.f32 [tilespmem:s11], [sflag:$0x1], $0x20, s3, s11, $0xb8;
	[tilespmem:$0xB080] =	vst v63  }
0x23: {  	s14 =	simm.s32 $0x10;
	_ =	swait.ge [sflag:s10], $0x1000  }
0x24: {  	s15 =	simm.s32 $0x20;
	s13 =	sadd.s32 $0x200, s7;
	[sflag:s10] =	ssyncset.done $0x0  }
.LBB2_4:
0x25: {  	s16 =	sadd.s32 s14, s8  }
0x26: {  	[sflag:s10] =	ssyncadd.s32 $0xFFFFF000;
	s14 =	smov.u32 s15;
	s17 =	sadd.s32 $0x10, s15  }
0x27: {  	[tilespmem:s3], [sflag:$0x1] =	stream.linear.gather [hbm4b:s16+s3], $0x80, $0x38;
	[tilespmem:$0xB080] =	vst v63  }
0x28: {  	p0 =	sne.s32 s15, $0x4F0;
	_ =	swait.ge [sflag:s10], $0x80  }
0x29: {  	[sflag:s10] =	ssyncset.done $0x0  }
0x2a: {  	[sflag:s10] =	ssyncadd.s32 $0xFFFFFF80  }
0x2b: {  	[tilespmem:s11], [sflag:$0x1] =	stream.linear.gather [hbm4b:s13+s3], $0x1000, $0x38;
	[tilespmem:$0xB080] =	vst v63  }
0x2c: {  	_ =	swait.ge [sflag:s10], $0x1000  }
.Ltmp1:
0x2d: {  	[sflag:s10] =	ssyncset.done $0x0;
	(pc) =	sbr.rel @p0 .LBB2_4-.Ltmp1, $4  }
0x2e: {  	[sflag:s10] =	ssyncadd.s32 $0xFFFFF000  }
0x2f: {  	[spmem:s2] =	stream.indirect.scatter.add.f32 [tilespmem:s11], [sflag:$0x1], $0x20, s3, s11, $0xb8;
	[tilespmem:$0xB080] =	vst v63  }
0x30: {  	_ =	swait.ge [sflag:s10], $0x1000  }
0x31: {  	s15 =	smov.u32 s17;
	s13 =	sadd.s32 $0x200, s13;
	[sflag:s10] =	ssyncset.done $0x0  }
0x32: {  	s14 =	sadd.s32 s14, s8;
	[sflag:s10] =	ssyncadd.s32 $0xFFFFF000  }
0x33: {  	[tilespmem:s3], [sflag:$0x1] =	stream.linear.gather [hbm4b:s14+s3], $0x80, $0x38;
	[tilespmem:$0xB080] =	vst v63  }
0x34: {  	_ =	swait.ge [sflag:s10], $0x80  }
0x35: {  	[sflag:s10] =	ssyncset.done $0x0  }
0x36: {  	[sflag:s10] =	ssyncadd.s32 $0xFFFFFF80  }
0x37: {  	[tilespmem:s11], [sflag:$0x1] =	stream.linear.gather [hbm4b:s13+s3], $0x1000, $0x38;
	[tilespmem:$0xB080] =	vst v63  }
0x38: {  	_ =	swait.ge [sflag:s10], $0x1000  }
0x39: {  	[sflag:s10] =	ssyncset.done $0x0  }
0x3a: {  	[sflag:s10] =	ssyncadd.s32 $0xFFFFF000  }
0x3b: {  	[spmem:s2] =	stream.indirect.scatter.add.f32 [tilespmem:s11], [sflag:$0x1], $0x20, s3, s11, $0xb8;
	[tilespmem:$0xB080] =	vst v63  }
0x3c: {  	_ =	swait.ge [sflag:s10], $0x1000  }
0x3d: {  	[sflag:s10] =	ssyncset.done $0x0  }
0x3e: {  	[sflag:s10] =	ssyncadd.s32 $0xFFFFF000  }
0x3f: {  	[bflag:$0x0] =	sbarrier.arrive $0xFFFF  }
0x40: {  	[tilespmem:s9], [sflag:$0x1] =	stream.linear.gather [spmem:s4], $0x5000, $0x38;
	[tilespmem:$0xB080] =	vst v63  }
0x41: {  	s12 =	sadd.s32 $0x1, s12;
	_ =	swait.ge [sflag:s10], $0x5000  }
0x42: {  	p0 =	sne.s32 s12, s6;
	[sflag:s10] =	ssyncset.done $0x0  }
.Ltmp2:
0x43: {  	[sflag:s10] =	ssyncadd.s32 $0xFFFFB000;
	(pc) =	sbr.rel @p0 .LBB2_1-.Ltmp2, $4  }
0x44: {  	[hbm4b:s5+s3] =	stream.linear.scatter [tilespmem:s9], [sflag:$0x1], $0x5000, $0x38;
	[tilespmem:$0xB080] =	vst v63  }
0x45: {  	_ =	swait.ge [sflag:s10], $0x5000  }
0x46: {  	[sflag:s10] =	ssyncset.done $0x0  }
0x47: {  	[sflag:s10] =	ssyncadd.s32 $0xFFFFB000  }
0x48: {  	_ =	sfence.sel $0x180000  }
0x49: {  	[bflag:$0x0] =	sbarrier.arrive $0xFFFF  }
0x4a: {  	p0 =	sne.s32 s0, $0x0;
	_ =	strace $0x9000004D  }
0x4b: {  	s0 =	sadd.s32 @!p0 $0x100000, s1;
	[bflag:$0x2] =	sbarrier.arrive $0xFFFF  }
0x4c: {  	[sflag:s0] =	ssyncadd.tile.s32 @!p0 $0x1;
	_ =	shalt  }
.Lfunc_end2:
_tile_overlayer_lowered:
.L_overlay_start_2:
0x4d: {  	(tag) =	ssettag $0x2  }
0x4e: {  	s0 =	rddreg [dreg:$0x0];
	s2 =	stileid.u32  }
0x4f: {  	s1 =	rddreg [dreg:$0x1];
	p0 =	sne.s32 s2, $0x0  }
0x50: {  	s3 =	rddreg [dreg:$0x2];
	[bflag:$0x3] =	sbarrier.arrive $0xFFFF;
	s2 =	simm.s32 @!p0 $0x1C01  }
0x51: {  	[timem:s3], [sflag:s2] =	dma.local @!p0 [hbm:s0], s1  }
0x52: {  	s0 =	simm.s32 @!p0 $0x1  }
0x53: {  	_ =	swait.ge @!p0 [sflag:s0], s1  }
0x54: {  	s1 =	ssub.s32 @!p0 $0x0, s1;
	[sflag:s0] =	ssyncset.done @!p0 $0x0  }
0x55: {  	[sflag:s0] =	ssyncadd.s32 @!p0 s1  }
0x56: {  	[bflag:$0x3] =	sbarrier.arrive $0xFFFF  }
0x57: {  	_ =	shalt  }

// kernel: kernel.8.cloned.1.call-start
scs
__scs_entry_jumppad:
0x0: {  	(pc) =	sbr.rel $0x88, $3  }
0x1: {  	(tag) =	ssettag $0x0;
	lr =	simm.s32 $0x1  }
0x2: {  	[smem:$0x3F92] =	sst lr;
	_ =	strace $0xD0000000  }
0x3: {  	_ = 	snop  }
0x4: {  	_ = 	snop  }
0x5: {  	_ = 	snop  }
0x6: {  	_ = 	snop  }
0x7: {  	_ = 	snop  }
__scs_overlays_trampoline_lowered:
0x8: {  	[smem:$0x3FA1] =	sst s0  }
0x9: {  	[smem:$0x3FA2] =	sst s1  }
0xa: {  	[smem:$0x3FA3] =	sst s2  }
0xb: {  	[smem:$0x3FA4] =	sst s3  }
0xc: {  	[smem:$0x3FA5] =	sst s4  }
0xd: {  	[smem:$0x3FA6] =	sst s5  }
0xe: {  	[smem:$0x3FA7] =	sst s6  }
0xf: {  	[smem:$0x3FA8] =	sst s7  }
0x10: {  	[smem:$0x3FA9] =	sst s8  }
0x11: {  	[smem:$0x3FAA] =	sst s9;
	s0 =	simm.s32 @!p0 $0x0  }
0x12: {  	s1 =	sld [smem:$0x3F90];
	s0 =	simm.s32 @p0 $0x1  }
0x13: {  	[smem:$0x3FAB] =	sst s0;
	s0 =	simm.s32 @!p1 $0x0  }
0x14: {  	s2 =	sld [smem:$0x3F8F];
	s0 =	simm.s32 @p1 $0x1  }
0x15: {  	[smem:$0x3FAC] =	sst s0;
	s0 =	simm.s32 @!p2 $0x0  }
0x16: {  	s3 =	sld [smem:$0x3FDB];
	s0 =	simm.s32 @p2 $0x1  }
0x17: {  	s4 =	simm.s32 $0x1BF5;
	[smem:$0x3FAE] =	sst s0  }
0x18: {  	s0 =	sld [smem:$0x3F91];
	_ =	swait.ge [sflag:s4], $0x0  }
0x19: {  	s7 =	sld [smem:$0x3F92]  }
0x1a: {  	s8 =	sadd.s32 $0xFFFFE003, lr  }
0x1b: {  	s9 =	sadd.s32 $0xFFFFFEF7, lr;
	s5 =	simm.s32 $0xFFFFFFFF;
	p2 =	slt.u32 s8, $0xFFFFF086  }
0x1c: {  	p1 =	slt.u32 s9, $0xF7A;
	s5 =	simm.s32 @!p2 $0x0  }
0x1d: {  	s5 =	simm.s32 @p1 $0x1;
	p0 =	seq.s32 s7, s2  }
0x1e: {  	s7 =	smul.u32 @!p0 $0xF7A, s2;
	p2 =	seq.s32 @!p0 s5, $0x0  }
0x1f: {  	s9 =	smul.u32 $0xF7A, s1;
	s8 =	simm.s32 @!p0 $0x1BF5;
	p2 =	por !p2, p0  }
0x20: {  	[sflag:s8] =	ssyncset.s32 @!p0 $0xFFFFF086;
	s6 =	sadd.s32 @!p0 s3, s7;
	s7 =	simm.s32 @!p0 $0x108  }
0x21: {  	s3 =	sadd.s32 s3, s9;
	s6 =	sadd.s32 @!p0 $0x88, s6;
	s7 =	simm.s32 @p2 $0x1082  }
0x22: {  	[simem:s7], [sflag:s8] =	dma.local @!p0 [hbm:s6], $0xF7A  }
0x23: {  	s9 =	sor.u32 $0xD0000000, s2;
	s6 =	simm.s32 $0x108;
	_ =	swait.ge @!p0 [sflag:s8], $0x0  }
0x24: {  	s3 =	sadd.s32 $0x88, s3;
	s6 =	simm.s32 @!p1 $0x1082;
	[sflag:s4] =	ssyncset.s32 $0xFFFFF086  }
0x25: {  	[simem:s6], [sflag:s4] =	dma.local [hbm:s3], $0xF7A  }
0x26: {  	[smem:$0x3F92] =	sst s1;
	(tag) =	ssettag s2;
	_ =	strace s9  }
0x27: {  	s1 =	sld [smem:$0x3FA2]  }
0x28: {  	s2 =	sld [smem:$0x3FA3]  }
0x29: {  	s4 =	sld [smem:$0x3FA5]  }
0x2a: {  	p0 =	seq.s32 s5, $0x0;
	s5 =	sld [smem:$0x3FA6]  }
0x2b: {  	s6 =	sld [smem:$0x3FA7]  }
0x2c: {  	s7 =	sld [smem:$0x3FA8]  }
0x2d: {  	s3 =	simm.s32 $0x108;
	s8 =	sld [smem:$0x3FA9]  }
0x2e: {  	s3 =	simm.s32 @!p0 $0x1082;
	s9 =	sld [smem:$0x3FAA]  }
0x2f: {  	lr =	sadd.s32 s0, s3;
	s0 =	sld [smem:$0x3FA1]  }
0x30: {  	s3 =	sld [smem:$0x3FA4]  }
0x31: {  	[smem:$0x3FAD] =	sst s10  }
0x32: {  	s10 =	sld [smem:$0x3FAB];
	_ =	sdelay $0x3  }
0x33: {  	p0 =	seq.s32 s10, $0x1;
	s10 =	sld [smem:$0x3FAD];
	_ =	sdelay $0x3  }
0x34: {  	[smem:$0x3FAD] =	sst s10  }
0x35: {  	s10 =	sld [smem:$0x3FAC];
	_ =	sdelay $0x3  }
0x36: {  	p1 =	seq.s32 s10, $0x1;
	s10 =	sld [smem:$0x3FAD];
	_ =	sdelay $0x3  }
0x37: {  	[smem:$0x3FAD] =	sst s10  }
0x38: {  	s10 =	sld [smem:$0x3FAE]  }
0x39: {  	_ = 	snop;
	(pc) =	sbr.ind lr, $3  }
0x3a: {  	_ = 	snop  }
0x3b: {  	_ = 	snop  }
0x3c: {  	p2 =	seq.s32 s10, $0x1;
	s10 =	sld [smem:$0x3FAD]  }
0x3d: {  	_ =	shalt  }
0x3e: {  	_ =	shalt  }
0x3f: {  	_ =	shalt  }
0x40: {  	_ =	shalt  }
0x41: {  	_ =	shalt  }
0x42: {  	_ =	shalt  }
0x43: {  	_ =	shalt  }
0x44: {  	_ =	shalt  }
0x45: {  	_ =	shalt  }
0x46: {  	_ =	shalt  }
0x47: {  	_ =	shalt  }
0x48: {  	_ =	shalt  }
0x49: {  	_ =	shalt  }
0x4a: {  	_ =	shalt  }
0x4b: {  	_ =	shalt  }
0x4c: {  	_ =	shalt  }
0x4d: {  	_ =	shalt  }
0x4e: {  	_ =	shalt  }
0x4f: {  	_ =	shalt  }
0x50: {  	_ =	shalt  }
0x51: {  	_ =	shalt  }
0x52: {  	_ =	shalt  }
0x53: {  	_ =	shalt  }
0x54: {  	_ =	shalt  }
0x55: {  	_ =	shalt  }
0x56: {  	_ =	shalt  }
0x57: {  	_ =	shalt  }
0x58: {  	_ =	shalt  }
0x59: {  	_ =	shalt  }
0x5a: {  	_ =	shalt  }
0x5b: {  	_ =	shalt  }
0x5c: {  	_ =	shalt  }
0x5d: {  	_ =	shalt  }
0x5e: {  	_ =	shalt  }
0x5f: {  	_ =	shalt  }
0x60: {  	_ =	shalt  }
0x61: {  	_ =	shalt  }
0x62: {  	_ =	shalt  }
0x63: {  	_ =	shalt  }
0x64: {  	_ =	shalt  }
0x65: {  	_ =	shalt  }
0x66: {  	_ =	shalt  }
0x67: {  	_ =	shalt  }
0x68: {  	_ =	shalt  }
0x69: {  	_ =	shalt  }
0x6a: {  	_ =	shalt  }
0x6b: {  	_ =	shalt  }
0x6c: {  	_ =	shalt  }
0x6d: {  	_ =	shalt  }
0x6e: {  	_ =	shalt  }
0x6f: {  	_ =	shalt  }
0x70: {  	_ =	shalt  }
0x71: {  	_ =	shalt  }
0x72: {  	_ =	shalt  }
0x73: {  	_ =	shalt  }
0x74: {  	_ =	shalt  }
0x75: {  	_ =	shalt  }
0x76: {  	_ =	shalt  }
0x77: {  	_ =	shalt  }
0x78: {  	_ =	shalt  }
0x79: {  	_ =	shalt  }
0x7a: {  	_ =	shalt  }
0x7b: {  	_ =	shalt  }
0x7c: {  	_ =	shalt  }
0x7d: {  	_ =	shalt  }
0x7e: {  	_ =	shalt  }
0x7f: {  	_ =	shalt  }
0x80: {  	_ =	shalt  }
0x81: {  	_ =	shalt  }
0x82: {  	_ =	shalt  }
0x83: {  	_ =	shalt  }
0x84: {  	_ =	shalt  }
0x85: {  	_ =	shalt  }
0x86: {  	_ =	shalt  }
0x87: {  	_ =	shalt  }
.Lfunc_end0:
.L_simem_size_0:
called_computation_lowered:
.L_overlay_start_0:
0x88: {  	s2 =	sld [smem:$0x3FD9]  }
0x89: {  	s3 =	sld [smem:$0x3FFE];
	_ =	sdelay $0x1  }
0x8a: {  	s1 =	srdreg.scid  }
0x8b: {  	s0 =	sand.u32 $0x1, s1  }
0x8c: {  	s17 =	sshll.u32 s0, $0xA;
	s2 =	sadd.s32 s3, s2  }
0x8d: {  	s2 =	sadd.s32 s2, s17  }
0x8e: {  	[smem:$0x3FB9] =	sst s2  }
0x8f: {  	_ = 	snop  }
0x90: {  	s2 =	sld [smem:$0x3FD0];
	(tm) =	ssettm $0x1  }
0x91: {  	s18 =	sld [smem:$0x3FFB];
	_ =	sdelay $0x3  }
0x92: {  	_ =	strace s18  }
0x93: {  	s3 =	sld [smem:$0x3FFC];
	_ =	sdelay $0x3  }
0x94: {  	_ =	strace s3  }
0x95: {  	s3 =	sld [smem:$0x3FFD];
	_ =	sdelay $0x3  }
0x96: {  	_ =	strace s3  }
0x97: {  	_ =	strace $0x8FFFFFFF  }
0x98: {  	s19 =	sld [smem:$0x3FDB];
	_ =	sdelay $0x1  }
0x99: {  	s4 =	simm.s32 $_scs_section_size  }
0x9a: {  	s5 =	simm.s32 $_size__tile_overlayer_lowered;
	s6 =	simm.s32 $_tile_overlayer_lowered  }
0x9b: {  	s22 =	simm.s32 $0x1BFF;
	s21 =	sshll.u32 s6, $0x1;
	s3 =	sadd.s32 s4, s19  }
0x9c: {  	s7 =	simm.s32 $0x0;
	s20 =	sshll.u32 s5, $0x1;
	s5 =	sadd.s32 s21, s3  }
0x9d: {  	[timem:s7], [sflag:s22] =	dma.local [hbm:s5], s20  }
0x9e: {  	_ =	swait.ge [sflag:s22], s20  }
0x9f: {  	s4 =	ssub.s32 $0x0, s20;
	[sflag:s22] =	ssyncset.done $0x0  }
0xa0: {  	[sflag:s22] =	ssyncadd.s32 s4;
	_ =	sdelay $0x1  }
0xa1: {  	s23 =	simm.s32 $0x1B8B  }
0xa2: {  	_ =	swait.ge [sflag:s23], $0x1  }
0xa3: {  	[sflag:s23] =	ssyncset.done $0x0  }
0xa4: {  	s25 =	simm.s32 $0x1B8E;
	s24 =	sld [smem:$0x3FFE];
	[sflag:s23] =	ssyncadd.s32 $0xFFFFFFFF  }
0xa5: {  	s26 =	simm.s32 $execute0_lowered;
	[smem:$0x3FD2] =	sst s25  }
0xa6: {  	s5 =	sshll.u32 s26, $0x1;
	_ =	strace $0x80000046;
	[dreg:$0x1] =	wrdreg $0xFFFFFFFF  }
0xa7: {  	s28 =	simm.s32 $_size_execute0_lowered;
	s3 =	sadd.s32 s3, s5;
	[dreg:$0x0] =	wrdreg $0x0  }
0xa8: {  	s5 =	sshll.u32 s28, $0x1;
	[dreg:$0x2] =	wrdreg s3  }
0xa9: {  	[dreg:$0x3] =	wrdreg s5  }
0xaa: {  	[dreg:$0x4] =	wrdreg $0xC0  }
0xab: {  	_ =	task [dreg:s7], $0x5FFFF  }
0xac: {  	[dreg:$0x1] =	wrdreg $0xFFFFFFFF  }
0xad: {  	[dreg:$0x0] =	wrdreg $0x60  }
0xae: {  	[dreg:$0x2] =	wrdreg s2  }
0xaf: {  	[dreg:$0x3] =	wrdreg s24  }
0xb0: {  	[dreg:$0x4] =	wrdreg $0x9  }
0xb1: {  	_ =	task.clear_ibuf [dreg:s7], $0x5FFFF;
	_ =	strace $0x90000046  }
0xb2: {  	s29 =	simm.s32 $0x9;
	_ =	strace $0x80000048  }
0xb3: {  	_ =	swait.ge [sflag:s29], $0x1  }
0xb4: {  	[sflag:s29] =	ssyncadd.s32 $0xFFFFFFFF  }
0xb5: {  	_ =	strace $0x90000048  }
0xb6: {  	_ =	sfence  }
0xb7: {  	s30 =	sld [smem:$0x0];
	_ =	sdelay $0x2  }
0xb8: {  	s31 =	sshll.u32 s1, $0xD;
	s1 =	sshrl.u32 s1, $0x2  }
0xb9: {  	s3 =	sand.u32 $0x4000, s31;
	s1 =	sadd.s32 s1, s30  }
0xba: {  	s0 =	sor.u32 s3, s0;
	s1 =	sshll.u32 s1, $0x11  }
0xbb: {  	s0 =	sor.u32 s1, s0  }
0xbc: {  	s0 =	sadd.s32 $0x8F2B, s0  }
0xbd: {  	[sflag:s0] =	ssyncadd.remote.s32 $0x1  }
0xbe: {  	_ =	sfence.sel $0xFFFF  }
0xbf: {  	[dreg:$0x0] =	wrdreg $0xFFFFFFFF;
	(pc) =	sbr.abs _section_cstart, $3  }
0xc0: {  	[dreg:$0x1] =	wrdreg $0xFFFFFFFF  }
0xc1: {  	_ =	task.clear_ibuf [dreg:s7], $0x2FFFF;
	_ =	strace $0x9FFFFFFF  }
0xc2: {  	(tm) =	ssettm $0x7FFFFFFF  }
0xc3: {  	_ =	shalt  }
tec
execute0_lowered:
.L_overlay_start_1:
0x0: {  	(tag) =	ssettag $0x1  }
0x1: {  	s2 =	rddreg [dreg:$0x0]  }
0x2: {  	s4 =	rddreg [dreg:$0x1]  }
0x3: {  	s0 =	rddreg [dreg:$0x2];
	s5 =	srdreg.scid  }
0x4: {  	s1 =	stileid.u32;
	s3 =	simm.s32 $0x0;
	s17 =	simm.s32 $0x1  }
0x5: {  	s18 =	simm.s32 $0x2;
	s19 =	simm.s32 $0x3;
	s20 =	simm.s32 $0x4  }
0x6: {  	s7 =	sand.u32 $0x1, s5;
	s21 =	sshll.u32 s1, $0x1;
	s23 =	smul.u32 $0xA000, s1  }
0x7: {  	[smem:$0x7FF] =	sst s3;
	s12 =	sadd.s32 $0x29200, s4;
	s15 =	smul.u32 $0x5000, s1  }
0x8: {  	s11 =	sadd.s32 $0x33200, s4;
	s5 =	sor.u32 s7, s21;
	s14 =	smul.u32 $0x5000, s7  }
0x9: {  	_ =	strace $0x80000047;
	s6 =	ssub.s32 $0x2, s7;
	s16 =	smul.u32 $0x2800, s7  }
0xa: {  	s21 =	simm.s32 $0x0;
	s8 =	smul.u32 $0x2800, s5;
	s9 =	sshrl.u32 s6, $0x1  }
0xb: {  	s10 =	smul.u32 $0x5000, s5;
	s22 =	ssub.s32 s6, s9;
	s9 =	sadd.s32 s23, s11  }
0xc: {  	s28 =	sadd.s32 s16, s15;
	s15 =	simm.s32 $0x100;
	s16 =	simm.s32 $0x900  }
0xd: {  	s4 =	smax.u32 s22, $0x1;
	s13 =	sor.u32 $0x80, s8;
	s24 =	sshrl.u32 s8, $0x3  }
0xe: {  	s7 =	sadd.s32 s11, s10;
	s9 =	sadd.s32 s14, s9;
	s29 =	sor.u32 $0x100, s28  }
0xf: {  	s10 =	sor.u32 $0x180, s28;
	s14 =	simm.s32 $0x80;
	s25 =	sshrl.u32 s13, $0x3  }
0x10: {  	s5 =	sadd.s32 s12, s24;
	s26 =	sshll.u32 s13, $0x1;
	s9 =	sadd.s32 $0x200, s9  }
0x11: {  	s13 =	sshrl.u32 s29, $0x3;
	s30 =	sshll.u32 s10, $0x1;
	s31 =	sshrl.u32 s10, $0x3  }
0x12: {  	s6 =	sadd.s32 s12, s25;
	s8 =	sadd.s32 s11, s26;
	s10 =	sadd.s32 s13, s12  }
0x13: {  	s11 =	sadd.s32 s30, s11;
	s12 =	sadd.s32 s31, s12;
	s13 =	simm.s32 $0x5  }
.LBB2_1:
0x14: {  	[tilespmem:s3], [sflag:$0x5] =	stream.linear.gather [hbm4b:s5+s3], $0x80, $0x38;
	[tilespmem:$0x1100] =	vst v63  }
0x15: {  	_ =	swait.ge [sflag:s13], $0x80  }
0x16: {  	[sflag:s13] =	ssyncset.done $0x0  }
0x17: {  	[sflag:s13] =	ssyncadd.s32 $0xFFFFFF80  }
0x18: {  	[tilespmem:s15], [sflag:$0x1] =	stream.indirect.gather [hbm4b:s2+s14], $0x10, s3, s14, $0xb8;
	[tilespmem:$0x1100] =	vst v63  }
0x19: {  	_ = 	snop  }
0x1a: {  	[tilespmem:s14], [sflag:$0x5] =	stream.linear.gather [hbm4b:s6+s3], $0x80, $0x38;
	[tilespmem:$0x1100] =	vst v63  }
0x1b: {  	_ =	swait.ge [sflag:s13], $0x80  }
0x1c: {  	[sflag:s13] =	ssyncset.done $0x0  }
0x1d: {  	[sflag:s13] =	ssyncadd.s32 $0xFFFFFF80  }
0x1e: {  	[tilespmem:s16], [sflag:$0x2] =	stream.indirect.gather [hbm4b:s2+s14], $0x10, s14, s14, $0xb8;
	[tilespmem:$0x1100] =	vst v63  }
0x1f: {  	_ =	swait.ge [sflag:s17], $0x800  }
0x20: {  	[sflag:s17] =	ssyncset.done $0x0  }
0x21: {  	[sflag:s17] =	ssyncadd.s32 $0xFFFFF800  }
0x22: {  	[hbm4b:s7+s3] =	stream.linear.scatter [tilespmem:s15], [sflag:$0x3], $0x800, $0x38;
	[tilespmem:$0x1100] =	vst v63  }
0x23: {  	_ =	swait.ge [sflag:s18], $0x800  }
0x24: {  	[sflag:s18] =	ssyncset.done $0x0  }
0x25: {  	[sflag:s18] =	ssyncadd.s32 $0xFFFFF800  }
0x26: {  	[hbm4b:s8+s3] =	stream.linear.scatter [tilespmem:s16], [sflag:$0x4], $0x800, $0x38;
	[tilespmem:$0x1100] =	vst v63  }
0x27: {  	_ =	swait.ge [sflag:s19], $0x800  }
0x28: {  	[sflag:s19] =	ssyncset.done $0x0  }
0x29: {  	s22 =	sadd.s32 $0x0, s10;
	[sflag:s19] =	ssyncadd.s32 $0xFFFFF800  }
0x2a: {  	[tilespmem:s3], [sflag:$0x5] =	stream.linear.gather [hbm4b:s22+s3], $0x80, $0x38;
	[tilespmem:$0x1100] =	vst v63  }
0x2b: {  	_ =	swait.ge [sflag:s13], $0x80  }
0x2c: {  	[sflag:s13] =	ssyncset.done $0x0  }
0x2d: {  	[sflag:s13] =	ssyncadd.s32 $0xFFFFFF80  }
0x2e: {  	[tilespmem:s15], [sflag:$0x1] =	stream.indirect.gather [hbm4b:s2+s14], $0x10, s3, s14, $0xb8;
	[tilespmem:$0x1100] =	vst v63  }
0x2f: {  	_ =	swait.ge [sflag:s20], $0x800  }
0x30: {  	[sflag:s20] =	ssyncset.done $0x0  }
0x31: {  	s31 =	sadd.s32 $0x0, s12;
	[sflag:s20] =	ssyncadd.s32 $0xFFFFF800  }
0x32: {  	[tilespmem:s14], [sflag:$0x5] =	stream.linear.gather [hbm4b:s31+s3], $0x80, $0x38;
	[tilespmem:$0x1100] =	vst v63  }
0x33: {  	_ =	swait.ge [sflag:s13], $0x80  }
0x34: {  	[sflag:s13] =	ssyncset.done $0x0  }
0x35: {  	[sflag:s13] =	ssyncadd.s32 $0xFFFFFF80  }
0x36: {  	[tilespmem:s16], [sflag:$0x2] =	stream.indirect.gather [hbm4b:s2+s14], $0x10, s14, s14, $0xb8;
	[tilespmem:$0x1100] =	vst v63  }
0x37: {  	_ =	swait.ge [sflag:s17], $0x800  }
0x38: {  	[sflag:s17] =	ssyncset.done $0x0  }
0x39: {  	[sflag:s17] =	ssyncadd.s32 $0xFFFFF800  }
0x3a: {  	[hbm4b:s9+s3] =	stream.linear.scatter [tilespmem:s15], [sflag:$0x3], $0x800, $0x38;
	[tilespmem:$0x1100] =	vst v63  }
0x3b: {  	_ =	swait.ge [sflag:s18], $0x800  }
0x3c: {  	s23 =	sadd.s32 $0x200, s9;
	s24 =	sadd.s32 $0x200, s11;
	[sflag:s18] =	ssyncset.done $0x0  }
0x3d: {  	s25 =	smov.u32 s11;
	s22 =	simm.s32 $0x20;
	[sflag:s18] =	ssyncadd.s32 $0xFFFFF800  }
.LBB2_2:
0x3e: {  	[hbm4b:s25+s3] =	stream.linear.scatter [tilespmem:s16], [sflag:$0x4], $0x800, $0x38;
	[tilespmem:$0x1100] =	vst v63  }
0x3f: {  	s26 =	smov.u32 s22;
	s25 =	smov.u32 s24  }
0x40: {  	p0 =	sne.s32 s22, $0x4C0;
	s22 =	sadd.s32 $0x20, s22;
	_ =	swait.ge [sflag:s19], $0x800  }
0x41: {  	[sflag:s19] =	ssyncset.done $0x0  }
0x42: {  	s28 =	sadd.s32 s26, s10;
	[sflag:s19] =	ssyncadd.s32 $0xFFFFF800  }
0x43: {  	[tilespmem:s3], [sflag:$0x5] =	stream.linear.gather [hbm4b:s28+s3], $0x80, $0x38;
	[tilespmem:$0x1100] =	vst v63  }
0x44: {  	_ =	swait.ge [sflag:s13], $0x80  }
0x45: {  	[sflag:s13] =	ssyncset.done $0x0  }
0x46: {  	[sflag:s13] =	ssyncadd.s32 $0xFFFFFF80  }
0x47: {  	[tilespmem:s15], [sflag:$0x1] =	stream.indirect.gather [hbm4b:s2+s14], $0x10, s3, s14, $0xb8;
	[tilespmem:$0x1100] =	vst v63  }
0x48: {  	_ =	swait.ge [sflag:s20], $0x800  }
0x49: {  	[sflag:s20] =	ssyncset.done $0x0  }
0x4a: {  	s26 =	sadd.s32 s26, s12;
	[sflag:s20] =	ssyncadd.s32 $0xFFFFF800  }
0x4b: {  	[tilespmem:s14], [sflag:$0x5] =	stream.linear.gather [hbm4b:s26+s3], $0x80, $0x38;
	[tilespmem:$0x1100] =	vst v63  }
0x4c: {  	_ =	swait.ge [sflag:s13], $0x80  }
0x4d: {  	[sflag:s13] =	ssyncset.done $0x0  }
0x4e: {  	[sflag:s13] =	ssyncadd.s32 $0xFFFFFF80  }
0x4f: {  	[tilespmem:s16], [sflag:$0x2] =	stream.indirect.gather [hbm4b:s2+s14], $0x10, s14, s14, $0xb8;
	[tilespmem:$0x1100] =	vst v63  }
0x50: {  	_ =	swait.ge [sflag:s17], $0x800  }
0x51: {  	[sflag:s17] =	ssyncset.done $0x0  }
.Ltmp0:
0x52: {  	[sflag:s17] =	ssyncadd.s32 $0xFFFFF800;
	(pc) =	sbr.rel @p0 .LBB2_2-.Ltmp0, $4  }
0x53: {  	[hbm4b:s23+s3] =	stream.linear.scatter [tilespmem:s15], [sflag:$0x3], $0x800, $0x38;
	[tilespmem:$0x1100] =	vst v63  }
0x54: {  	_ =	swait.ge [sflag:s18], $0x800  }
0x55: {  	[sflag:s18] =	ssyncset.done $0x0  }
0x56: {  	s24 =	sadd.s32 $0x200, s24;
	s23 =	sadd.s32 $0x200, s23;
	[sflag:s18] =	ssyncadd.s32 $0xFFFFF800  }
0x57: {  	[hbm4b:s25+s3] =	stream.linear.scatter [tilespmem:s16], [sflag:$0x4], $0x800, $0x38;
	[tilespmem:$0x1100] =	vst v63  }
0x58: {  	s21 =	sadd.s32 $0x1, s21  }
0x59: {  	_ =	swait.ge [sflag:s19], $0x800;
	p0 =	sne.s32 s21, s4  }
.Ltmp1:
0x5a: {  	[sflag:s19] =	ssyncset.done $0x0;
	(pc) =	sbr.rel @p0 .LBB2_1-.Ltmp1, $4  }
0x5b: {  	[sflag:s19] =	ssyncadd.s32 $0xFFFFF800  }
0x5c: {  	_ =	swait.ge [sflag:s20], $0x800  }
0x5d: {  	[sflag:s20] =	ssyncset.done $0x0  }
0x5e: {  	[sflag:s20] =	ssyncadd.s32 $0xFFFFF800  }
0x5f: {  	_ =	sfence.sel $0x180000  }
0x60: {  	[bflag:$0x0] =	sbarrier.arrive $0xFFFF  }
0x61: {  	p0 =	sne.s32 s1, $0x0;
	_ =	strace $0x90000047  }
0x62: {  	s0 =	sadd.s32 @!p0 $0x100000, s0;
	[bflag:$0x2] =	sbarrier.arrive $0xFFFF  }
0x63: {  	[sflag:s0] =	ssyncadd.tile.s32 @!p0 $0x1;
	_ =	shalt  }
.Lfunc_end2:
_tile_overlayer_lowered:
.L_overlay_start_2:
0x64: {  	(tag) =	ssettag $0x2  }
0x65: {  	s0 =	rddreg [dreg:$0x0];
	s2 =	stileid.u32  }
0x66: {  	s1 =	rddreg [dreg:$0x1];
	p0 =	sne.s32 s2, $0x0  }
0x67: {  	s3 =	rddreg [dreg:$0x2];
	[bflag:$0x3] =	sbarrier.arrive $0xFFFF;
	s2 =	simm.s32 @!p0 $0x1C05  }
0x68: {  	[timem:s3], [sflag:s2] =	dma.local @!p0 [hbm:s0], s1  }
0x69: {  	s0 =	simm.s32 @!p0 $0x5  }
0x6a: {  	_ =	swait.ge @!p0 [sflag:s0], s1  }
0x6b: {  	s1 =	ssub.s32 @!p0 $0x0, s1;
	[sflag:s0] =	ssyncset.done @!p0 $0x0  }
0x6c: {  	[sflag:s0] =	ssyncadd.s32 @!p0 s1  }
0x6d: {  	[bflag:$0x3] =	sbarrier.arrive $0xFFFF  }
0x6e: {  	_ =	shalt  }

</sc_bundles>
